<compile_context>
chip_gen: v7x
topology: tpu7x:2x2x1
jax: 0.10.2.dev20260603
libtpu: 0.0.44.dev20260713+nightly
codegen_flags: <defaults>
</compile_context>

<pallas_src>
import functools

import jax
import jax.numpy as jnp
from jax import lax
from jax.experimental import pallas as pl
from jax.experimental.pallas import tpu as pltpu
from jax.experimental.pallas import tpu_sc as plsc

DP = 64
L = 16
CH = 80
NC = 2
NS = 16
NW = NC * NS


def _link_pred_kernel(E, n):
    ew = E // NW
    nst = ew // CH

    mesh = plsc.VectorSubcoreMesh(core_axis_name="c", subcore_axis_name="s")

    @functools.partial(
        pl.kernel,
        mesh=mesh,
        out_type=jax.ShapeDtypeStruct((E,), jnp.float32),
        scratch_types=[
            pltpu.VMEM((ew,), jnp.int32),
            pltpu.VMEM((ew,), jnp.int32),
            pltpu.VMEM((CH, DP), jnp.int32),
            pltpu.VMEM((CH, DP), jnp.int32),
            pltpu.VMEM((CH, DP), jnp.int32),
            pltpu.VMEM((CH, DP), jnp.int32),
            pltpu.VMEM((CH, DP), jnp.int32),
            pltpu.VMEM((CH, DP), jnp.int32),
            pltpu.VMEM((CH, DP), jnp.int32),
            pltpu.VMEM((CH, DP), jnp.int32),
            pltpu.VMEM((ew,), jnp.float32),
            pltpu.SemaphoreType.DMA,
            pltpu.SemaphoreType.DMA,
            pltpu.SemaphoreType.DMA,
            pltpu.SemaphoreType.DMA,
            pltpu.VMEM_SHARED((n, DP), jnp.int32),
        ],
        compiler_params=pltpu.CompilerParams(
            use_tc_tiling_on_sc=False,
            needs_layout_passes=False,
        ),
    )
    def k(x_hbm, src_hbm, dst_hbm, out_hbm,
          sidx, didx, sra, dra, srb, drb, src_, drc, srd, drd, outv,
          sema, semb, semc, semd, xs):
        wid = lax.axis_index("s") * NC + lax.axis_index("c")
        sub = lax.axis_index("s")
        base = wid * ew

        @pl.when(sub == 0)
        def _():
            pltpu.sync_copy(x_hbm, xs)

        pltpu.sync_copy(src_hbm.at[pl.ds(base, ew)], sidx)
        pltpu.sync_copy(dst_hbm.at[pl.ds(base, ew)], didx)
        plsc.subcore_barrier()

        def fire(i, sbuf, dbuf, sem):
            pltpu.async_copy(xs.at[sidx.at[pl.ds(i * CH, CH)]], sbuf, sem)
            pltpu.async_copy(xs.at[didx.at[pl.ds(i * CH, CH)]], dbuf, sem)

        def drain(sbuf, dbuf, sem):
            pltpu.make_async_copy(
                xs.at[sidx.at[pl.ds(0, CH)]], sbuf, sem).wait()
            pltpu.make_async_copy(
                xs.at[didx.at[pl.ds(0, CH)]], dbuf, sem).wait()

        iota = lax.iota(jnp.int32, L)

        def compute(i, sbuf, dbuf):
            def group(g, carry2):
                row_idx = iota + g * L

                def feat4(p4, accs):
                    a0, a1 = accs
                    bacc = jnp.zeros((2 * L,), jnp.bfloat16)
                    for dp in range(4):
                        p = p4 * 4 + dp
                        col_idx = (iota + p) & (DP - 1)
                        si = plsc.load_gather(sbuf, [row_idx, col_idx])
                        di = plsc.load_gather(dbuf, [row_idx, col_idx])
                        bacc = bacc + (plsc.bitcast(si, jnp.bfloat16)
                                       * plsc.bitcast(di, jnp.bfloat16))
                    p0, p1 = plsc.unpack(bacc,
                                         format=plsc.PackFormat.INTERLEAVED)
                    return a0 + p0, a1 + p1

                z = jnp.zeros((L,), jnp.float32)
                a0, a1 = lax.fori_loop(0, DP // 4, feat4, (z, z), unroll=4)
                outv[pl.ds(i * CH + g * L, L)] = a0 + a1
                return carry2

            lax.fori_loop(0, CH // L, group, 0)

        ring = ((sra, dra, sema), (srb, drb, semb),
                (src_, drc, semc), (srd, drd, semd))
        nb = len(ring)
        for j in range(nb):
            fire(j, *ring[j])

        def step4(i4, carry):
            a = i4 * nb
            for j, (sb, db, sm) in enumerate(ring):
                drain(sb, db, sm)
                compute(a + j, sb, db)
                nxt = a + j + nb

                @pl.when(nxt < nst)
                def _(nxt=nxt, sb=sb, db=db, sm=sm):
                    fire(nxt, sb, db, sm)
            return carry

        lax.fori_loop(0, nst // nb, step4, 0)
        for j in range(nst % nb):
            i = (nst // nb) * nb + j
            sb, db, sm = ring[j]
            drain(sb, db, sm)
            compute(i, sb, db)

        pltpu.sync_copy(outv, out_hbm.at[pl.ds(base, ew)])

    return k


def kernel(x, edge_index):
    n, d = x.shape
    E = edge_index.shape[1]
    ei = edge_index.astype(jnp.int32)
    xb = x.astype(jnp.bfloat16).reshape(n, d // 2, 2)
    xi = lax.bitcast_convert_type(xb, jnp.int32)
    return _link_pred_kernel(E, n)(xi, ei[0], ei[1])

# --- scband reference (transcript-rebuilt; emitter-appended) ---
"""Pipeline reference for scband-link-predictor-3229815407220 (READ-ONLY COPY).

The authoritative reference and input builder live on the scoring server;
editing this copy changes nothing except your own understanding.
"""

import jax, jax.numpy as jnp
import numpy as np


def setup_inputs(seed: int = 0) -> dict:
    key = jax.random.key(seed)
    k1, k2 = jax.random.split(key)
    x = jax.random.normal(k1, (10000, 128), dtype=jnp.float32)
    edge_index = jax.random.randint(k2, (2, 320000), 0, 10000, dtype=jnp.int64)
    return {"x": x, "edge_index": edge_index}


def reference(x, edge_index):
    # LinkPredictor.decode: dot-product link scoring
    # simil = embeddings[edge_label_index[0]] * embeddings[edge_label_index[1]]
    # return simil.sum(dim=-1)
    src = jnp.take(x, edge_index[0], axis=0)
    dst = jnp.take(x, edge_index[1], axis=0)
    simil = src * dst
    return simil.sum(axis=-1)

if __name__ == "__main__":
    import jax
    _d = setup_inputs()
    print(jax.jit(kernel)(*tuple(_d.values())))

</pallas_src>

<mosaic_0001>
#map = affine_map<(d0, d1) -> (0, 0)>
#map1 = affine_map<(d0, d1) -> (0)>
module attributes {stable_mosaic.version = 14 : i64} {
  func.func @k(%arg0: i32, %arg1: i32, %arg2: memref<10000x64xi32, #tpu.memory_space<hbm>>, %arg3: memref<320000xi32, #tpu.memory_space<hbm>>, %arg4: memref<320000xi32, #tpu.memory_space<hbm>>, %arg5: memref<320000xf32, #tpu.memory_space<hbm>>, %arg6: memref<10000xi32, #tpu.memory_space<vmem>>, %arg7: memref<10000xi32, #tpu.memory_space<vmem>>, %arg8: memref<80x64xi32, #tpu.memory_space<vmem>>, %arg9: memref<80x64xi32, #tpu.memory_space<vmem>>, %arg10: memref<80x64xi32, #tpu.memory_space<vmem>>, %arg11: memref<80x64xi32, #tpu.memory_space<vmem>>, %arg12: memref<80x64xi32, #tpu.memory_space<vmem>>, %arg13: memref<80x64xi32, #tpu.memory_space<vmem>>, %arg14: memref<80x64xi32, #tpu.memory_space<vmem>>, %arg15: memref<80x64xi32, #tpu.memory_space<vmem>>, %arg16: memref<10000xf32, #tpu.memory_space<vmem>>, %arg17: memref<!tpu.dma_semaphore, #tpu.memory_space<semaphore_mem>>, %arg18: memref<!tpu.dma_semaphore, #tpu.memory_space<semaphore_mem>>, %arg19: memref<!tpu.dma_semaphore, #tpu.memory_space<semaphore_mem>>, %arg20: memref<!tpu.dma_semaphore, #tpu.memory_space<semaphore_mem>>, %arg21: memref<10000x64xi32, #tpu.memory_space<vmem_shared>>) attributes {dimension_semantics = [#tpu.dimension_semantics<core_parallel>, #tpu.dimension_semantics<subcore_parallel>], iteration_bounds = array<i64: 2, 16>, scalar_prefetch = 0 : i64, scratch_operands = 16 : i64, tpu.core_type = #tpu.core_type<sc_vector_subcore>, window_params = [{transform_indices = #map}, {transform_indices = #map1}, {transform_indices = #map1}, {transform_indices = #map1}]} {
    %mul3A = arith.constant 2 : i32
    %mul3A_0 = arith.muli %arg1, %mul3A : i32
    %add3A = arith.addi %mul3A_0, %arg0 : i32
    %mul3A_1 = arith.constant 10000 : i32
    %mul3A_2 = arith.muli %add3A, %mul3A_1 : i32
    %eq3A = arith.constant 0 : i32
    %eq3A_3 = arith.cmpi eq, %arg1, %eq3A : i32
    %convert_element_type3A = arith.extui %eq3A_3 : i1 to i32
    %cond3A = arith.constant 0 : i32
    %cond3A_4 = arith.cmpi ne, %convert_element_type3A, %cond3A : i32
    scf.if %cond3A_4 {
      "tpu.region"() ({
        %run_scoped3A = tpu.sem_alloc : memref<!tpu.dma_semaphore, #tpu.memory_space<semaphore_mem>>
        tpu.enqueue_dma source(%arg2 : memref<10000x64xi32, #tpu.memory_space<hbm>>) target(%arg21 : memref<10000x64xi32, #tpu.memory_space<vmem_shared>>) target_semaphore(%run_scoped3A : memref<!tpu.dma_semaphore, #tpu.memory_space<semaphore_mem>>)
        tpu.wait_dma2 semaphore(%run_scoped3A : memref<!tpu.dma_semaphore, #tpu.memory_space<semaphore_mem>>) src(%arg2 : memref<10000x64xi32, #tpu.memory_space<hbm>>) dst(%arg21 : memref<10000x64xi32, #tpu.memory_space<vmem_shared>>)
        tpu.yield
      }) : () -> ()
    } else {
    }
    "tpu.region"() ({
      %run_scoped3A = tpu.sem_alloc : memref<!tpu.dma_semaphore, #tpu.memory_space<semaphore_mem>>
      %dma_start3A_64 = tpu.memref_slice %arg3[%mul3A_2] : memref<320000xi32, #tpu.memory_space<hbm>> -> memref<10000xi32, #tpu.memory_space<hbm>>
      %dma_start3A_65 = tpu.memref_slice %arg3[%mul3A_2] : memref<320000xi32, #tpu.memory_space<hbm>> -> memref<10000xi32, #tpu.memory_space<hbm>>
      tpu.enqueue_dma source(%dma_start3A_65 : memref<10000xi32, #tpu.memory_space<hbm>>) target(%arg6 : memref<10000xi32, #tpu.memory_space<vmem>>) target_semaphore(%run_scoped3A : memref<!tpu.dma_semaphore, #tpu.memory_space<semaphore_mem>>)
      %dma_wait3A_66 = tpu.memref_slice %arg3[%mul3A_2] : memref<320000xi32, #tpu.memory_space<hbm>> -> memref<10000xi32, #tpu.memory_space<hbm>>
      %dma_wait3A_67 = tpu.memref_slice %arg3[%mul3A_2] : memref<320000xi32, #tpu.memory_space<hbm>> -> memref<10000xi32, #tpu.memory_space<hbm>>
      tpu.wait_dma2 semaphore(%run_scoped3A : memref<!tpu.dma_semaphore, #tpu.memory_space<semaphore_mem>>) src(%dma_wait3A_67 : memref<10000xi32, #tpu.memory_space<hbm>>) dst(%arg6 : memref<10000xi32, #tpu.memory_space<vmem>>)
      tpu.yield
    }) : () -> ()
    "tpu.region"() ({
      %run_scoped3A = tpu.sem_alloc : memref<!tpu.dma_semaphore, #tpu.memory_space<semaphore_mem>>
      %dma_start3A_64 = tpu.memref_slice %arg4[%mul3A_2] : memref<320000xi32, #tpu.memory_space<hbm>> -> memref<10000xi32, #tpu.memory_space<hbm>>
      %dma_start3A_65 = tpu.memref_slice %arg4[%mul3A_2] : memref<320000xi32, #tpu.memory_space<hbm>> -> memref<10000xi32, #tpu.memory_space<hbm>>
      tpu.enqueue_dma source(%dma_start3A_65 : memref<10000xi32, #tpu.memory_space<hbm>>) target(%arg7 : memref<10000xi32, #tpu.memory_space<vmem>>) target_semaphore(%run_scoped3A : memref<!tpu.dma_semaphore, #tpu.memory_space<semaphore_mem>>)
      %dma_wait3A_66 = tpu.memref_slice %arg4[%mul3A_2] : memref<320000xi32, #tpu.memory_space<hbm>> -> memref<10000xi32, #tpu.memory_space<hbm>>
      %dma_wait3A_67 = tpu.memref_slice %arg4[%mul3A_2] : memref<320000xi32, #tpu.memory_space<hbm>> -> memref<10000xi32, #tpu.memory_space<hbm>>
      tpu.wait_dma2 semaphore(%run_scoped3A : memref<!tpu.dma_semaphore, #tpu.memory_space<semaphore_mem>>) src(%dma_wait3A_67 : memref<10000xi32, #tpu.memory_space<hbm>>) dst(%arg7 : memref<10000xi32, #tpu.memory_space<vmem>>)
      tpu.yield
    }) : () -> ()
    %barrier3A = arith.constant 0 : index
    tpu.barrier barrier_id(%barrier3A)
    %iota3A = tpu.iota {dimensions = array<i32: 0>} : vector<16xi32>
    %dma_start3A = arith.constant 0 : i32
    %dma_start3A_5 = tpu.memref_slice %arg6[%dma_start3A] : memref<10000xi32, #tpu.memory_space<vmem>> -> memref<80xi32, #tpu.memory_space<vmem>>
    %dma_start3A_6 = arith.constant 0 : i32
    %dma_start3A_7 = arith.constant 0 : i32
    %dma_start3A_8 = tpu.memref_slice %arg21[%dma_start3A_6, %dma_start3A_7] : memref<10000x64xi32, #tpu.memory_space<vmem_shared>> -> memref<10000x64xi32, #tpu.memory_space<vmem_shared>>
    tpu.enqueue_indirect_dma source(%dma_start3A_8 : memref<10000x64xi32, #tpu.memory_space<vmem_shared>>) target(%arg8 : memref<80x64xi32, #tpu.memory_space<vmem>>) offsets(%dma_start3A_5 : memref<80xi32, #tpu.memory_space<vmem>>) semaphore(%arg17 : memref<!tpu.dma_semaphore, #tpu.memory_space<semaphore_mem>>)
    %dma_start3A_9 = arith.constant 0 : i32
    %dma_start3A_10 = tpu.memref_slice %arg7[%dma_start3A_9] : memref<10000xi32, #tpu.memory_space<vmem>> -> memref<80xi32, #tpu.memory_space<vmem>>
    %dma_start3A_11 = arith.constant 0 : i32
    %dma_start3A_12 = arith.constant 0 : i32
    %dma_start3A_13 = tpu.memref_slice %arg21[%dma_start3A_11, %dma_start3A_12] : memref<10000x64xi32, #tpu.memory_space<vmem_shared>> -> memref<10000x64xi32, #tpu.memory_space<vmem_shared>>
    tpu.enqueue_indirect_dma source(%dma_start3A_13 : memref<10000x64xi32, #tpu.memory_space<vmem_shared>>) target(%arg9 : memref<80x64xi32, #tpu.memory_space<vmem>>) offsets(%dma_start3A_10 : memref<80xi32, #tpu.memory_space<vmem>>) semaphore(%arg17 : memref<!tpu.dma_semaphore, #tpu.memory_space<semaphore_mem>>)
    %dma_start3A_14 = arith.constant 80 : i32
    %dma_start3A_15 = tpu.memref_slice %arg6[%dma_start3A_14] : memref<10000xi32, #tpu.memory_space<vmem>> -> memref<80xi32, #tpu.memory_space<vmem>>
    %dma_start3A_16 = arith.constant 0 : i32
    %dma_start3A_17 = arith.constant 0 : i32
    %dma_start3A_18 = tpu.memref_slice %arg21[%dma_start3A_16, %dma_start3A_17] : memref<10000x64xi32, #tpu.memory_space<vmem_shared>> -> memref<10000x64xi32, #tpu.memory_space<vmem_shared>>
    tpu.enqueue_indirect_dma source(%dma_start3A_18 : memref<10000x64xi32, #tpu.memory_space<vmem_shared>>) target(%arg10 : memref<80x64xi32, #tpu.memory_space<vmem>>) offsets(%dma_start3A_15 : memref<80xi32, #tpu.memory_space<vmem>>) semaphore(%arg18 : memref<!tpu.dma_semaphore, #tpu.memory_space<semaphore_mem>>)
    %dma_start3A_19 = arith.constant 80 : i32
    %dma_start3A_20 = tpu.memref_slice %arg7[%dma_start3A_19] : memref<10000xi32, #tpu.memory_space<vmem>> -> memref<80xi32, #tpu.memory_space<vmem>>
    %dma_start3A_21 = arith.constant 0 : i32
    %dma_start3A_22 = arith.constant 0 : i32
    %dma_start3A_23 = tpu.memref_slice %arg21[%dma_start3A_21, %dma_start3A_22] : memref<10000x64xi32, #tpu.memory_space<vmem_shared>> -> memref<10000x64xi32, #tpu.memory_space<vmem_shared>>
    tpu.enqueue_indirect_dma source(%dma_start3A_23 : memref<10000x64xi32, #tpu.memory_space<vmem_shared>>) target(%arg11 : memref<80x64xi32, #tpu.memory_space<vmem>>) offsets(%dma_start3A_20 : memref<80xi32, #tpu.memory_space<vmem>>) semaphore(%arg18 : memref<!tpu.dma_semaphore, #tpu.memory_space<semaphore_mem>>)
    %dma_start3A_24 = arith.constant 160 : i32
    %dma_start3A_25 = tpu.memref_slice %arg6[%dma_start3A_24] : memref<10000xi32, #tpu.memory_space<vmem>> -> memref<80xi32, #tpu.memory_space<vmem>>
    %dma_start3A_26 = arith.constant 0 : i32
    %dma_start3A_27 = arith.constant 0 : i32
    %dma_start3A_28 = tpu.memref_slice %arg21[%dma_start3A_26, %dma_start3A_27] : memref<10000x64xi32, #tpu.memory_space<vmem_shared>> -> memref<10000x64xi32, #tpu.memory_space<vmem_shared>>
    tpu.enqueue_indirect_dma source(%dma_start3A_28 : memref<10000x64xi32, #tpu.memory_space<vmem_shared>>) target(%arg12 : memref<80x64xi32, #tpu.memory_space<vmem>>) offsets(%dma_start3A_25 : memref<80xi32, #tpu.memory_space<vmem>>) semaphore(%arg19 : memref<!tpu.dma_semaphore, #tpu.memory_space<semaphore_mem>>)
    %dma_start3A_29 = arith.constant 160 : i32
    %dma_start3A_30 = tpu.memref_slice %arg7[%dma_start3A_29] : memref<10000xi32, #tpu.memory_space<vmem>> -> memref<80xi32, #tpu.memory_space<vmem>>
    %dma_start3A_31 = arith.constant 0 : i32
    %dma_start3A_32 = arith.constant 0 : i32
    %dma_start3A_33 = tpu.memref_slice %arg21[%dma_start3A_31, %dma_start3A_32] : memref<10000x64xi32, #tpu.memory_space<vmem_shared>> -> memref<10000x64xi32, #tpu.memory_space<vmem_shared>>
    tpu.enqueue_indirect_dma source(%dma_start3A_33 : memref<10000x64xi32, #tpu.memory_space<vmem_shared>>) target(%arg13 : memref<80x64xi32, #tpu.memory_space<vmem>>) offsets(%dma_start3A_30 : memref<80xi32, #tpu.memory_space<vmem>>) semaphore(%arg19 : memref<!tpu.dma_semaphore, #tpu.memory_space<semaphore_mem>>)
    %dma_start3A_34 = arith.constant 240 : i32
    %dma_start3A_35 = tpu.memref_slice %arg6[%dma_start3A_34] : memref<10000xi32, #tpu.memory_space<vmem>> -> memref<80xi32, #tpu.memory_space<vmem>>
    %dma_start3A_36 = arith.constant 0 : i32
    %dma_start3A_37 = arith.constant 0 : i32
    %dma_start3A_38 = tpu.memref_slice %arg21[%dma_start3A_36, %dma_start3A_37] : memref<10000x64xi32, #tpu.memory_space<vmem_shared>> -> memref<10000x64xi32, #tpu.memory_space<vmem_shared>>
    tpu.enqueue_indirect_dma source(%dma_start3A_38 : memref<10000x64xi32, #tpu.memory_space<vmem_shared>>) target(%arg14 : memref<80x64xi32, #tpu.memory_space<vmem>>) offsets(%dma_start3A_35 : memref<80xi32, #tpu.memory_space<vmem>>) semaphore(%arg20 : memref<!tpu.dma_semaphore, #tpu.memory_space<semaphore_mem>>)
    %dma_start3A_39 = arith.constant 240 : i32
    %dma_start3A_40 = tpu.memref_slice %arg7[%dma_start3A_39] : memref<10000xi32, #tpu.memory_space<vmem>> -> memref<80xi32, #tpu.memory_space<vmem>>
    %dma_start3A_41 = arith.constant 0 : i32
    %dma_start3A_42 = arith.constant 0 : i32
    %dma_start3A_43 = tpu.memref_slice %arg21[%dma_start3A_41, %dma_start3A_42] : memref<10000x64xi32, #tpu.memory_space<vmem_shared>> -> memref<10000x64xi32, #tpu.memory_space<vmem_shared>>
    tpu.enqueue_indirect_dma source(%dma_start3A_43 : memref<10000x64xi32, #tpu.memory_space<vmem_shared>>) target(%arg15 : memref<80x64xi32, #tpu.memory_space<vmem>>) offsets(%dma_start3A_40 : memref<80xi32, #tpu.memory_space<vmem>>) semaphore(%arg20 : memref<!tpu.dma_semaphore, #tpu.memory_space<semaphore_mem>>)
    %scan3A = arith.constant 0 : i32
    %scan3A_44 = arith.constant 0 : i32
    %scan3A_45 = arith.constant 31 : i32
    %scan3A_46 = arith.addi %scan3A_44, %scan3A_45 : i32
    %scan3A_47 = arith.constant 1 : i32
    scf.for %scan3A_64 = %scan3A_44 to %scan3A_46 step %scan3A_47  : i32 {
      %mul3A_65 = arith.constant 4 : i32
      %mul3A_66 = arith.muli %scan3A_64, %mul3A_65 : i32
      %dma_wait3A_67 = arith.constant 0 : i32
      %dma_wait3A_68 = tpu.memref_slice %arg6[%dma_wait3A_67] : memref<10000xi32, #tpu.memory_space<vmem>> -> memref<80xi32, #tpu.memory_space<vmem>>
      %dma_wait3A_69 = arith.constant 0 : i32
      %dma_wait3A_70 = arith.constant 0 : i32
      %dma_wait3A_71 = tpu.memref_slice %arg21[%dma_wait3A_69, %dma_wait3A_70] : memref<10000x64xi32, #tpu.memory_space<vmem_shared>> -> memref<10000x64xi32, #tpu.memory_space<vmem_shared>>
      tpu.wait_indirect_dma semaphore(%arg17 : memref<!tpu.dma_semaphore, #tpu.memory_space<semaphore_mem>>) src(%dma_wait3A_71 : memref<10000x64xi32, #tpu.memory_space<vmem_shared>>) dst(%arg8 : memref<80x64xi32, #tpu.memory_space<vmem>>)
      %dma_wait3A_72 = arith.constant 0 : i32
      %dma_wait3A_73 = tpu.memref_slice %arg7[%dma_wait3A_72] : memref<10000xi32, #tpu.memory_space<vmem>> -> memref<80xi32, #tpu.memory_space<vmem>>
      %dma_wait3A_74 = arith.constant 0 : i32
      %dma_wait3A_75 = arith.constant 0 : i32
      %dma_wait3A_76 = tpu.memref_slice %arg21[%dma_wait3A_74, %dma_wait3A_75] : memref<10000x64xi32, #tpu.memory_space<vmem_shared>> -> memref<10000x64xi32, #tpu.memory_space<vmem_shared>>
      tpu.wait_indirect_dma semaphore(%arg17 : memref<!tpu.dma_semaphore, #tpu.memory_space<semaphore_mem>>) src(%dma_wait3A_76 : memref<10000x64xi32, #tpu.memory_space<vmem_shared>>) dst(%arg9 : memref<80x64xi32, #tpu.memory_space<vmem>>)
      %add3A_77 = arith.constant 0 : i32
      %add3A_78 = arith.addi %mul3A_66, %add3A_77 : i32
      %scan3A_79 = arith.constant 0 : i32
      %scan3A_80 = arith.constant 0 : i32
      %scan3A_81 = arith.constant 5 : i32
      %scan3A_82 = arith.addi %scan3A_80, %scan3A_81 : i32
      %scan3A_83 = arith.constant 1 : i32
      scf.for %scan3A_174 = %scan3A_80 to %scan3A_82 step %scan3A_83  : i32 {
        %mul3A_175 = arith.constant 16 : i32
        %mul3A_176 = arith.muli %scan3A_174, %mul3A_175 : i32
        %add3A_177 = vector.broadcast %mul3A_176 : i32 to vector<16xi32>
        %add3A_178 = arith.addi %iota3A, %add3A_177 : vector<16xi32>
        %broadcast_in_dim3A = arith.constant 0.000000e+00 : f32
        %broadcast_in_dim3A_179 = vector.broadcast %broadcast_in_dim3A : f32 to vector<16xf32>
        %scan3A_180 = arith.constant 0 : i32
        %scan3A_181 = arith.constant 16 : i32
        %scan3A_182 = arith.addi %scan3A_180, %scan3A_181 : i32
        %scan3A_183 = arith.constant 4 : i32
        %scan3A_184:2 = scf.for %scan3A_193 = %scan3A_180 to %scan3A_182 step %scan3A_183 iter_args(%scan3A_194 = %broadcast_in_dim3A_179, %scan3A_195 = %broadcast_in_dim3A_179) -> (vector<16xf32>, vector<16xf32>)  : i32 {
          %broadcast_in_dim3A_196 = arith.constant 0.000000e+00 : bf16
          %broadcast_in_dim3A_197 = vector.broadcast %broadcast_in_dim3A_196 : bf16 to vector<32xbf16>
          %mul3A_198 = arith.constant 4 : i32
          %mul3A_199 = arith.muli %scan3A_193, %mul3A_198 : i32
          %add3A_200 = arith.constant 0 : i32
          %add3A_201 = arith.addi %mul3A_199, %add3A_200 : i32
          %add3A_202 = vector.broadcast %add3A_201 : i32 to vector<16xi32>
          %add3A_203 = arith.addi %iota3A, %add3A_202 : vector<16xi32>
          %and3A = arith.constant 63 : i32
          %and3A_204 = vector.broadcast %and3A : i32 to vector<16xi32>
          %and3A_205 = arith.andi %add3A_203, %and3A_204 : vector<16xi32>
          %gather3A = tpu.vector_load_idx %arg8[%add3A_178, %and3A_205] : memref<80x64xi32, #tpu.memory_space<vmem>>[vector<16xi32>, vector<16xi32>], vector<16xi32>,
          %gather3A_206 = tpu.vector_load_idx %arg9[%add3A_178, %and3A_205] : memref<80x64xi32, #tpu.memory_space<vmem>>[vector<16xi32>, vector<16xi32>], vector<16xi32>,
          %bitcast3A = vector.bitcast %gather3A : vector<16xi32> to vector<32xbf16>
          %bitcast3A_207 = vector.bitcast %gather3A_206 : vector<16xi32> to vector<32xbf16>
          %mul3A_208 = arith.mulf %bitcast3A, %bitcast3A_207 : vector<32xbf16>
          %add3A_209 = arith.addf %broadcast_in_dim3A_197, %mul3A_208 : vector<32xbf16>
          %mul3A_210 = arith.constant 4 : i32
          %mul3A_211 = arith.muli %scan3A_193, %mul3A_210 : i32
          %add3A_212 = arith.constant 1 : i32
          %add3A_213 = arith.addi %mul3A_211, %add3A_212 : i32
          %add3A_214 = vector.broadcast %add3A_213 : i32 to vector<16xi32>
          %add3A_215 = arith.addi %iota3A, %add3A_214 : vector<16xi32>
          %and3A_216 = arith.constant 63 : i32
          %and3A_217 = vector.broadcast %and3A_216 : i32 to vector<16xi32>
          %and3A_218 = arith.andi %add3A_215, %and3A_217 : vector<16xi32>
          %gather3A_219 = tpu.vector_load_idx %arg8[%add3A_178, %and3A_218] : memref<80x64xi32, #tpu.memory_space<vmem>>[vector<16xi32>, vector<16xi32>], vector<16xi32>,
          %gather3A_220 = tpu.vector_load_idx %arg9[%add3A_178, %and3A_218] : memref<80x64xi32, #tpu.memory_space<vmem>>[vector<16xi32>, vector<16xi32>], vector<16xi32>,
          %bitcast3A_221 = vector.bitcast %gather3A_219 : vector<16xi32> to vector<32xbf16>
          %bitcast3A_222 = vector.bitcast %gather3A_220 : vector<16xi32> to vector<32xbf16>
          %mul3A_223 = arith.mulf %bitcast3A_221, %bitcast3A_222 : vector<32xbf16>
          %add3A_224 = arith.addf %add3A_209, %mul3A_223 : vector<32xbf16>
          %mul3A_225 = arith.constant 4 : i32
          %mul3A_226 = arith.muli %scan3A_193, %mul3A_225 : i32
          %add3A_227 = arith.constant 2 : i32
          %add3A_228 = arith.addi %mul3A_226, %add3A_227 : i32
          %add3A_229 = vector.broadcast %add3A_228 : i32 to vector<16xi32>
          %add3A_230 = arith.addi %iota3A, %add3A_229 : vector<16xi32>
          %and3A_231 = arith.constant 63 : i32
          %and3A_232 = vector.broadcast %and3A_231 : i32 to vector<16xi32>
          %and3A_233 = arith.andi %add3A_230, %and3A_232 : vector<16xi32>
          %gather3A_234 = tpu.vector_load_idx %arg8[%add3A_178, %and3A_233] : memref<80x64xi32, #tpu.memory_space<vmem>>[vector<16xi32>, vector<16xi32>], vector<16xi32>,
          %gather3A_235 = tpu.vector_load_idx %arg9[%add3A_178, %and3A_233] : memref<80x64xi32, #tpu.memory_space<vmem>>[vector<16xi32>, vector<16xi32>], vector<16xi32>,
          %bitcast3A_236 = vector.bitcast %gather3A_234 : vector<16xi32> to vector<32xbf16>
          %bitcast3A_237 = vector.bitcast %gather3A_235 : vector<16xi32> to vector<32xbf16>
          %mul3A_238 = arith.mulf %bitcast3A_236, %bitcast3A_237 : vector<32xbf16>
          %add3A_239 = arith.addf %add3A_224, %mul3A_238 : vector<32xbf16>
          %mul3A_240 = arith.constant 4 : i32
          %mul3A_241 = arith.muli %scan3A_193, %mul3A_240 : i32
          %add3A_242 = arith.constant 3 : i32
          %add3A_243 = arith.addi %mul3A_241, %add3A_242 : i32
          %add3A_244 = vector.broadcast %add3A_243 : i32 to vector<16xi32>
          %add3A_245 = arith.addi %iota3A, %add3A_244 : vector<16xi32>
          %and3A_246 = arith.constant 63 : i32
          %and3A_247 = vector.broadcast %and3A_246 : i32 to vector<16xi32>
          %and3A_248 = arith.andi %add3A_245, %and3A_247 : vector<16xi32>
          %gather3A_249 = tpu.vector_load_idx %arg8[%add3A_178, %and3A_248] : memref<80x64xi32, #tpu.memory_space<vmem>>[vector<16xi32>, vector<16xi32>], vector<16xi32>,
          %gather3A_250 = tpu.vector_load_idx %arg9[%add3A_178, %and3A_248] : memref<80x64xi32, #tpu.memory_space<vmem>>[vector<16xi32>, vector<16xi32>], vector<16xi32>,
          %bitcast3A_251 = vector.bitcast %gather3A_249 : vector<16xi32> to vector<32xbf16>
          %bitcast3A_252 = vector.bitcast %gather3A_250 : vector<16xi32> to vector<32xbf16>
          %mul3A_253 = arith.mulf %bitcast3A_251, %bitcast3A_252 : vector<32xbf16>
          %add3A_254 = arith.addf %add3A_239, %mul3A_253 : vector<32xbf16>
          %unpack3A = tpu.unpack_subelements %add3A_254, 0 {pack_format = #tpu.pack_format<interleaved>} : vector<32xbf16> -> vector<16xf32>
          %unpack3A_255 = tpu.unpack_subelements %add3A_254, 1 {pack_format = #tpu.pack_format<interleaved>} : vector<32xbf16> -> vector<16xf32>
          %add3A_256 = arith.addf %scan3A_194, %unpack3A : vector<16xf32>
          %add3A_257 = arith.addf %scan3A_195, %unpack3A_255 : vector<16xf32>
          %scan3A_258 = arith.constant 1 : i32
          %scan3A_259 = arith.addi %scan3A_193, %scan3A_258 : i32
          %broadcast_in_dim3A_260 = arith.constant 0.000000e+00 : bf16
          %broadcast_in_dim3A_261 = vector.broadcast %broadcast_in_dim3A_260 : bf16 to vector<32xbf16>
          %mul3A_262 = arith.constant 4 : i32
          %mul3A_263 = arith.muli %scan3A_259, %mul3A_262 : i32
          %add3A_264 = arith.constant 0 : i32
          %add3A_265 = arith.addi %mul3A_263, %add3A_264 : i32
          %add3A_266 = vector.broadcast %add3A_265 : i32 to vector<16xi32>
          %add3A_267 = arith.addi %iota3A, %add3A_266 : vector<16xi32>
          %and3A_268 = arith.constant 63 : i32
          %and3A_269 = vector.broadcast %and3A_268 : i32 to vector<16xi32>
          %and3A_270 = arith.andi %add3A_267, %and3A_269 : vector<16xi32>
          %gather3A_271 = tpu.vector_load_idx %arg8[%add3A_178, %and3A_270] : memref<80x64xi32, #tpu.memory_space<vmem>>[vector<16xi32>, vector<16xi32>], vector<16xi32>,
          %gather3A_272 = tpu.vector_load_idx %arg9[%add3A_178, %and3A_270] : memref<80x64xi32, #tpu.memory_space<vmem>>[vector<16xi32>, vector<16xi32>], vector<16xi32>,
          %bitcast3A_273 = vector.bitcast %gather3A_271 : vector<16xi32> to vector<32xbf16>
          %bitcast3A_274 = vector.bitcast %gather3A_272 : vector<16xi32> to vector<32xbf16>
          %mul3A_275 = arith.mulf %bitcast3A_273, %bitcast3A_274 : vector<32xbf16>
          %add3A_276 = arith.addf %broadcast_in_dim3A_261, %mul3A_275 : vector<32xbf16>
          %mul3A_277 = arith.constant 4 : i32
          %mul3A_278 = arith.muli %scan3A_259, %mul3A_277 : i32
          %add3A_279 = arith.constant 1 : i32
          %add3A_280 = arith.addi %mul3A_278, %add3A_279 : i32
          %add3A_281 = vector.broadcast %add3A_280 : i32 to vector<16xi32>
          %add3A_282 = arith.addi %iota3A, %add3A_281 : vector<16xi32>
          %and3A_283 = arith.constant 63 : i32
          %and3A_284 = vector.broadcast %and3A_283 : i32 to vector<16xi32>
          %and3A_285 = arith.andi %add3A_282, %and3A_284 : vector<16xi32>
          %gather3A_286 = tpu.vector_load_idx %arg8[%add3A_178, %and3A_285] : memref<80x64xi32, #tpu.memory_space<vmem>>[vector<16xi32>, vector<16xi32>], vector<16xi32>,
          %gather3A_287 = tpu.vector_load_idx %arg9[%add3A_178, %and3A_285] : memref<80x64xi32, #tpu.memory_space<vmem>>[vector<16xi32>, vector<16xi32>], vector<16xi32>,
          %bitcast3A_288 = vector.bitcast %gather3A_286 : vector<16xi32> to vector<32xbf16>
          %bitcast3A_289 = vector.bitcast %gather3A_287 : vector<16xi32> to vector<32xbf16>
          %mul3A_290 = arith.mulf %bitcast3A_288, %bitcast3A_289 : vector<32xbf16>
          %add3A_291 = arith.addf %add3A_276, %mul3A_290 : vector<32xbf16>
          %mul3A_292 = arith.constant 4 : i32
          %mul3A_293 = arith.muli %scan3A_259, %mul3A_292 : i32
          %add3A_294 = arith.constant 2 : i32
          %add3A_295 = arith.addi %mul3A_293, %add3A_294 : i32
          %add3A_296 = vector.broadcast %add3A_295 : i32 to vector<16xi32>
          %add3A_297 = arith.addi %iota3A, %add3A_296 : vector<16xi32>
          %and3A_298 = arith.constant 63 : i32
          %and3A_299 = vector.broadcast %and3A_298 : i32 to vector<16xi32>
          %and3A_300 = arith.andi %add3A_297, %and3A_299 : vector<16xi32>
          %gather3A_301 = tpu.vector_load_idx %arg8[%add3A_178, %and3A_300] : memref<80x64xi32, #tpu.memory_space<vmem>>[vector<16xi32>, vector<16xi32>], vector<16xi32>,
          %gather3A_302 = tpu.vector_load_idx %arg9[%add3A_178, %and3A_300] : memref<80x64xi32, #tpu.memory_space<vmem>>[vector<16xi32>, vector<16xi32>], vector<16xi32>,
          %bitcast3A_303 = vector.bitcast %gather3A_301 : vector<16xi32> to vector<32xbf16>
          %bitcast3A_304 = vector.bitcast %gather3A_302 : vector<16xi32> to vector<32xbf16>
          %mul3A_305 = arith.mulf %bitcast3A_303, %bitcast3A_304 : vector<32xbf16>
          %add3A_306 = arith.addf %add3A_291, %mul3A_305 : vector<32xbf16>
          %mul3A_307 = arith.constant 4 : i32
          %mul3A_308 = arith.muli %scan3A_259, %mul3A_307 : i32
          %add3A_309 = arith.constant 3 : i32
          %add3A_310 = arith.addi %mul3A_308, %add3A_309 : i32
          %add3A_311 = vector.broadcast %add3A_310 : i32 to vector<16xi32>
          %add3A_312 = arith.addi %iota3A, %add3A_311 : vector<16xi32>
          %and3A_313 = arith.constant 63 : i32
          %and3A_314 = vector.broadcast %and3A_313 : i32 to vector<16xi32>
          %and3A_315 = arith.andi %add3A_312, %and3A_314 : vector<16xi32>
          %gather3A_316 = tpu.vector_load_idx %arg8[%add3A_178, %and3A_315] : memref<80x64xi32, #tpu.memory_space<vmem>>[vector<16xi32>, vector<16xi32>], vector<16xi32>,
          %gather3A_317 = tpu.vector_load_idx %arg9[%add3A_178, %and3A_315] : memref<80x64xi32, #tpu.memory_space<vmem>>[vector<16xi32>, vector<16xi32>], vector<16xi32>,
          %bitcast3A_318 = vector.bitcast %gather3A_316 : vector<16xi32> to vector<32xbf16>
          %bitcast3A_319 = vector.bitcast %gather3A_317 : vector<16xi32> to vector<32xbf16>
          %mul3A_320 = arith.mulf %bitcast3A_318, %bitcast3A_319 : vector<32xbf16>
          %add3A_321 = arith.addf %add3A_306, %mul3A_320 : vector<32xbf16>
          %unpack3A_322 = tpu.unpack_subelements %add3A_321, 0 {pack_format = #tpu.pack_format<interleaved>} : vector<32xbf16> -> vector<16xf32>
          %unpack3A_323 = tpu.unpack_subelements %add3A_321, 1 {pack_format = #tpu.pack_format<interleaved>} : vector<32xbf16> -> vector<16xf32>
          %add3A_324 = arith.addf %add3A_256, %unpack3A_322 : vector<16xf32>
          %add3A_325 = arith.addf %add3A_257, %unpack3A_323 : vector<16xf32>
          %scan3A_326 = arith.constant 2 : i32
          %scan3A_327 = arith.addi %scan3A_193, %scan3A_326 : i32
          %broadcast_in_dim3A_328 = arith.constant 0.000000e+00 : bf16
          %broadcast_in_dim3A_329 = vector.broadcast %broadcast_in_dim3A_328 : bf16 to vector<32xbf16>
          %mul3A_330 = arith.constant 4 : i32
          %mul3A_331 = arith.muli %scan3A_327, %mul3A_330 : i32
          %add3A_332 = arith.constant 0 : i32
          %add3A_333 = arith.addi %mul3A_331, %add3A_332 : i32
          %add3A_334 = vector.broadcast %add3A_333 : i32 to vector<16xi32>
          %add3A_335 = arith.addi %iota3A, %add3A_334 : vector<16xi32>
          %and3A_336 = arith.constant 63 : i32
          %and3A_337 = vector.broadcast %and3A_336 : i32 to vector<16xi32>
          %and3A_338 = arith.andi %add3A_335, %and3A_337 : vector<16xi32>
          %gather3A_339 = tpu.vector_load_idx %arg8[%add3A_178, %and3A_338] : memref<80x64xi32, #tpu.memory_space<vmem>>[vector<16xi32>, vector<16xi32>], vector<16xi32>,
          %gather3A_340 = tpu.vector_load_idx %arg9[%add3A_178, %and3A_338] : memref<80x64xi32, #tpu.memory_space<vmem>>[vector<16xi32>, vector<16xi32>], vector<16xi32>,
          %bitcast3A_341 = vector.bitcast %gather3A_339 : vector<16xi32> to vector<32xbf16>
          %bitcast3A_342 = vector.bitcast %gather3A_340 : vector<16xi32> to vector<32xbf16>
          %mul3A_343 = arith.mulf %bitcast3A_341, %bitcast3A_342 : vector<32xbf16>
          %add3A_344 = arith.addf %broadcast_in_dim3A_329, %mul3A_343 : vector<32xbf16>
          %mul3A_345 = arith.constant 4 : i32
          %mul3A_346 = arith.muli %scan3A_327, %mul3A_345 : i32
          %add3A_347 = arith.constant 1 : i32
          %add3A_348 = arith.addi %mul3A_346, %add3A_347 : i32
          %add3A_349 = vector.broadcast %add3A_348 : i32 to vector<16xi32>
          %add3A_350 = arith.addi %iota3A, %add3A_349 : vector<16xi32>
          %and3A_351 = arith.constant 63 : i32
          %and3A_352 = vector.broadcast %and3A_351 : i32 to vector<16xi32>
          %and3A_353 = arith.andi %add3A_350, %and3A_352 : vector<16xi32>
          %gather3A_354 = tpu.vector_load_idx %arg8[%add3A_178, %and3A_353] : memref<80x64xi32, #tpu.memory_space<vmem>>[vector<16xi32>, vector<16xi32>], vector<16xi32>,
          %gather3A_355 = tpu.vector_load_idx %arg9[%add3A_178, %and3A_353] : memref<80x64xi32, #tpu.memory_space<vmem>>[vector<16xi32>, vector<16xi32>], vector<16xi32>,
          %bitcast3A_356 = vector.bitcast %gather3A_354 : vector<16xi32> to vector<32xbf16>
          %bitcast3A_357 = vector.bitcast %gather3A_355 : vector<16xi32> to vector<32xbf16>
          %mul3A_358 = arith.mulf %bitcast3A_356, %bitcast3A_357 : vector<32xbf16>
          %add3A_359 = arith.addf %add3A_344, %mul3A_358 : vector<32xbf16>
          %mul3A_360 = arith.constant 4 : i32
          %mul3A_361 = arith.muli %scan3A_327, %mul3A_360 : i32
          %add3A_362 = arith.constant 2 : i32
          %add3A_363 = arith.addi %mul3A_361, %add3A_362 : i32
          %add3A_364 = vector.broadcast %add3A_363 : i32 to vector<16xi32>
          %add3A_365 = arith.addi %iota3A, %add3A_364 : vector<16xi32>
          %and3A_366 = arith.constant 63 : i32
          %and3A_367 = vector.broadcast %and3A_366 : i32 to vector<16xi32>
          %and3A_368 = arith.andi %add3A_365, %and3A_367 : vector<16xi32>
          %gather3A_369 = tpu.vector_load_idx %arg8[%add3A_178, %and3A_368] : memref<80x64xi32, #tpu.memory_space<vmem>>[vector<16xi32>, vector<16xi32>], vector<16xi32>,
          %gather3A_370 = tpu.vector_load_idx %arg9[%add3A_178, %and3A_368] : memref<80x64xi32, #tpu.memory_space<vmem>>[vector<16xi32>, vector<16xi32>], vector<16xi32>,
          %bitcast3A_371 = vector.bitcast %gather3A_369 : vector<16xi32> to vector<32xbf16>
          %bitcast3A_372 = vector.bitcast %gather3A_370 : vector<16xi32> to vector<32xbf16>
          %mul3A_373 = arith.mulf %bitcast3A_371, %bitcast3A_372 : vector<32xbf16>
          %add3A_374 = arith.addf %add3A_359, %mul3A_373 : vector<32xbf16>
          %mul3A_375 = arith.constant 4 : i32
          %mul3A_376 = arith.muli %scan3A_327, %mul3A_375 : i32
          %add3A_377 = arith.constant 3 : i32
          %add3A_378 = arith.addi %mul3A_376, %add3A_377 : i32
          %add3A_379 = vector.broadcast %add3A_378 : i32 to vector<16xi32>
          %add3A_380 = arith.addi %iota3A, %add3A_379 : vector<16xi32>
          %and3A_381 = arith.constant 63 : i32
          %and3A_382 = vector.broadcast %and3A_381 : i32 to vector<16xi32>
          %and3A_383 = arith.andi %add3A_380, %and3A_382 : vector<16xi32>
          %gather3A_384 = tpu.vector_load_idx %arg8[%add3A_178, %and3A_383] : memref<80x64xi32, #tpu.memory_space<vmem>>[vector<16xi32>, vector<16xi32>], vector<16xi32>,
          %gather3A_385 = tpu.vector_load_idx %arg9[%add3A_178, %and3A_383] : memref<80x64xi32, #tpu.memory_space<vmem>>[vector<16xi32>, vector<16xi32>], vector<16xi32>,
          %bitcast3A_386 = vector.bitcast %gather3A_384 : vector<16xi32> to vector<32xbf16>
          %bitcast3A_387 = vector.bitcast %gather3A_385 : vector<16xi32> to vector<32xbf16>
          %mul3A_388 = arith.mulf %bitcast3A_386, %bitcast3A_387 : vector<32xbf16>
          %add3A_389 = arith.addf %add3A_374, %mul3A_388 : vector<32xbf16>
          %unpack3A_390 = tpu.unpack_subelements %add3A_389, 0 {pack_format = #tpu.pack_format<interleaved>} : vector<32xbf16> -> vector<16xf32>
          %unpack3A_391 = tpu.unpack_subelements %add3A_389, 1 {pack_format = #tpu.pack_format<interleaved>} : vector<32xbf16> -> vector<16xf32>
          %add3A_392 = arith.addf %add3A_324, %unpack3A_390 : vector<16xf32>
          %add3A_393 = arith.addf %add3A_325, %unpack3A_391 : vector<16xf32>
          %scan3A_394 = arith.constant 3 : i32
          %scan3A_395 = arith.addi %scan3A_193, %scan3A_394 : i32
          %broadcast_in_dim3A_396 = arith.constant 0.000000e+00 : bf16
          %broadcast_in_dim3A_397 = vector.broadcast %broadcast_in_dim3A_396 : bf16 to vector<32xbf16>
          %mul3A_398 = arith.constant 4 : i32
          %mul3A_399 = arith.muli %scan3A_395, %mul3A_398 : i32
          %add3A_400 = arith.constant 0 : i32
          %add3A_401 = arith.addi %mul3A_399, %add3A_400 : i32
          %add3A_402 = vector.broadcast %add3A_401 : i32 to vector<16xi32>
          %add3A_403 = arith.addi %iota3A, %add3A_402 : vector<16xi32>
          %and3A_404 = arith.constant 63 : i32
          %and3A_405 = vector.broadcast %and3A_404 : i32 to vector<16xi32>
          %and3A_406 = arith.andi %add3A_403, %and3A_405 : vector<16xi32>
          %gather3A_407 = tpu.vector_load_idx %arg8[%add3A_178, %and3A_406] : memref<80x64xi32, #tpu.memory_space<vmem>>[vector<16xi32>, vector<16xi32>], vector<16xi32>,
          %gather3A_408 = tpu.vector_load_idx %arg9[%add3A_178, %and3A_406] : memref<80x64xi32, #tpu.memory_space<vmem>>[vector<16xi32>, vector<16xi32>], vector<16xi32>,
          %bitcast3A_409 = vector.bitcast %gather3A_407 : vector<16xi32> to vector<32xbf16>
          %bitcast3A_410 = vector.bitcast %gather3A_408 : vector<16xi32> to vector<32xbf16>
          %mul3A_411 = arith.mulf %bitcast3A_409, %bitcast3A_410 : vector<32xbf16>
          %add3A_412 = arith.addf %broadcast_in_dim3A_397, %mul3A_411 : vector<32xbf16>
          %mul3A_413 = arith.constant 4 : i32
          %mul3A_414 = arith.muli %scan3A_395, %mul3A_413 : i32
          %add3A_415 = arith.constant 1 : i32
          %add3A_416 = arith.addi %mul3A_414, %add3A_415 : i32
          %add3A_417 = vector.broadcast %add3A_416 : i32 to vector<16xi32>
          %add3A_418 = arith.addi %iota3A, %add3A_417 : vector<16xi32>
          %and3A_419 = arith.constant 63 : i32
          %and3A_420 = vector.broadcast %and3A_419 : i32 to vector<16xi32>
          %and3A_421 = arith.andi %add3A_418, %and3A_420 : vector<16xi32>
          %gather3A_422 = tpu.vector_load_idx %arg8[%add3A_178, %and3A_421] : memref<80x64xi32, #tpu.memory_space<vmem>>[vector<16xi32>, vector<16xi32>], vector<16xi32>,
          %gather3A_423 = tpu.vector_load_idx %arg9[%add3A_178, %and3A_421] : memref<80x64xi32, #tpu.memory_space<vmem>>[vector<16xi32>, vector<16xi32>], vector<16xi32>,
          %bitcast3A_424 = vector.bitcast %gather3A_422 : vector<16xi32> to vector<32xbf16>
          %bitcast3A_425 = vector.bitcast %gather3A_423 : vector<16xi32> to vector<32xbf16>
          %mul3A_426 = arith.mulf %bitcast3A_424, %bitcast3A_425 : vector<32xbf16>
          %add3A_427 = arith.addf %add3A_412, %mul3A_426 : vector<32xbf16>
          %mul3A_428 = arith.constant 4 : i32
          %mul3A_429 = arith.muli %scan3A_395, %mul3A_428 : i32
          %add3A_430 = arith.constant 2 : i32
          %add3A_431 = arith.addi %mul3A_429, %add3A_430 : i32
          %add3A_432 = vector.broadcast %add3A_431 : i32 to vector<16xi32>
          %add3A_433 = arith.addi %iota3A, %add3A_432 : vector<16xi32>
          %and3A_434 = arith.constant 63 : i32
          %and3A_435 = vector.broadcast %and3A_434 : i32 to vector<16xi32>
          %and3A_436 = arith.andi %add3A_433, %and3A_435 : vector<16xi32>
          %gather3A_437 = tpu.vector_load_idx %arg8[%add3A_178, %and3A_436] : memref<80x64xi32, #tpu.memory_space<vmem>>[vector<16xi32>, vector<16xi32>], vector<16xi32>,
          %gather3A_438 = tpu.vector_load_idx %arg9[%add3A_178, %and3A_436] : memref<80x64xi32, #tpu.memory_space<vmem>>[vector<16xi32>, vector<16xi32>], vector<16xi32>,
          %bitcast3A_439 = vector.bitcast %gather3A_437 : vector<16xi32> to vector<32xbf16>
          %bitcast3A_440 = vector.bitcast %gather3A_438 : vector<16xi32> to vector<32xbf16>
          %mul3A_441 = arith.mulf %bitcast3A_439, %bitcast3A_440 : vector<32xbf16>
          %add3A_442 = arith.addf %add3A_427, %mul3A_441 : vector<32xbf16>
          %mul3A_443 = arith.constant 4 : i32
          %mul3A_444 = arith.muli %scan3A_395, %mul3A_443 : i32
          %add3A_445 = arith.constant 3 : i32
          %add3A_446 = arith.addi %mul3A_444, %add3A_445 : i32
          %add3A_447 = vector.broadcast %add3A_446 : i32 to vector<16xi32>
          %add3A_448 = arith.addi %iota3A, %add3A_447 : vector<16xi32>
          %and3A_449 = arith.constant 63 : i32
          %and3A_450 = vector.broadcast %and3A_449 : i32 to vector<16xi32>
          %and3A_451 = arith.andi %add3A_448, %and3A_450 : vector<16xi32>
          %gather3A_452 = tpu.vector_load_idx %arg8[%add3A_178, %and3A_451] : memref<80x64xi32, #tpu.memory_space<vmem>>[vector<16xi32>, vector<16xi32>], vector<16xi32>,
          %gather3A_453 = tpu.vector_load_idx %arg9[%add3A_178, %and3A_451] : memref<80x64xi32, #tpu.memory_space<vmem>>[vector<16xi32>, vector<16xi32>], vector<16xi32>,
          %bitcast3A_454 = vector.bitcast %gather3A_452 : vector<16xi32> to vector<32xbf16>
          %bitcast3A_455 = vector.bitcast %gather3A_453 : vector<16xi32> to vector<32xbf16>
          %mul3A_456 = arith.mulf %bitcast3A_454, %bitcast3A_455 : vector<32xbf16>
          %add3A_457 = arith.addf %add3A_442, %mul3A_456 : vector<32xbf16>
          %unpack3A_458 = tpu.unpack_subelements %add3A_457, 0 {pack_format = #tpu.pack_format<interleaved>} : vector<32xbf16> -> vector<16xf32>
          %unpack3A_459 = tpu.unpack_subelements %add3A_457, 1 {pack_format = #tpu.pack_format<interleaved>} : vector<32xbf16> -> vector<16xf32>
          %add3A_460 = arith.addf %add3A_392, %unpack3A_458 : vector<16xf32>
          %add3A_461 = arith.addf %add3A_393, %unpack3A_459 : vector<16xf32>
          scf.yield %add3A_460, %add3A_461 : vector<16xf32>, vector<16xf32>
        }
        %scan3A_185 = arith.constant 16 : i32
        %add3A_186 = arith.addf %scan3A_184#0, %scan3A_184#1 : vector<16xf32>
        %mul3A_187 = arith.constant 80 : i32
        %mul3A_188 = arith.muli %add3A_78, %mul3A_187 : i32
        %mul3A_189 = arith.constant 16 : i32
        %mul3A_190 = arith.muli %scan3A_174, %mul3A_189 : i32
        %add3A_191 = arith.addi %mul3A_188, %mul3A_190 : i32
        %swap3A = arith.index_cast %add3A_191 : i32 to index
        %swap3A_192 = tpu.vector_load %arg16[%swap3A] {strides = array<i32>} : memref<10000xf32, #tpu.memory_space<vmem>>, vector<16xf32>,
        tpu.vector_store %arg16[%swap3A], %add3A_186 {strides = array<i32>} : memref<10000xf32, #tpu.memory_space<vmem>>, vector<16xf32>,
      }
      %scan3A_84 = arith.constant 5 : i32
      %add3A_85 = arith.constant 0 : i32
      %add3A_86 = arith.addi %mul3A_66, %add3A_85 : i32
      %add3A_87 = arith.constant 4 : i32
      %add3A_88 = arith.addi %add3A_86, %add3A_87 : i32
      %lt3A = arith.constant 125 : i32
      %lt3A_89 = arith.cmpi slt, %add3A_88, %lt3A : i32
      %convert_element_type3A_90 = arith.extui %lt3A_89 : i1 to i32
      %cond3A_91 = arith.constant 0 : i32
      %cond3A_92 = arith.cmpi ne, %convert_element_type3A_90, %cond3A_91 : i32
      scf.if %cond3A_92 {
        %mul3A_174 = arith.constant 80 : i32
        %mul3A_175 = arith.muli %add3A_88, %mul3A_174 : i32
        %dma_start3A_176 = tpu.memref_slice %arg6[%mul3A_175] : memref<10000xi32, #tpu.memory_space<vmem>> -> memref<80xi32, #tpu.memory_space<vmem>>
        %dma_start3A_177 = arith.constant 0 : i32
        %dma_start3A_178 = arith.constant 0 : i32
        %dma_start3A_179 = tpu.memref_slice %arg21[%dma_start3A_177, %dma_start3A_178] : memref<10000x64xi32, #tpu.memory_space<vmem_shared>> -> memref<10000x64xi32, #tpu.memory_space<vmem_shared>>
        tpu.enqueue_indirect_dma source(%dma_start3A_179 : memref<10000x64xi32, #tpu.memory_space<vmem_shared>>) target(%arg8 : memref<80x64xi32, #tpu.memory_space<vmem>>) offsets(%dma_start3A_176 : memref<80xi32, #tpu.memory_space<vmem>>) semaphore(%arg17 : memref<!tpu.dma_semaphore, #tpu.memory_space<semaphore_mem>>)
        %mul3A_180 = arith.constant 80 : i32
        %mul3A_181 = arith.muli %add3A_88, %mul3A_180 : i32
        %dma_start3A_182 = tpu.memref_slice %arg7[%mul3A_181] : memref<10000xi32, #tpu.memory_space<vmem>> -> memref<80xi32, #tpu.memory_space<vmem>>
        %dma_start3A_183 = arith.constant 0 : i32
        %dma_start3A_184 = arith.constant 0 : i32
        %dma_start3A_185 = tpu.memref_slice %arg21[%dma_start3A_183, %dma_start3A_184] : memref<10000x64xi32, #tpu.memory_space<vmem_shared>> -> memref<10000x64xi32, #tpu.memory_space<vmem_shared>>
        tpu.enqueue_indirect_dma source(%dma_start3A_185 : memref<10000x64xi32, #tpu.memory_space<vmem_shared>>) target(%arg9 : memref<80x64xi32, #tpu.memory_space<vmem>>) offsets(%dma_start3A_182 : memref<80xi32, #tpu.memory_space<vmem>>) semaphore(%arg17 : memref<!tpu.dma_semaphore, #tpu.memory_space<semaphore_mem>>)
      } else {
      }
      %dma_wait3A_93 = arith.constant 0 : i32
      %dma_wait3A_94 = tpu.memref_slice %arg6[%dma_wait3A_93] : memref<10000xi32, #tpu.memory_space<vmem>> -> memref<80xi32, #tpu.memory_space<vmem>>
      %dma_wait3A_95 = arith.constant 0 : i32
      %dma_wait3A_96 = arith.constant 0 : i32
      %dma_wait3A_97 = tpu.memref_slice %arg21[%dma_wait3A_95, %dma_wait3A_96] : memref<10000x64xi32, #tpu.memory_space<vmem_shared>> -> memref<10000x64xi32, #tpu.memory_space<vmem_shared>>
      tpu.wait_indirect_dma semaphore(%arg18 : memref<!tpu.dma_semaphore, #tpu.memory_space<semaphore_mem>>) src(%dma_wait3A_97 : memref<10000x64xi32, #tpu.memory_space<vmem_shared>>) dst(%arg10 : memref<80x64xi32, #tpu.memory_space<vmem>>)
      %dma_wait3A_98 = arith.constant 0 : i32
      %dma_wait3A_99 = tpu.memref_slice %arg7[%dma_wait3A_98] : memref<10000xi32, #tpu.memory_space<vmem>> -> memref<80xi32, #tpu.memory_space<vmem>>
      %dma_wait3A_100 = arith.constant 0 : i32
      %dma_wait3A_101 = arith.constant 0 : i32
      %dma_wait3A_102 = tpu.memref_slice %arg21[%dma_wait3A_100, %dma_wait3A_101] : memref<10000x64xi32, #tpu.memory_space<vmem_shared>> -> memref<10000x64xi32, #tpu.memory_space<vmem_shared>>
      tpu.wait_indirect_dma semaphore(%arg18 : memref<!tpu.dma_semaphore, #tpu.memory_space<semaphore_mem>>) src(%dma_wait3A_102 : memref<10000x64xi32, #tpu.memory_space<vmem_shared>>) dst(%arg11 : memref<80x64xi32, #tpu.memory_space<vmem>>)
      %add3A_103 = arith.constant 1 : i32
      %add3A_104 = arith.addi %mul3A_66, %add3A_103 : i32
      %scan3A_105 = arith.constant 0 : i32
      %scan3A_106 = arith.constant 0 : i32
      %scan3A_107 = arith.constant 5 : i32
      %scan3A_108 = arith.addi %scan3A_106, %scan3A_107 : i32
      %scan3A_109 = arith.constant 1 : i32
      scf.for %scan3A_174 = %scan3A_106 to %scan3A_108 step %scan3A_109  : i32 {
        %mul3A_175 = arith.constant 16 : i32
        %mul3A_176 = arith.muli %scan3A_174, %mul3A_175 : i32
        %add3A_177 = vector.broadcast %mul3A_176 : i32 to vector<16xi32>
        %add3A_178 = arith.addi %iota3A, %add3A_177 : vector<16xi32>
        %broadcast_in_dim3A = arith.constant 0.000000e+00 : f32
        %broadcast_in_dim3A_179 = vector.broadcast %broadcast_in_dim3A : f32 to vector<16xf32>
        %scan3A_180 = arith.constant 0 : i32
        %scan3A_181 = arith.constant 16 : i32
        %scan3A_182 = arith.addi %scan3A_180, %scan3A_181 : i32
        %scan3A_183 = arith.constant 4 : i32
        %scan3A_184:2 = scf.for %scan3A_193 = %scan3A_180 to %scan3A_182 step %scan3A_183 iter_args(%scan3A_194 = %broadcast_in_dim3A_179, %scan3A_195 = %broadcast_in_dim3A_179) -> (vector<16xf32>, vector<16xf32>)  : i32 {
          %broadcast_in_dim3A_196 = arith.constant 0.000000e+00 : bf16
          %broadcast_in_dim3A_197 = vector.broadcast %broadcast_in_dim3A_196 : bf16 to vector<32xbf16>
          %mul3A_198 = arith.constant 4 : i32
          %mul3A_199 = arith.muli %scan3A_193, %mul3A_198 : i32
          %add3A_200 = arith.constant 0 : i32
          %add3A_201 = arith.addi %mul3A_199, %add3A_200 : i32
          %add3A_202 = vector.broadcast %add3A_201 : i32 to vector<16xi32>
          %add3A_203 = arith.addi %iota3A, %add3A_202 : vector<16xi32>
          %and3A = arith.constant 63 : i32
          %and3A_204 = vector.broadcast %and3A : i32 to vector<16xi32>
          %and3A_205 = arith.andi %add3A_203, %and3A_204 : vector<16xi32>
          %gather3A = tpu.vector_load_idx %arg10[%add3A_178, %and3A_205] : memref<80x64xi32, #tpu.memory_space<vmem>>[vector<16xi32>, vector<16xi32>], vector<16xi32>,
          %gather3A_206 = tpu.vector_load_idx %arg11[%add3A_178, %and3A_205] : memref<80x64xi32, #tpu.memory_space<vmem>>[vector<16xi32>, vector<16xi32>], vector<16xi32>,
          %bitcast3A = vector.bitcast %gather3A : vector<16xi32> to vector<32xbf16>
          %bitcast3A_207 = vector.bitcast %gather3A_206 : vector<16xi32> to vector<32xbf16>
          %mul3A_208 = arith.mulf %bitcast3A, %bitcast3A_207 : vector<32xbf16>
          %add3A_209 = arith.addf %broadcast_in_dim3A_197, %mul3A_208 : vector<32xbf16>
          %mul3A_210 = arith.constant 4 : i32
          %mul3A_211 = arith.muli %scan3A_193, %mul3A_210 : i32
          %add3A_212 = arith.constant 1 : i32
          %add3A_213 = arith.addi %mul3A_211, %add3A_212 : i32
          %add3A_214 = vector.broadcast %add3A_213 : i32 to vector<16xi32>
          %add3A_215 = arith.addi %iota3A, %add3A_214 : vector<16xi32>
          %and3A_216 = arith.constant 63 : i32
          %and3A_217 = vector.broadcast %and3A_216 : i32 to vector<16xi32>
          %and3A_218 = arith.andi %add3A_215, %and3A_217 : vector<16xi32>
          %gather3A_219 = tpu.vector_load_idx %arg10[%add3A_178, %and3A_218] : memref<80x64xi32, #tpu.memory_space<vmem>>[vector<16xi32>, vector<16xi32>], vector<16xi32>,
          %gather3A_220 = tpu.vector_load_idx %arg11[%add3A_178, %and3A_218] : memref<80x64xi32, #tpu.memory_space<vmem>>[vector<16xi32>, vector<16xi32>], vector<16xi32>,
          %bitcast3A_221 = vector.bitcast %gather3A_219 : vector<16xi32> to vector<32xbf16>
          %bitcast3A_222 = vector.bitcast %gather3A_220 : vector<16xi32> to vector<32xbf16>
          %mul3A_223 = arith.mulf %bitcast3A_221, %bitcast3A_222 : vector<32xbf16>
          %add3A_224 = arith.addf %add3A_209, %mul3A_223 : vector<32xbf16>
          %mul3A_225 = arith.constant 4 : i32
          %mul3A_226 = arith.muli %scan3A_193, %mul3A_225 : i32
          %add3A_227 = arith.constant 2 : i32
          %add3A_228 = arith.addi %mul3A_226, %add3A_227 : i32
          %add3A_229 = vector.broadcast %add3A_228 : i32 to vector<16xi32>
          %add3A_230 = arith.addi %iota3A, %add3A_229 : vector<16xi32>
          %and3A_231 = arith.constant 63 : i32
          %and3A_232 = vector.broadcast %and3A_231 : i32 to vector<16xi32>
          %and3A_233 = arith.andi %add3A_230, %and3A_232 : vector<16xi32>
          %gather3A_234 = tpu.vector_load_idx %arg10[%add3A_178, %and3A_233] : memref<80x64xi32, #tpu.memory_space<vmem>>[vector<16xi32>, vector<16xi32>], vector<16xi32>,
          %gather3A_235 = tpu.vector_load_idx %arg11[%add3A_178, %and3A_233] : memref<80x64xi32, #tpu.memory_space<vmem>>[vector<16xi32>, vector<16xi32>], vector<16xi32>,
          %bitcast3A_236 = vector.bitcast %gather3A_234 : vector<16xi32> to vector<32xbf16>
          %bitcast3A_237 = vector.bitcast %gather3A_235 : vector<16xi32> to vector<32xbf16>
          %mul3A_238 = arith.mulf %bitcast3A_236, %bitcast3A_237 : vector<32xbf16>
          %add3A_239 = arith.addf %add3A_224, %mul3A_238 : vector<32xbf16>
          %mul3A_240 = arith.constant 4 : i32
          %mul3A_241 = arith.muli %scan3A_193, %mul3A_240 : i32
          %add3A_242 = arith.constant 3 : i32
          %add3A_243 = arith.addi %mul3A_241, %add3A_242 : i32
          %add3A_244 = vector.broadcast %add3A_243 : i32 to vector<16xi32>
          %add3A_245 = arith.addi %iota3A, %add3A_244 : vector<16xi32>
          %and3A_246 = arith.constant 63 : i32
          %and3A_247 = vector.broadcast %and3A_246 : i32 to vector<16xi32>
          %and3A_248 = arith.andi %add3A_245, %and3A_247 : vector<16xi32>
          %gather3A_249 = tpu.vector_load_idx %arg10[%add3A_178, %and3A_248] : memref<80x64xi32, #tpu.memory_space<vmem>>[vector<16xi32>, vector<16xi32>], vector<16xi32>,
          %gather3A_250 = tpu.vector_load_idx %arg11[%add3A_178, %and3A_248] : memref<80x64xi32, #tpu.memory_space<vmem>>[vector<16xi32>, vector<16xi32>], vector<16xi32>,
          %bitcast3A_251 = vector.bitcast %gather3A_249 : vector<16xi32> to vector<32xbf16>
          %bitcast3A_252 = vector.bitcast %gather3A_250 : vector<16xi32> to vector<32xbf16>
          %mul3A_253 = arith.mulf %bitcast3A_251, %bitcast3A_252 : vector<32xbf16>
          %add3A_254 = arith.addf %add3A_239, %mul3A_253 : vector<32xbf16>
          %unpack3A = tpu.unpack_subelements %add3A_254, 0 {pack_format = #tpu.pack_format<interleaved>} : vector<32xbf16> -> vector<16xf32>
          %unpack3A_255 = tpu.unpack_subelements %add3A_254, 1 {pack_format = #tpu.pack_format<interleaved>} : vector<32xbf16> -> vector<16xf32>
          %add3A_256 = arith.addf %scan3A_194, %unpack3A : vector<16xf32>
          %add3A_257 = arith.addf %scan3A_195, %unpack3A_255 : vector<16xf32>
          %scan3A_258 = arith.constant 1 : i32
          %scan3A_259 = arith.addi %scan3A_193, %scan3A_258 : i32
          %broadcast_in_dim3A_260 = arith.constant 0.000000e+00 : bf16
          %broadcast_in_dim3A_261 = vector.broadcast %broadcast_in_dim3A_260 : bf16 to vector<32xbf16>
          %mul3A_262 = arith.constant 4 : i32
          %mul3A_263 = arith.muli %scan3A_259, %mul3A_262 : i32
          %add3A_264 = arith.constant 0 : i32
          %add3A_265 = arith.addi %mul3A_263, %add3A_264 : i32
          %add3A_266 = vector.broadcast %add3A_265 : i32 to vector<16xi32>
          %add3A_267 = arith.addi %iota3A, %add3A_266 : vector<16xi32>
          %and3A_268 = arith.constant 63 : i32
          %and3A_269 = vector.broadcast %and3A_268 : i32 to vector<16xi32>
          %and3A_270 = arith.andi %add3A_267, %and3A_269 : vector<16xi32>
          %gather3A_271 = tpu.vector_load_idx %arg10[%add3A_178, %and3A_270] : memref<80x64xi32, #tpu.memory_space<vmem>>[vector<16xi32>, vector<16xi32>], vector<16xi32>,
          %gather3A_272 = tpu.vector_load_idx %arg11[%add3A_178, %and3A_270] : memref<80x64xi32, #tpu.memory_space<vmem>>[vector<16xi32>, vector<16xi32>], vector<16xi32>,
          %bitcast3A_273 = vector.bitcast %gather3A_271 : vector<16xi32> to vector<32xbf16>
          %bitcast3A_274 = vector.bitcast %gather3A_272 : vector<16xi32> to vector<32xbf16>
          %mul3A_275 = arith.mulf %bitcast3A_273, %bitcast3A_274 : vector<32xbf16>
          %add3A_276 = arith.addf %broadcast_in_dim3A_261, %mul3A_275 : vector<32xbf16>
          %mul3A_277 = arith.constant 4 : i32
          %mul3A_278 = arith.muli %scan3A_259, %mul3A_277 : i32
          %add3A_279 = arith.constant 1 : i32
          %add3A_280 = arith.addi %mul3A_278, %add3A_279 : i32
          %add3A_281 = vector.broadcast %add3A_280 : i32 to vector<16xi32>
          %add3A_282 = arith.addi %iota3A, %add3A_281 : vector<16xi32>
          %and3A_283 = arith.constant 63 : i32
          %and3A_284 = vector.broadcast %and3A_283 : i32 to vector<16xi32>
          %and3A_285 = arith.andi %add3A_282, %and3A_284 : vector<16xi32>
          %gather3A_286 = tpu.vector_load_idx %arg10[%add3A_178, %and3A_285] : memref<80x64xi32, #tpu.memory_space<vmem>>[vector<16xi32>, vector<16xi32>], vector<16xi32>,
          %gather3A_287 = tpu.vector_load_idx %arg11[%add3A_178, %and3A_285] : memref<80x64xi32, #tpu.memory_space<vmem>>[vector<16xi32>, vector<16xi32>], vector<16xi32>,
          %bitcast3A_288 = vector.bitcast %gather3A_286 : vector<16xi32> to vector<32xbf16>
          %bitcast3A_289 = vector.bitcast %gather3A_287 : vector<16xi32> to vector<32xbf16>
          %mul3A_290 = arith.mulf %bitcast3A_288, %bitcast3A_289 : vector<32xbf16>
          %add3A_291 = arith.addf %add3A_276, %mul3A_290 : vector<32xbf16>
          %mul3A_292 = arith.constant 4 : i32
          %mul3A_293 = arith.muli %scan3A_259, %mul3A_292 : i32
          %add3A_294 = arith.constant 2 : i32
          %add3A_295 = arith.addi %mul3A_293, %add3A_294 : i32
          %add3A_296 = vector.broadcast %add3A_295 : i32 to vector<16xi32>
          %add3A_297 = arith.addi %iota3A, %add3A_296 : vector<16xi32>
          %and3A_298 = arith.constant 63 : i32
          %and3A_299 = vector.broadcast %and3A_298 : i32 to vector<16xi32>
          %and3A_300 = arith.andi %add3A_297, %and3A_299 : vector<16xi32>
          %gather3A_301 = tpu.vector_load_idx %arg10[%add3A_178, %and3A_300] : memref<80x64xi32, #tpu.memory_space<vmem>>[vector<16xi32>, vector<16xi32>], vector<16xi32>,
          %gather3A_302 = tpu.vector_load_idx %arg11[%add3A_178, %and3A_300] : memref<80x64xi32, #tpu.memory_space<vmem>>[vector<16xi32>, vector<16xi32>], vector<16xi32>,
          %bitcast3A_303 = vector.bitcast %gather3A_301 : vector<16xi32> to vector<32xbf16>
          %bitcast3A_304 = vector.bitcast %gather3A_302 : vector<16xi32> to vector<32xbf16>
          %mul3A_305 = arith.mulf %bitcast3A_303, %bitcast3A_304 : vector<32xbf16>
          %add3A_306 = arith.addf %add3A_291, %mul3A_305 : vector<32xbf16>
          %mul3A_307 = arith.constant 4 : i32
          %mul3A_308 = arith.muli %scan3A_259, %mul3A_307 : i32
          %add3A_309 = arith.constant 3 : i32
          %add3A_310 = arith.addi %mul3A_308, %add3A_309 : i32
          %add3A_311 = vector.broadcast %add3A_310 : i32 to vector<16xi32>
          %add3A_312 = arith.addi %iota3A, %add3A_311 : vector<16xi32>
          %and3A_313 = arith.constant 63 : i32
          %and3A_314 = vector.broadcast %and3A_313 : i32 to vector<16xi32>
          %and3A_315 = arith.andi %add3A_312, %and3A_314 : vector<16xi32>
          %gather3A_316 = tpu.vector_load_idx %arg10[%add3A_178, %and3A_315] : memref<80x64xi32, #tpu.memory_space<vmem>>[vector<16xi32>, vector<16xi32>], vector<16xi32>,
          %gather3A_317 = tpu.vector_load_idx %arg11[%add3A_178, %and3A_315] : memref<80x64xi32, #tpu.memory_space<vmem>>[vector<16xi32>, vector<16xi32>], vector<16xi32>,
          %bitcast3A_318 = vector.bitcast %gather3A_316 : vector<16xi32> to vector<32xbf16>
          %bitcast3A_319 = vector.bitcast %gather3A_317 : vector<16xi32> to vector<32xbf16>
          %mul3A_320 = arith.mulf %bitcast3A_318, %bitcast3A_319 : vector<32xbf16>
          %add3A_321 = arith.addf %add3A_306, %mul3A_320 : vector<32xbf16>
          %unpack3A_322 = tpu.unpack_subelements %add3A_321, 0 {pack_format = #tpu.pack_format<interleaved>} : vector<32xbf16> -> vector<16xf32>
          %unpack3A_323 = tpu.unpack_subelements %add3A_321, 1 {pack_format = #tpu.pack_format<interleaved>} : vector<32xbf16> -> vector<16xf32>
          %add3A_324 = arith.addf %add3A_256, %unpack3A_322 : vector<16xf32>
          %add3A_325 = arith.addf %add3A_257, %unpack3A_323 : vector<16xf32>
          %scan3A_326 = arith.constant 2 : i32
          %scan3A_327 = arith.addi %scan3A_193, %scan3A_326 : i32
          %broadcast_in_dim3A_328 = arith.constant 0.000000e+00 : bf16
          %broadcast_in_dim3A_329 = vector.broadcast %broadcast_in_dim3A_328 : bf16 to vector<32xbf16>
          %mul3A_330 = arith.constant 4 : i32
          %mul3A_331 = arith.muli %scan3A_327, %mul3A_330 : i32
          %add3A_332 = arith.constant 0 : i32
          %add3A_333 = arith.addi %mul3A_331, %add3A_332 : i32
          %add3A_334 = vector.broadcast %add3A_333 : i32 to vector<16xi32>
          %add3A_335 = arith.addi %iota3A, %add3A_334 : vector<16xi32>
          %and3A_336 = arith.constant 63 : i32
          %and3A_337 = vector.broadcast %and3A_336 : i32 to vector<16xi32>
          %and3A_338 = arith.andi %add3A_335, %and3A_337 : vector<16xi32>
          %gather3A_339 = tpu.vector_load_idx %arg10[%add3A_178, %and3A_338] : memref<80x64xi32, #tpu.memory_space<vmem>>[vector<16xi32>, vector<16xi32>], vector<16xi32>,
          %gather3A_340 = tpu.vector_load_idx %arg11[%add3A_178, %and3A_338] : memref<80x64xi32, #tpu.memory_space<vmem>>[vector<16xi32>, vector<16xi32>], vector<16xi32>,
          %bitcast3A_341 = vector.bitcast %gather3A_339 : vector<16xi32> to vector<32xbf16>
          %bitcast3A_342 = vector.bitcast %gather3A_340 : vector<16xi32> to vector<32xbf16>
          %mul3A_343 = arith.mulf %bitcast3A_341, %bitcast3A_342 : vector<32xbf16>
          %add3A_344 = arith.addf %broadcast_in_dim3A_329, %mul3A_343 : vector<32xbf16>
          %mul3A_345 = arith.constant 4 : i32
          %mul3A_346 = arith.muli %scan3A_327, %mul3A_345 : i32
          %add3A_347 = arith.constant 1 : i32
          %add3A_348 = arith.addi %mul3A_346, %add3A_347 : i32
          %add3A_349 = vector.broadcast %add3A_348 : i32 to vector<16xi32>
          %add3A_350 = arith.addi %iota3A, %add3A_349 : vector<16xi32>
          %and3A_351 = arith.constant 63 : i32
          %and3A_352 = vector.broadcast %and3A_351 : i32 to vector<16xi32>
          %and3A_353 = arith.andi %add3A_350, %and3A_352 : vector<16xi32>
          %gather3A_354 = tpu.vector_load_idx %arg10[%add3A_178, %and3A_353] : memref<80x64xi32, #tpu.memory_space<vmem>>[vector<16xi32>, vector<16xi32>], vector<16xi32>,
          %gather3A_355 = tpu.vector_load_idx %arg11[%add3A_178, %and3A_353] : memref<80x64xi32, #tpu.memory_space<vmem>>[vector<16xi32>, vector<16xi32>], vector<16xi32>,
          %bitcast3A_356 = vector.bitcast %gather3A_354 : vector<16xi32> to vector<32xbf16>
          %bitcast3A_357 = vector.bitcast %gather3A_355 : vector<16xi32> to vector<32xbf16>
          %mul3A_358 = arith.mulf %bitcast3A_356, %bitcast3A_357 : vector<32xbf16>
          %add3A_359 = arith.addf %add3A_344, %mul3A_358 : vector<32xbf16>
          %mul3A_360 = arith.constant 4 : i32
          %mul3A_361 = arith.muli %scan3A_327, %mul3A_360 : i32
          %add3A_362 = arith.constant 2 : i32
          %add3A_363 = arith.addi %mul3A_361, %add3A_362 : i32
          %add3A_364 = vector.broadcast %add3A_363 : i32 to vector<16xi32>
          %add3A_365 = arith.addi %iota3A, %add3A_364 : vector<16xi32>
          %and3A_366 = arith.constant 63 : i32
          %and3A_367 = vector.broadcast %and3A_366 : i32 to vector<16xi32>
          %and3A_368 = arith.andi %add3A_365, %and3A_367 : vector<16xi32>
          %gather3A_369 = tpu.vector_load_idx %arg10[%add3A_178, %and3A_368] : memref<80x64xi32, #tpu.memory_space<vmem>>[vector<16xi32>, vector<16xi32>], vector<16xi32>,
          %gather3A_370 = tpu.vector_load_idx %arg11[%add3A_178, %and3A_368] : memref<80x64xi32, #tpu.memory_space<vmem>>[vector<16xi32>, vector<16xi32>], vector<16xi32>,
          %bitcast3A_371 = vector.bitcast %gather3A_369 : vector<16xi32> to vector<32xbf16>
          %bitcast3A_372 = vector.bitcast %gather3A_370 : vector<16xi32> to vector<32xbf16>
          %mul3A_373 = arith.mulf %bitcast3A_371, %bitcast3A_372 : vector<32xbf16>
          %add3A_374 = arith.addf %add3A_359, %mul3A_373 : vector<32xbf16>
          %mul3A_375 = arith.constant 4 : i32
          %mul3A_376 = arith.muli %scan3A_327, %mul3A_375 : i32
          %add3A_377 = arith.constant 3 : i32
          %add3A_378 = arith.addi %mul3A_376, %add3A_377 : i32
          %add3A_379 = vector.broadcast %add3A_378 : i32 to vector<16xi32>
          %add3A_380 = arith.addi %iota3A, %add3A_379 : vector<16xi32>
          %and3A_381 = arith.constant 63 : i32
          %and3A_382 = vector.broadcast %and3A_381 : i32 to vector<16xi32>
          %and3A_383 = arith.andi %add3A_380, %and3A_382 : vector<16xi32>
          %gather3A_384 = tpu.vector_load_idx %arg10[%add3A_178, %and3A_383] : memref<80x64xi32, #tpu.memory_space<vmem>>[vector<16xi32>, vector<16xi32>], vector<16xi32>,
          %gather3A_385 = tpu.vector_load_idx %arg11[%add3A_178, %and3A_383] : memref<80x64xi32, #tpu.memory_space<vmem>>[vector<16xi32>, vector<16xi32>], vector<16xi32>,
          %bitcast3A_386 = vector.bitcast %gather3A_384 : vector<16xi32> to vector<32xbf16>
          %bitcast3A_387 = vector.bitcast %gather3A_385 : vector<16xi32> to vector<32xbf16>
          %mul3A_388 = arith.mulf %bitcast3A_386, %bitcast3A_387 : vector<32xbf16>
          %add3A_389 = arith.addf %add3A_374, %mul3A_388 : vector<32xbf16>
          %unpack3A_390 = tpu.unpack_subelements %add3A_389, 0 {pack_format = #tpu.pack_format<interleaved>} : vector<32xbf16> -> vector<16xf32>
          %unpack3A_391 = tpu.unpack_subelements %add3A_389, 1 {pack_format = #tpu.pack_format<interleaved>} : vector<32xbf16> -> vector<16xf32>
          %add3A_392 = arith.addf %add3A_324, %unpack3A_390 : vector<16xf32>
          %add3A_393 = arith.addf %add3A_325, %unpack3A_391 : vector<16xf32>
          %scan3A_394 = arith.constant 3 : i32
          %scan3A_395 = arith.addi %scan3A_193, %scan3A_394 : i32
          %broadcast_in_dim3A_396 = arith.constant 0.000000e+00 : bf16
          %broadcast_in_dim3A_397 = vector.broadcast %broadcast_in_dim3A_396 : bf16 to vector<32xbf16>
          %mul3A_398 = arith.constant 4 : i32
          %mul3A_399 = arith.muli %scan3A_395, %mul3A_398 : i32
          %add3A_400 = arith.constant 0 : i32
          %add3A_401 = arith.addi %mul3A_399, %add3A_400 : i32
          %add3A_402 = vector.broadcast %add3A_401 : i32 to vector<16xi32>
          %add3A_403 = arith.addi %iota3A, %add3A_402 : vector<16xi32>
          %and3A_404 = arith.constant 63 : i32
          %and3A_405 = vector.broadcast %and3A_404 : i32 to vector<16xi32>
          %and3A_406 = arith.andi %add3A_403, %and3A_405 : vector<16xi32>
          %gather3A_407 = tpu.vector_load_idx %arg10[%add3A_178, %and3A_406] : memref<80x64xi32, #tpu.memory_space<vmem>>[vector<16xi32>, vector<16xi32>], vector<16xi32>,
          %gather3A_408 = tpu.vector_load_idx %arg11[%add3A_178, %and3A_406] : memref<80x64xi32, #tpu.memory_space<vmem>>[vector<16xi32>, vector<16xi32>], vector<16xi32>,
          %bitcast3A_409 = vector.bitcast %gather3A_407 : vector<16xi32> to vector<32xbf16>
          %bitcast3A_410 = vector.bitcast %gather3A_408 : vector<16xi32> to vector<32xbf16>
          %mul3A_411 = arith.mulf %bitcast3A_409, %bitcast3A_410 : vector<32xbf16>
          %add3A_412 = arith.addf %broadcast_in_dim3A_397, %mul3A_411 : vector<32xbf16>
          %mul3A_413 = arith.constant 4 : i32
          %mul3A_414 = arith.muli %scan3A_395, %mul3A_413 : i32
          %add3A_415 = arith.constant 1 : i32
          %add3A_416 = arith.addi %mul3A_414, %add3A_415 : i32
          %add3A_417 = vector.broadcast %add3A_416 : i32 to vector<16xi32>
          %add3A_418 = arith.addi %iota3A, %add3A_417 : vector<16xi32>
          %and3A_419 = arith.constant 63 : i32
          %and3A_420 = vector.broadcast %and3A_419 : i32 to vector<16xi32>
          %and3A_421 = arith.andi %add3A_418, %and3A_420 : vector<16xi32>
          %gather3A_422 = tpu.vector_load_idx %arg10[%add3A_178, %and3A_421] : memref<80x64xi32, #tpu.memory_space<vmem>>[vector<16xi32>, vector<16xi32>], vector<16xi32>,
          %gather3A_423 = tpu.vector_load_idx %arg11[%add3A_178, %and3A_421] : memref<80x64xi32, #tpu.memory_space<vmem>>[vector<16xi32>, vector<16xi32>], vector<16xi32>,
          %bitcast3A_424 = vector.bitcast %gather3A_422 : vector<16xi32> to vector<32xbf16>
          %bitcast3A_425 = vector.bitcast %gather3A_423 : vector<16xi32> to vector<32xbf16>
          %mul3A_426 = arith.mulf %bitcast3A_424, %bitcast3A_425 : vector<32xbf16>
          %add3A_427 = arith.addf %add3A_412, %mul3A_426 : vector<32xbf16>
          %mul3A_428 = arith.constant 4 : i32
          %mul3A_429 = arith.muli %scan3A_395, %mul3A_428 : i32
          %add3A_430 = arith.constant 2 : i32
          %add3A_431 = arith.addi %mul3A_429, %add3A_430 : i32
          %add3A_432 = vector.broadcast %add3A_431 : i32 to vector<16xi32>
          %add3A_433 = arith.addi %iota3A, %add3A_432 : vector<16xi32>
          %and3A_434 = arith.constant 63 : i32
          %and3A_435 = vector.broadcast %and3A_434 : i32 to vector<16xi32>
          %and3A_436 = arith.andi %add3A_433, %and3A_435 : vector<16xi32>
          %gather3A_437 = tpu.vector_load_idx %arg10[%add3A_178, %and3A_436] : memref<80x64xi32, #tpu.memory_space<vmem>>[vector<16xi32>, vector<16xi32>], vector<16xi32>,
          %gather3A_438 = tpu.vector_load_idx %arg11[%add3A_178, %and3A_436] : memref<80x64xi32, #tpu.memory_space<vmem>>[vector<16xi32>, vector<16xi32>], vector<16xi32>,
          %bitcast3A_439 = vector.bitcast %gather3A_437 : vector<16xi32> to vector<32xbf16>
          %bitcast3A_440 = vector.bitcast %gather3A_438 : vector<16xi32> to vector<32xbf16>
          %mul3A_441 = arith.mulf %bitcast3A_439, %bitcast3A_440 : vector<32xbf16>
          %add3A_442 = arith.addf %add3A_427, %mul3A_441 : vector<32xbf16>
          %mul3A_443 = arith.constant 4 : i32
          %mul3A_444 = arith.muli %scan3A_395, %mul3A_443 : i32
          %add3A_445 = arith.constant 3 : i32
          %add3A_446 = arith.addi %mul3A_444, %add3A_445 : i32
          %add3A_447 = vector.broadcast %add3A_446 : i32 to vector<16xi32>
          %add3A_448 = arith.addi %iota3A, %add3A_447 : vector<16xi32>
          %and3A_449 = arith.constant 63 : i32
          %and3A_450 = vector.broadcast %and3A_449 : i32 to vector<16xi32>
          %and3A_451 = arith.andi %add3A_448, %and3A_450 : vector<16xi32>
          %gather3A_452 = tpu.vector_load_idx %arg10[%add3A_178, %and3A_451] : memref<80x64xi32, #tpu.memory_space<vmem>>[vector<16xi32>, vector<16xi32>], vector<16xi32>,
          %gather3A_453 = tpu.vector_load_idx %arg11[%add3A_178, %and3A_451] : memref<80x64xi32, #tpu.memory_space<vmem>>[vector<16xi32>, vector<16xi32>], vector<16xi32>,
          %bitcast3A_454 = vector.bitcast %gather3A_452 : vector<16xi32> to vector<32xbf16>
          %bitcast3A_455 = vector.bitcast %gather3A_453 : vector<16xi32> to vector<32xbf16>
          %mul3A_456 = arith.mulf %bitcast3A_454, %bitcast3A_455 : vector<32xbf16>
          %add3A_457 = arith.addf %add3A_442, %mul3A_456 : vector<32xbf16>
          %unpack3A_458 = tpu.unpack_subelements %add3A_457, 0 {pack_format = #tpu.pack_format<interleaved>} : vector<32xbf16> -> vector<16xf32>
          %unpack3A_459 = tpu.unpack_subelements %add3A_457, 1 {pack_format = #tpu.pack_format<interleaved>} : vector<32xbf16> -> vector<16xf32>
          %add3A_460 = arith.addf %add3A_392, %unpack3A_458 : vector<16xf32>
          %add3A_461 = arith.addf %add3A_393, %unpack3A_459 : vector<16xf32>
          scf.yield %add3A_460, %add3A_461 : vector<16xf32>, vector<16xf32>
        }
        %scan3A_185 = arith.constant 16 : i32
        %add3A_186 = arith.addf %scan3A_184#0, %scan3A_184#1 : vector<16xf32>
        %mul3A_187 = arith.constant 80 : i32
        %mul3A_188 = arith.muli %add3A_104, %mul3A_187 : i32
        %mul3A_189 = arith.constant 16 : i32
        %mul3A_190 = arith.muli %scan3A_174, %mul3A_189 : i32
        %add3A_191 = arith.addi %mul3A_188, %mul3A_190 : i32
        %swap3A = arith.index_cast %add3A_191 : i32 to index
        %swap3A_192 = tpu.vector_load %arg16[%swap3A] {strides = array<i32>} : memref<10000xf32, #tpu.memory_space<vmem>>, vector<16xf32>,
        tpu.vector_store %arg16[%swap3A], %add3A_186 {strides = array<i32>} : memref<10000xf32, #tpu.memory_space<vmem>>, vector<16xf32>,
      }
      %scan3A_110 = arith.constant 5 : i32
      %add3A_111 = arith.constant 1 : i32
      %add3A_112 = arith.addi %mul3A_66, %add3A_111 : i32
      %add3A_113 = arith.constant 4 : i32
      %add3A_114 = arith.addi %add3A_112, %add3A_113 : i32
      %lt3A_115 = arith.constant 125 : i32
      %lt3A_116 = arith.cmpi slt, %add3A_114, %lt3A_115 : i32
      %convert_element_type3A_117 = arith.extui %lt3A_116 : i1 to i32
      %cond3A_118 = arith.constant 0 : i32
      %cond3A_119 = arith.cmpi ne, %convert_element_type3A_117, %cond3A_118 : i32
      scf.if %cond3A_119 {
        %mul3A_174 = arith.constant 80 : i32
        %mul3A_175 = arith.muli %add3A_114, %mul3A_174 : i32
        %dma_start3A_176 = tpu.memref_slice %arg6[%mul3A_175] : memref<10000xi32, #tpu.memory_space<vmem>> -> memref<80xi32, #tpu.memory_space<vmem>>
        %dma_start3A_177 = arith.constant 0 : i32
        %dma_start3A_178 = arith.constant 0 : i32
        %dma_start3A_179 = tpu.memref_slice %arg21[%dma_start3A_177, %dma_start3A_178] : memref<10000x64xi32, #tpu.memory_space<vmem_shared>> -> memref<10000x64xi32, #tpu.memory_space<vmem_shared>>
        tpu.enqueue_indirect_dma source(%dma_start3A_179 : memref<10000x64xi32, #tpu.memory_space<vmem_shared>>) target(%arg10 : memref<80x64xi32, #tpu.memory_space<vmem>>) offsets(%dma_start3A_176 : memref<80xi32, #tpu.memory_space<vmem>>) semaphore(%arg18 : memref<!tpu.dma_semaphore, #tpu.memory_space<semaphore_mem>>)
        %mul3A_180 = arith.constant 80 : i32
        %mul3A_181 = arith.muli %add3A_114, %mul3A_180 : i32
        %dma_start3A_182 = tpu.memref_slice %arg7[%mul3A_181] : memref<10000xi32, #tpu.memory_space<vmem>> -> memref<80xi32, #tpu.memory_space<vmem>>
        %dma_start3A_183 = arith.constant 0 : i32
        %dma_start3A_184 = arith.constant 0 : i32
        %dma_start3A_185 = tpu.memref_slice %arg21[%dma_start3A_183, %dma_start3A_184] : memref<10000x64xi32, #tpu.memory_space<vmem_shared>> -> memref<10000x64xi32, #tpu.memory_space<vmem_shared>>
        tpu.enqueue_indirect_dma source(%dma_start3A_185 : memref<10000x64xi32, #tpu.memory_space<vmem_shared>>) target(%arg11 : memref<80x64xi32, #tpu.memory_space<vmem>>) offsets(%dma_start3A_182 : memref<80xi32, #tpu.memory_space<vmem>>) semaphore(%arg18 : memref<!tpu.dma_semaphore, #tpu.memory_space<semaphore_mem>>)
      } else {
      }
      %dma_wait3A_120 = arith.constant 0 : i32
      %dma_wait3A_121 = tpu.memref_slice %arg6[%dma_wait3A_120] : memref<10000xi32, #tpu.memory_space<vmem>> -> memref<80xi32, #tpu.memory_space<vmem>>
      %dma_wait3A_122 = arith.constant 0 : i32
      %dma_wait3A_123 = arith.constant 0 : i32
      %dma_wait3A_124 = tpu.memref_slice %arg21[%dma_wait3A_122, %dma_wait3A_123] : memref<10000x64xi32, #tpu.memory_space<vmem_shared>> -> memref<10000x64xi32, #tpu.memory_space<vmem_shared>>
      tpu.wait_indirect_dma semaphore(%arg19 : memref<!tpu.dma_semaphore, #tpu.memory_space<semaphore_mem>>) src(%dma_wait3A_124 : memref<10000x64xi32, #tpu.memory_space<vmem_shared>>) dst(%arg12 : memref<80x64xi32, #tpu.memory_space<vmem>>)
      %dma_wait3A_125 = arith.constant 0 : i32
      %dma_wait3A_126 = tpu.memref_slice %arg7[%dma_wait3A_125] : memref<10000xi32, #tpu.memory_space<vmem>> -> memref<80xi32, #tpu.memory_space<vmem>>
      %dma_wait3A_127 = arith.constant 0 : i32
      %dma_wait3A_128 = arith.constant 0 : i32
      %dma_wait3A_129 = tpu.memref_slice %arg21[%dma_wait3A_127, %dma_wait3A_128] : memref<10000x64xi32, #tpu.memory_space<vmem_shared>> -> memref<10000x64xi32, #tpu.memory_space<vmem_shared>>
      tpu.wait_indirect_dma semaphore(%arg19 : memref<!tpu.dma_semaphore, #tpu.memory_space<semaphore_mem>>) src(%dma_wait3A_129 : memref<10000x64xi32, #tpu.memory_space<vmem_shared>>) dst(%arg13 : memref<80x64xi32, #tpu.memory_space<vmem>>)
      %add3A_130 = arith.constant 2 : i32
      %add3A_131 = arith.addi %mul3A_66, %add3A_130 : i32
      %scan3A_132 = arith.constant 0 : i32
      %scan3A_133 = arith.constant 0 : i32
      %scan3A_134 = arith.constant 5 : i32
      %scan3A_135 = arith.addi %scan3A_133, %scan3A_134 : i32
      %scan3A_136 = arith.constant 1 : i32
      scf.for %scan3A_174 = %scan3A_133 to %scan3A_135 step %scan3A_136  : i32 {
        %mul3A_175 = arith.constant 16 : i32
        %mul3A_176 = arith.muli %scan3A_174, %mul3A_175 : i32
        %add3A_177 = vector.broadcast %mul3A_176 : i32 to vector<16xi32>
        %add3A_178 = arith.addi %iota3A, %add3A_177 : vector<16xi32>
        %broadcast_in_dim3A = arith.constant 0.000000e+00 : f32
        %broadcast_in_dim3A_179 = vector.broadcast %broadcast_in_dim3A : f32 to vector<16xf32>
        %scan3A_180 = arith.constant 0 : i32
        %scan3A_181 = arith.constant 16 : i32
        %scan3A_182 = arith.addi %scan3A_180, %scan3A_181 : i32
        %scan3A_183 = arith.constant 4 : i32
        %scan3A_184:2 = scf.for %scan3A_193 = %scan3A_180 to %scan3A_182 step %scan3A_183 iter_args(%scan3A_194 = %broadcast_in_dim3A_179, %scan3A_195 = %broadcast_in_dim3A_179) -> (vector<16xf32>, vector<16xf32>)  : i32 {
          %broadcast_in_dim3A_196 = arith.constant 0.000000e+00 : bf16
          %broadcast_in_dim3A_197 = vector.broadcast %broadcast_in_dim3A_196 : bf16 to vector<32xbf16>
          %mul3A_198 = arith.constant 4 : i32
          %mul3A_199 = arith.muli %scan3A_193, %mul3A_198 : i32
          %add3A_200 = arith.constant 0 : i32
          %add3A_201 = arith.addi %mul3A_199, %add3A_200 : i32
          %add3A_202 = vector.broadcast %add3A_201 : i32 to vector<16xi32>
          %add3A_203 = arith.addi %iota3A, %add3A_202 : vector<16xi32>
          %and3A = arith.constant 63 : i32
          %and3A_204 = vector.broadcast %and3A : i32 to vector<16xi32>
          %and3A_205 = arith.andi %add3A_203, %and3A_204 : vector<16xi32>
          %gather3A = tpu.vector_load_idx %arg12[%add3A_178, %and3A_205] : memref<80x64xi32, #tpu.memory_space<vmem>>[vector<16xi32>, vector<16xi32>], vector<16xi32>,
          %gather3A_206 = tpu.vector_load_idx %arg13[%add3A_178, %and3A_205] : memref<80x64xi32, #tpu.memory_space<vmem>>[vector<16xi32>, vector<16xi32>], vector<16xi32>,
          %bitcast3A = vector.bitcast %gather3A : vector<16xi32> to vector<32xbf16>
          %bitcast3A_207 = vector.bitcast %gather3A_206 : vector<16xi32> to vector<32xbf16>
          %mul3A_208 = arith.mulf %bitcast3A, %bitcast3A_207 : vector<32xbf16>
          %add3A_209 = arith.addf %broadcast_in_dim3A_197, %mul3A_208 : vector<32xbf16>
          %mul3A_210 = arith.constant 4 : i32
          %mul3A_211 = arith.muli %scan3A_193, %mul3A_210 : i32
          %add3A_212 = arith.constant 1 : i32
          %add3A_213 = arith.addi %mul3A_211, %add3A_212 : i32
          %add3A_214 = vector.broadcast %add3A_213 : i32 to vector<16xi32>
          %add3A_215 = arith.addi %iota3A, %add3A_214 : vector<16xi32>
          %and3A_216 = arith.constant 63 : i32
          %and3A_217 = vector.broadcast %and3A_216 : i32 to vector<16xi32>
          %and3A_218 = arith.andi %add3A_215, %and3A_217 : vector<16xi32>
          %gather3A_219 = tpu.vector_load_idx %arg12[%add3A_178, %and3A_218] : memref<80x64xi32, #tpu.memory_space<vmem>>[vector<16xi32>, vector<16xi32>], vector<16xi32>,
          %gather3A_220 = tpu.vector_load_idx %arg13[%add3A_178, %and3A_218] : memref<80x64xi32, #tpu.memory_space<vmem>>[vector<16xi32>, vector<16xi32>], vector<16xi32>,
          %bitcast3A_221 = vector.bitcast %gather3A_219 : vector<16xi32> to vector<32xbf16>
          %bitcast3A_222 = vector.bitcast %gather3A_220 : vector<16xi32> to vector<32xbf16>
          %mul3A_223 = arith.mulf %bitcast3A_221, %bitcast3A_222 : vector<32xbf16>
          %add3A_224 = arith.addf %add3A_209, %mul3A_223 : vector<32xbf16>
          %mul3A_225 = arith.constant 4 : i32
          %mul3A_226 = arith.muli %scan3A_193, %mul3A_225 : i32
          %add3A_227 = arith.constant 2 : i32
          %add3A_228 = arith.addi %mul3A_226, %add3A_227 : i32
          %add3A_229 = vector.broadcast %add3A_228 : i32 to vector<16xi32>
          %add3A_230 = arith.addi %iota3A, %add3A_229 : vector<16xi32>
          %and3A_231 = arith.constant 63 : i32
          %and3A_232 = vector.broadcast %and3A_231 : i32 to vector<16xi32>
          %and3A_233 = arith.andi %add3A_230, %and3A_232 : vector<16xi32>
          %gather3A_234 = tpu.vector_load_idx %arg12[%add3A_178, %and3A_233] : memref<80x64xi32, #tpu.memory_space<vmem>>[vector<16xi32>, vector<16xi32>], vector<16xi32>,
          %gather3A_235 = tpu.vector_load_idx %arg13[%add3A_178, %and3A_233] : memref<80x64xi32, #tpu.memory_space<vmem>>[vector<16xi32>, vector<16xi32>], vector<16xi32>,
          %bitcast3A_236 = vector.bitcast %gather3A_234 : vector<16xi32> to vector<32xbf16>
          %bitcast3A_237 = vector.bitcast %gather3A_235 : vector<16xi32> to vector<32xbf16>
          %mul3A_238 = arith.mulf %bitcast3A_236, %bitcast3A_237 : vector<32xbf16>
          %add3A_239 = arith.addf %add3A_224, %mul3A_238 : vector<32xbf16>
          %mul3A_240 = arith.constant 4 : i32
          %mul3A_241 = arith.muli %scan3A_193, %mul3A_240 : i32
          %add3A_242 = arith.constant 3 : i32
          %add3A_243 = arith.addi %mul3A_241, %add3A_242 : i32
          %add3A_244 = vector.broadcast %add3A_243 : i32 to vector<16xi32>
          %add3A_245 = arith.addi %iota3A, %add3A_244 : vector<16xi32>
          %and3A_246 = arith.constant 63 : i32
          %and3A_247 = vector.broadcast %and3A_246 : i32 to vector<16xi32>
          %and3A_248 = arith.andi %add3A_245, %and3A_247 : vector<16xi32>
          %gather3A_249 = tpu.vector_load_idx %arg12[%add3A_178, %and3A_248] : memref<80x64xi32, #tpu.memory_space<vmem>>[vector<16xi32>, vector<16xi32>], vector<16xi32>,
          %gather3A_250 = tpu.vector_load_idx %arg13[%add3A_178, %and3A_248] : memref<80x64xi32, #tpu.memory_space<vmem>>[vector<16xi32>, vector<16xi32>], vector<16xi32>,
          %bitcast3A_251 = vector.bitcast %gather3A_249 : vector<16xi32> to vector<32xbf16>
          %bitcast3A_252 = vector.bitcast %gather3A_250 : vector<16xi32> to vector<32xbf16>
          %mul3A_253 = arith.mulf %bitcast3A_251, %bitcast3A_252 : vector<32xbf16>
          %add3A_254 = arith.addf %add3A_239, %mul3A_253 : vector<32xbf16>
          %unpack3A = tpu.unpack_subelements %add3A_254, 0 {pack_format = #tpu.pack_format<interleaved>} : vector<32xbf16> -> vector<16xf32>
          %unpack3A_255 = tpu.unpack_subelements %add3A_254, 1 {pack_format = #tpu.pack_format<interleaved>} : vector<32xbf16> -> vector<16xf32>
          %add3A_256 = arith.addf %scan3A_194, %unpack3A : vector<16xf32>
          %add3A_257 = arith.addf %scan3A_195, %unpack3A_255 : vector<16xf32>
          %scan3A_258 = arith.constant 1 : i32
          %scan3A_259 = arith.addi %scan3A_193, %scan3A_258 : i32
          %broadcast_in_dim3A_260 = arith.constant 0.000000e+00 : bf16
          %broadcast_in_dim3A_261 = vector.broadcast %broadcast_in_dim3A_260 : bf16 to vector<32xbf16>
          %mul3A_262 = arith.constant 4 : i32
          %mul3A_263 = arith.muli %scan3A_259, %mul3A_262 : i32
          %add3A_264 = arith.constant 0 : i32
          %add3A_265 = arith.addi %mul3A_263, %add3A_264 : i32
          %add3A_266 = vector.broadcast %add3A_265 : i32 to vector<16xi32>
          %add3A_267 = arith.addi %iota3A, %add3A_266 : vector<16xi32>
          %and3A_268 = arith.constant 63 : i32
          %and3A_269 = vector.broadcast %and3A_268 : i32 to vector<16xi32>
          %and3A_270 = arith.andi %add3A_267, %and3A_269 : vector<16xi32>
          %gather3A_271 = tpu.vector_load_idx %arg12[%add3A_178, %and3A_270] : memref<80x64xi32, #tpu.memory_space<vmem>>[vector<16xi32>, vector<16xi32>], vector<16xi32>,
          %gather3A_272 = tpu.vector_load_idx %arg13[%add3A_178, %and3A_270] : memref<80x64xi32, #tpu.memory_space<vmem>>[vector<16xi32>, vector<16xi32>], vector<16xi32>,
          %bitcast3A_273 = vector.bitcast %gather3A_271 : vector<16xi32> to vector<32xbf16>
          %bitcast3A_274 = vector.bitcast %gather3A_272 : vector<16xi32> to vector<32xbf16>
          %mul3A_275 = arith.mulf %bitcast3A_273, %bitcast3A_274 : vector<32xbf16>
          %add3A_276 = arith.addf %broadcast_in_dim3A_261, %mul3A_275 : vector<32xbf16>
          %mul3A_277 = arith.constant 4 : i32
          %mul3A_278 = arith.muli %scan3A_259, %mul3A_277 : i32
          %add3A_279 = arith.constant 1 : i32
          %add3A_280 = arith.addi %mul3A_278, %add3A_279 : i32
          %add3A_281 = vector.broadcast %add3A_280 : i32 to vector<16xi32>
          %add3A_282 = arith.addi %iota3A, %add3A_281 : vector<16xi32>
          %and3A_283 = arith.constant 63 : i32
          %and3A_284 = vector.broadcast %and3A_283 : i32 to vector<16xi32>
          %and3A_285 = arith.andi %add3A_282, %and3A_284 : vector<16xi32>
          %gather3A_286 = tpu.vector_load_idx %arg12[%add3A_178, %and3A_285] : memref<80x64xi32, #tpu.memory_space<vmem>>[vector<16xi32>, vector<16xi32>], vector<16xi32>,
          %gather3A_287 = tpu.vector_load_idx %arg13[%add3A_178, %and3A_285] : memref<80x64xi32, #tpu.memory_space<vmem>>[vector<16xi32>, vector<16xi32>], vector<16xi32>,
          %bitcast3A_288 = vector.bitcast %gather3A_286 : vector<16xi32> to vector<32xbf16>
          %bitcast3A_289 = vector.bitcast %gather3A_287 : vector<16xi32> to vector<32xbf16>
          %mul3A_290 = arith.mulf %bitcast3A_288, %bitcast3A_289 : vector<32xbf16>
          %add3A_291 = arith.addf %add3A_276, %mul3A_290 : vector<32xbf16>
          %mul3A_292 = arith.constant 4 : i32
          %mul3A_293 = arith.muli %scan3A_259, %mul3A_292 : i32
          %add3A_294 = arith.constant 2 : i32
          %add3A_295 = arith.addi %mul3A_293, %add3A_294 : i32
          %add3A_296 = vector.broadcast %add3A_295 : i32 to vector<16xi32>
          %add3A_297 = arith.addi %iota3A, %add3A_296 : vector<16xi32>
          %and3A_298 = arith.constant 63 : i32
          %and3A_299 = vector.broadcast %and3A_298 : i32 to vector<16xi32>
          %and3A_300 = arith.andi %add3A_297, %and3A_299 : vector<16xi32>
          %gather3A_301 = tpu.vector_load_idx %arg12[%add3A_178, %and3A_300] : memref<80x64xi32, #tpu.memory_space<vmem>>[vector<16xi32>, vector<16xi32>], vector<16xi32>,
          %gather3A_302 = tpu.vector_load_idx %arg13[%add3A_178, %and3A_300] : memref<80x64xi32, #tpu.memory_space<vmem>>[vector<16xi32>, vector<16xi32>], vector<16xi32>,
          %bitcast3A_303 = vector.bitcast %gather3A_301 : vector<16xi32> to vector<32xbf16>
          %bitcast3A_304 = vector.bitcast %gather3A_302 : vector<16xi32> to vector<32xbf16>
          %mul3A_305 = arith.mulf %bitcast3A_303, %bitcast3A_304 : vector<32xbf16>
          %add3A_306 = arith.addf %add3A_291, %mul3A_305 : vector<32xbf16>
          %mul3A_307 = arith.constant 4 : i32
          %mul3A_308 = arith.muli %scan3A_259, %mul3A_307 : i32
          %add3A_309 = arith.constant 3 : i32
          %add3A_310 = arith.addi %mul3A_308, %add3A_309 : i32
          %add3A_311 = vector.broadcast %add3A_310 : i32 to vector<16xi32>
          %add3A_312 = arith.addi %iota3A, %add3A_311 : vector<16xi32>
          %and3A_313 = arith.constant 63 : i32
          %and3A_314 = vector.broadcast %and3A_313 : i32 to vector<16xi32>
          %and3A_315 = arith.andi %add3A_312, %and3A_314 : vector<16xi32>
          %gather3A_316 = tpu.vector_load_idx %arg12[%add3A_178, %and3A_315] : memref<80x64xi32, #tpu.memory_space<vmem>>[vector<16xi32>, vector<16xi32>], vector<16xi32>,
          %gather3A_317 = tpu.vector_load_idx %arg13[%add3A_178, %and3A_315] : memref<80x64xi32, #tpu.memory_space<vmem>>[vector<16xi32>, vector<16xi32>], vector<16xi32>,
          %bitcast3A_318 = vector.bitcast %gather3A_316 : vector<16xi32> to vector<32xbf16>
          %bitcast3A_319 = vector.bitcast %gather3A_317 : vector<16xi32> to vector<32xbf16>
          %mul3A_320 = arith.mulf %bitcast3A_318, %bitcast3A_319 : vector<32xbf16>
          %add3A_321 = arith.addf %add3A_306, %mul3A_320 : vector<32xbf16>
          %unpack3A_322 = tpu.unpack_subelements %add3A_321, 0 {pack_format = #tpu.pack_format<interleaved>} : vector<32xbf16> -> vector<16xf32>
          %unpack3A_323 = tpu.unpack_subelements %add3A_321, 1 {pack_format = #tpu.pack_format<interleaved>} : vector<32xbf16> -> vector<16xf32>
          %add3A_324 = arith.addf %add3A_256, %unpack3A_322 : vector<16xf32>
          %add3A_325 = arith.addf %add3A_257, %unpack3A_323 : vector<16xf32>
          %scan3A_326 = arith.constant 2 : i32
          %scan3A_327 = arith.addi %scan3A_193, %scan3A_326 : i32
          %broadcast_in_dim3A_328 = arith.constant 0.000000e+00 : bf16
          %broadcast_in_dim3A_329 = vector.broadcast %broadcast_in_dim3A_328 : bf16 to vector<32xbf16>
          %mul3A_330 = arith.constant 4 : i32
          %mul3A_331 = arith.muli %scan3A_327, %mul3A_330 : i32
          %add3A_332 = arith.constant 0 : i32
          %add3A_333 = arith.addi %mul3A_331, %add3A_332 : i32
          %add3A_334 = vector.broadcast %add3A_333 : i32 to vector<16xi32>
          %add3A_335 = arith.addi %iota3A, %add3A_334 : vector<16xi32>
          %and3A_336 = arith.constant 63 : i32
          %and3A_337 = vector.broadcast %and3A_336 : i32 to vector<16xi32>
          %and3A_338 = arith.andi %add3A_335, %and3A_337 : vector<16xi32>
          %gather3A_339 = tpu.vector_load_idx %arg12[%add3A_178, %and3A_338] : memref<80x64xi32, #tpu.memory_space<vmem>>[vector<16xi32>, vector<16xi32>], vector<16xi32>,
          %gather3A_340 = tpu.vector_load_idx %arg13[%add3A_178, %and3A_338] : memref<80x64xi32, #tpu.memory_space<vmem>>[vector<16xi32>, vector<16xi32>], vector<16xi32>,
          %bitcast3A_341 = vector.bitcast %gather3A_339 : vector<16xi32> to vector<32xbf16>
          %bitcast3A_342 = vector.bitcast %gather3A_340 : vector<16xi32> to vector<32xbf16>
          %mul3A_343 = arith.mulf %bitcast3A_341, %bitcast3A_342 : vector<32xbf16>
          %add3A_344 = arith.addf %broadcast_in_dim3A_329, %mul3A_343 : vector<32xbf16>
          %mul3A_345 = arith.constant 4 : i32
          %mul3A_346 = arith.muli %scan3A_327, %mul3A_345 : i32
          %add3A_347 = arith.constant 1 : i32
          %add3A_348 = arith.addi %mul3A_346, %add3A_347 : i32
          %add3A_349 = vector.broadcast %add3A_348 : i32 to vector<16xi32>
          %add3A_350 = arith.addi %iota3A, %add3A_349 : vector<16xi32>
          %and3A_351 = arith.constant 63 : i32
          %and3A_352 = vector.broadcast %and3A_351 : i32 to vector<16xi32>
          %and3A_353 = arith.andi %add3A_350, %and3A_352 : vector<16xi32>
          %gather3A_354 = tpu.vector_load_idx %arg12[%add3A_178, %and3A_353] : memref<80x64xi32, #tpu.memory_space<vmem>>[vector<16xi32>, vector<16xi32>], vector<16xi32>,
          %gather3A_355 = tpu.vector_load_idx %arg13[%add3A_178, %and3A_353] : memref<80x64xi32, #tpu.memory_space<vmem>>[vector<16xi32>, vector<16xi32>], vector<16xi32>,
          %bitcast3A_356 = vector.bitcast %gather3A_354 : vector<16xi32> to vector<32xbf16>
          %bitcast3A_357 = vector.bitcast %gather3A_355 : vector<16xi32> to vector<32xbf16>
          %mul3A_358 = arith.mulf %bitcast3A_356, %bitcast3A_357 : vector<32xbf16>
          %add3A_359 = arith.addf %add3A_344, %mul3A_358 : vector<32xbf16>
          %mul3A_360 = arith.constant 4 : i32
          %mul3A_361 = arith.muli %scan3A_327, %mul3A_360 : i32
          %add3A_362 = arith.constant 2 : i32
          %add3A_363 = arith.addi %mul3A_361, %add3A_362 : i32
          %add3A_364 = vector.broadcast %add3A_363 : i32 to vector<16xi32>
          %add3A_365 = arith.addi %iota3A, %add3A_364 : vector<16xi32>
          %and3A_366 = arith.constant 63 : i32
          %and3A_367 = vector.broadcast %and3A_366 : i32 to vector<16xi32>
          %and3A_368 = arith.andi %add3A_365, %and3A_367 : vector<16xi32>
          %gather3A_369 = tpu.vector_load_idx %arg12[%add3A_178, %and3A_368] : memref<80x64xi32, #tpu.memory_space<vmem>>[vector<16xi32>, vector<16xi32>], vector<16xi32>,
          %gather3A_370 = tpu.vector_load_idx %arg13[%add3A_178, %and3A_368] : memref<80x64xi32, #tpu.memory_space<vmem>>[vector<16xi32>, vector<16xi32>], vector<16xi32>,
          %bitcast3A_371 = vector.bitcast %gather3A_369 : vector<16xi32> to vector<32xbf16>
          %bitcast3A_372 = vector.bitcast %gather3A_370 : vector<16xi32> to vector<32xbf16>
          %mul3A_373 = arith.mulf %bitcast3A_371, %bitcast3A_372 : vector<32xbf16>
          %add3A_374 = arith.addf %add3A_359, %mul3A_373 : vector<32xbf16>
          %mul3A_375 = arith.constant 4 : i32
          %mul3A_376 = arith.muli %scan3A_327, %mul3A_375 : i32
          %add3A_377 = arith.constant 3 : i32
          %add3A_378 = arith.addi %mul3A_376, %add3A_377 : i32
          %add3A_379 = vector.broadcast %add3A_378 : i32 to vector<16xi32>
          %add3A_380 = arith.addi %iota3A, %add3A_379 : vector<16xi32>
          %and3A_381 = arith.constant 63 : i32
          %and3A_382 = vector.broadcast %and3A_381 : i32 to vector<16xi32>
          %and3A_383 = arith.andi %add3A_380, %and3A_382 : vector<16xi32>
          %gather3A_384 = tpu.vector_load_idx %arg12[%add3A_178, %and3A_383] : memref<80x64xi32, #tpu.memory_space<vmem>>[vector<16xi32>, vector<16xi32>], vector<16xi32>,
          %gather3A_385 = tpu.vector_load_idx %arg13[%add3A_178, %and3A_383] : memref<80x64xi32, #tpu.memory_space<vmem>>[vector<16xi32>, vector<16xi32>], vector<16xi32>,
          %bitcast3A_386 = vector.bitcast %gather3A_384 : vector<16xi32> to vector<32xbf16>
          %bitcast3A_387 = vector.bitcast %gather3A_385 : vector<16xi32> to vector<32xbf16>
          %mul3A_388 = arith.mulf %bitcast3A_386, %bitcast3A_387 : vector<32xbf16>
          %add3A_389 = arith.addf %add3A_374, %mul3A_388 : vector<32xbf16>
          %unpack3A_390 = tpu.unpack_subelements %add3A_389, 0 {pack_format = #tpu.pack_format<interleaved>} : vector<32xbf16> -> vector<16xf32>
          %unpack3A_391 = tpu.unpack_subelements %add3A_389, 1 {pack_format = #tpu.pack_format<interleaved>} : vector<32xbf16> -> vector<16xf32>
          %add3A_392 = arith.addf %add3A_324, %unpack3A_390 : vector<16xf32>
          %add3A_393 = arith.addf %add3A_325, %unpack3A_391 : vector<16xf32>
          %scan3A_394 = arith.constant 3 : i32
          %scan3A_395 = arith.addi %scan3A_193, %scan3A_394 : i32
          %broadcast_in_dim3A_396 = arith.constant 0.000000e+00 : bf16
          %broadcast_in_dim3A_397 = vector.broadcast %broadcast_in_dim3A_396 : bf16 to vector<32xbf16>
          %mul3A_398 = arith.constant 4 : i32
          %mul3A_399 = arith.muli %scan3A_395, %mul3A_398 : i32
          %add3A_400 = arith.constant 0 : i32
          %add3A_401 = arith.addi %mul3A_399, %add3A_400 : i32
          %add3A_402 = vector.broadcast %add3A_401 : i32 to vector<16xi32>
          %add3A_403 = arith.addi %iota3A, %add3A_402 : vector<16xi32>
          %and3A_404 = arith.constant 63 : i32
          %and3A_405 = vector.broadcast %and3A_404 : i32 to vector<16xi32>
          %and3A_406 = arith.andi %add3A_403, %and3A_405 : vector<16xi32>
          %gather3A_407 = tpu.vector_load_idx %arg12[%add3A_178, %and3A_406] : memref<80x64xi32, #tpu.memory_space<vmem>>[vector<16xi32>, vector<16xi32>], vector<16xi32>,
          %gather3A_408 = tpu.vector_load_idx %arg13[%add3A_178, %and3A_406] : memref<80x64xi32, #tpu.memory_space<vmem>>[vector<16xi32>, vector<16xi32>], vector<16xi32>,
          %bitcast3A_409 = vector.bitcast %gather3A_407 : vector<16xi32> to vector<32xbf16>
          %bitcast3A_410 = vector.bitcast %gather3A_408 : vector<16xi32> to vector<32xbf16>
          %mul3A_411 = arith.mulf %bitcast3A_409, %bitcast3A_410 : vector<32xbf16>
          %add3A_412 = arith.addf %broadcast_in_dim3A_397, %mul3A_411 : vector<32xbf16>
          %mul3A_413 = arith.constant 4 : i32
          %mul3A_414 = arith.muli %scan3A_395, %mul3A_413 : i32
          %add3A_415 = arith.constant 1 : i32
          %add3A_416 = arith.addi %mul3A_414, %add3A_415 : i32
          %add3A_417 = vector.broadcast %add3A_416 : i32 to vector<16xi32>
          %add3A_418 = arith.addi %iota3A, %add3A_417 : vector<16xi32>
          %and3A_419 = arith.constant 63 : i32
          %and3A_420 = vector.broadcast %and3A_419 : i32 to vector<16xi32>
          %and3A_421 = arith.andi %add3A_418, %and3A_420 : vector<16xi32>
          %gather3A_422 = tpu.vector_load_idx %arg12[%add3A_178, %and3A_421] : memref<80x64xi32, #tpu.memory_space<vmem>>[vector<16xi32>, vector<16xi32>], vector<16xi32>,
          %gather3A_423 = tpu.vector_load_idx %arg13[%add3A_178, %and3A_421] : memref<80x64xi32, #tpu.memory_space<vmem>>[vector<16xi32>, vector<16xi32>], vector<16xi32>,
          %bitcast3A_424 = vector.bitcast %gather3A_422 : vector<16xi32> to vector<32xbf16>
          %bitcast3A_425 = vector.bitcast %gather3A_423 : vector<16xi32> to vector<32xbf16>
          %mul3A_426 = arith.mulf %bitcast3A_424, %bitcast3A_425 : vector<32xbf16>
          %add3A_427 = arith.addf %add3A_412, %mul3A_426 : vector<32xbf16>
          %mul3A_428 = arith.constant 4 : i32
          %mul3A_429 = arith.muli %scan3A_395, %mul3A_428 : i32
          %add3A_430 = arith.constant 2 : i32
          %add3A_431 = arith.addi %mul3A_429, %add3A_430 : i32
          %add3A_432 = vector.broadcast %add3A_431 : i32 to vector<16xi32>
          %add3A_433 = arith.addi %iota3A, %add3A_432 : vector<16xi32>
          %and3A_434 = arith.constant 63 : i32
          %and3A_435 = vector.broadcast %and3A_434 : i32 to vector<16xi32>
          %and3A_436 = arith.andi %add3A_433, %and3A_435 : vector<16xi32>
          %gather3A_437 = tpu.vector_load_idx %arg12[%add3A_178, %and3A_436] : memref<80x64xi32, #tpu.memory_space<vmem>>[vector<16xi32>, vector<16xi32>], vector<16xi32>,
          %gather3A_438 = tpu.vector_load_idx %arg13[%add3A_178, %and3A_436] : memref<80x64xi32, #tpu.memory_space<vmem>>[vector<16xi32>, vector<16xi32>], vector<16xi32>,
          %bitcast3A_439 = vector.bitcast %gather3A_437 : vector<16xi32> to vector<32xbf16>
          %bitcast3A_440 = vector.bitcast %gather3A_438 : vector<16xi32> to vector<32xbf16>
          %mul3A_441 = arith.mulf %bitcast3A_439, %bitcast3A_440 : vector<32xbf16>
          %add3A_442 = arith.addf %add3A_427, %mul3A_441 : vector<32xbf16>
          %mul3A_443 = arith.constant 4 : i32
          %mul3A_444 = arith.muli %scan3A_395, %mul3A_443 : i32
          %add3A_445 = arith.constant 3 : i32
          %add3A_446 = arith.addi %mul3A_444, %add3A_445 : i32
          %add3A_447 = vector.broadcast %add3A_446 : i32 to vector<16xi32>
          %add3A_448 = arith.addi %iota3A, %add3A_447 : vector<16xi32>
          %and3A_449 = arith.constant 63 : i32
          %and3A_450 = vector.broadcast %and3A_449 : i32 to vector<16xi32>
          %and3A_451 = arith.andi %add3A_448, %and3A_450 : vector<16xi32>
          %gather3A_452 = tpu.vector_load_idx %arg12[%add3A_178, %and3A_451] : memref<80x64xi32, #tpu.memory_space<vmem>>[vector<16xi32>, vector<16xi32>], vector<16xi32>,
          %gather3A_453 = tpu.vector_load_idx %arg13[%add3A_178, %and3A_451] : memref<80x64xi32, #tpu.memory_space<vmem>>[vector<16xi32>, vector<16xi32>], vector<16xi32>,
          %bitcast3A_454 = vector.bitcast %gather3A_452 : vector<16xi32> to vector<32xbf16>
          %bitcast3A_455 = vector.bitcast %gather3A_453 : vector<16xi32> to vector<32xbf16>
          %mul3A_456 = arith.mulf %bitcast3A_454, %bitcast3A_455 : vector<32xbf16>
          %add3A_457 = arith.addf %add3A_442, %mul3A_456 : vector<32xbf16>
          %unpack3A_458 = tpu.unpack_subelements %add3A_457, 0 {pack_format = #tpu.pack_format<interleaved>} : vector<32xbf16> -> vector<16xf32>
          %unpack3A_459 = tpu.unpack_subelements %add3A_457, 1 {pack_format = #tpu.pack_format<interleaved>} : vector<32xbf16> -> vector<16xf32>
          %add3A_460 = arith.addf %add3A_392, %unpack3A_458 : vector<16xf32>
          %add3A_461 = arith.addf %add3A_393, %unpack3A_459 : vector<16xf32>
          scf.yield %add3A_460, %add3A_461 : vector<16xf32>, vector<16xf32>
        }
        %scan3A_185 = arith.constant 16 : i32
        %add3A_186 = arith.addf %scan3A_184#0, %scan3A_184#1 : vector<16xf32>
        %mul3A_187 = arith.constant 80 : i32
        %mul3A_188 = arith.muli %add3A_131, %mul3A_187 : i32
        %mul3A_189 = arith.constant 16 : i32
        %mul3A_190 = arith.muli %scan3A_174, %mul3A_189 : i32
        %add3A_191 = arith.addi %mul3A_188, %mul3A_190 : i32
        %swap3A = arith.index_cast %add3A_191 : i32 to index
        %swap3A_192 = tpu.vector_load %arg16[%swap3A] {strides = array<i32>} : memref<10000xf32, #tpu.memory_space<vmem>>, vector<16xf32>,
        tpu.vector_store %arg16[%swap3A], %add3A_186 {strides = array<i32>} : memref<10000xf32, #tpu.memory_space<vmem>>, vector<16xf32>,
      }
      %scan3A_137 = arith.constant 5 : i32
      %add3A_138 = arith.constant 2 : i32
      %add3A_139 = arith.addi %mul3A_66, %add3A_138 : i32
      %add3A_140 = arith.constant 4 : i32
      %add3A_141 = arith.addi %add3A_139, %add3A_140 : i32
      %lt3A_142 = arith.constant 125 : i32
      %lt3A_143 = arith.cmpi slt, %add3A_141, %lt3A_142 : i32
      %convert_element_type3A_144 = arith.extui %lt3A_143 : i1 to i32
      %cond3A_145 = arith.constant 0 : i32
      %cond3A_146 = arith.cmpi ne, %convert_element_type3A_144, %cond3A_145 : i32
      scf.if %cond3A_146 {
        %mul3A_174 = arith.constant 80 : i32
        %mul3A_175 = arith.muli %add3A_141, %mul3A_174 : i32
        %dma_start3A_176 = tpu.memref_slice %arg6[%mul3A_175] : memref<10000xi32, #tpu.memory_space<vmem>> -> memref<80xi32, #tpu.memory_space<vmem>>
        %dma_start3A_177 = arith.constant 0 : i32
        %dma_start3A_178 = arith.constant 0 : i32
        %dma_start3A_179 = tpu.memref_slice %arg21[%dma_start3A_177, %dma_start3A_178] : memref<10000x64xi32, #tpu.memory_space<vmem_shared>> -> memref<10000x64xi32, #tpu.memory_space<vmem_shared>>
        tpu.enqueue_indirect_dma source(%dma_start3A_179 : memref<10000x64xi32, #tpu.memory_space<vmem_shared>>) target(%arg12 : memref<80x64xi32, #tpu.memory_space<vmem>>) offsets(%dma_start3A_176 : memref<80xi32, #tpu.memory_space<vmem>>) semaphore(%arg19 : memref<!tpu.dma_semaphore, #tpu.memory_space<semaphore_mem>>)
        %mul3A_180 = arith.constant 80 : i32
        %mul3A_181 = arith.muli %add3A_141, %mul3A_180 : i32
        %dma_start3A_182 = tpu.memref_slice %arg7[%mul3A_181] : memref<10000xi32, #tpu.memory_space<vmem>> -> memref<80xi32, #tpu.memory_space<vmem>>
        %dma_start3A_183 = arith.constant 0 : i32
        %dma_start3A_184 = arith.constant 0 : i32
        %dma_start3A_185 = tpu.memref_slice %arg21[%dma_start3A_183, %dma_start3A_184] : memref<10000x64xi32, #tpu.memory_space<vmem_shared>> -> memref<10000x64xi32, #tpu.memory_space<vmem_shared>>
        tpu.enqueue_indirect_dma source(%dma_start3A_185 : memref<10000x64xi32, #tpu.memory_space<vmem_shared>>) target(%arg13 : memref<80x64xi32, #tpu.memory_space<vmem>>) offsets(%dma_start3A_182 : memref<80xi32, #tpu.memory_space<vmem>>) semaphore(%arg19 : memref<!tpu.dma_semaphore, #tpu.memory_space<semaphore_mem>>)
      } else {
      }
      %dma_wait3A_147 = arith.constant 0 : i32
      %dma_wait3A_148 = tpu.memref_slice %arg6[%dma_wait3A_147] : memref<10000xi32, #tpu.memory_space<vmem>> -> memref<80xi32, #tpu.memory_space<vmem>>
      %dma_wait3A_149 = arith.constant 0 : i32
      %dma_wait3A_150 = arith.constant 0 : i32
      %dma_wait3A_151 = tpu.memref_slice %arg21[%dma_wait3A_149, %dma_wait3A_150] : memref<10000x64xi32, #tpu.memory_space<vmem_shared>> -> memref<10000x64xi32, #tpu.memory_space<vmem_shared>>
      tpu.wait_indirect_dma semaphore(%arg20 : memref<!tpu.dma_semaphore, #tpu.memory_space<semaphore_mem>>) src(%dma_wait3A_151 : memref<10000x64xi32, #tpu.memory_space<vmem_shared>>) dst(%arg14 : memref<80x64xi32, #tpu.memory_space<vmem>>)
      %dma_wait3A_152 = arith.constant 0 : i32
      %dma_wait3A_153 = tpu.memref_slice %arg7[%dma_wait3A_152] : memref<10000xi32, #tpu.memory_space<vmem>> -> memref<80xi32, #tpu.memory_space<vmem>>
      %dma_wait3A_154 = arith.constant 0 : i32
      %dma_wait3A_155 = arith.constant 0 : i32
      %dma_wait3A_156 = tpu.memref_slice %arg21[%dma_wait3A_154, %dma_wait3A_155] : memref<10000x64xi32, #tpu.memory_space<vmem_shared>> -> memref<10000x64xi32, #tpu.memory_space<vmem_shared>>
      tpu.wait_indirect_dma semaphore(%arg20 : memref<!tpu.dma_semaphore, #tpu.memory_space<semaphore_mem>>) src(%dma_wait3A_156 : memref<10000x64xi32, #tpu.memory_space<vmem_shared>>) dst(%arg15 : memref<80x64xi32, #tpu.memory_space<vmem>>)
      %add3A_157 = arith.constant 3 : i32
      %add3A_158 = arith.addi %mul3A_66, %add3A_157 : i32
      %scan3A_159 = arith.constant 0 : i32
      %scan3A_160 = arith.constant 0 : i32
      %scan3A_161 = arith.constant 5 : i32
      %scan3A_162 = arith.addi %scan3A_160, %scan3A_161 : i32
      %scan3A_163 = arith.constant 1 : i32
      scf.for %scan3A_174 = %scan3A_160 to %scan3A_162 step %scan3A_163  : i32 {
        %mul3A_175 = arith.constant 16 : i32
        %mul3A_176 = arith.muli %scan3A_174, %mul3A_175 : i32
        %add3A_177 = vector.broadcast %mul3A_176 : i32 to vector<16xi32>
        %add3A_178 = arith.addi %iota3A, %add3A_177 : vector<16xi32>
        %broadcast_in_dim3A = arith.constant 0.000000e+00 : f32
        %broadcast_in_dim3A_179 = vector.broadcast %broadcast_in_dim3A : f32 to vector<16xf32>
        %scan3A_180 = arith.constant 0 : i32
        %scan3A_181 = arith.constant 16 : i32
        %scan3A_182 = arith.addi %scan3A_180, %scan3A_181 : i32
        %scan3A_183 = arith.constant 4 : i32
        %scan3A_184:2 = scf.for %scan3A_193 = %scan3A_180 to %scan3A_182 step %scan3A_183 iter_args(%scan3A_194 = %broadcast_in_dim3A_179, %scan3A_195 = %broadcast_in_dim3A_179) -> (vector<16xf32>, vector<16xf32>)  : i32 {
          %broadcast_in_dim3A_196 = arith.constant 0.000000e+00 : bf16
          %broadcast_in_dim3A_197 = vector.broadcast %broadcast_in_dim3A_196 : bf16 to vector<32xbf16>
          %mul3A_198 = arith.constant 4 : i32
          %mul3A_199 = arith.muli %scan3A_193, %mul3A_198 : i32
          %add3A_200 = arith.constant 0 : i32
          %add3A_201 = arith.addi %mul3A_199, %add3A_200 : i32
          %add3A_202 = vector.broadcast %add3A_201 : i32 to vector<16xi32>
          %add3A_203 = arith.addi %iota3A, %add3A_202 : vector<16xi32>
          %and3A = arith.constant 63 : i32
          %and3A_204 = vector.broadcast %and3A : i32 to vector<16xi32>
          %and3A_205 = arith.andi %add3A_203, %and3A_204 : vector<16xi32>
          %gather3A = tpu.vector_load_idx %arg14[%add3A_178, %and3A_205] : memref<80x64xi32, #tpu.memory_space<vmem>>[vector<16xi32>, vector<16xi32>], vector<16xi32>,
          %gather3A_206 = tpu.vector_load_idx %arg15[%add3A_178, %and3A_205] : memref<80x64xi32, #tpu.memory_space<vmem>>[vector<16xi32>, vector<16xi32>], vector<16xi32>,
          %bitcast3A = vector.bitcast %gather3A : vector<16xi32> to vector<32xbf16>
          %bitcast3A_207 = vector.bitcast %gather3A_206 : vector<16xi32> to vector<32xbf16>
          %mul3A_208 = arith.mulf %bitcast3A, %bitcast3A_207 : vector<32xbf16>
          %add3A_209 = arith.addf %broadcast_in_dim3A_197, %mul3A_208 : vector<32xbf16>
          %mul3A_210 = arith.constant 4 : i32
          %mul3A_211 = arith.muli %scan3A_193, %mul3A_210 : i32
          %add3A_212 = arith.constant 1 : i32
          %add3A_213 = arith.addi %mul3A_211, %add3A_212 : i32
          %add3A_214 = vector.broadcast %add3A_213 : i32 to vector<16xi32>
          %add3A_215 = arith.addi %iota3A, %add3A_214 : vector<16xi32>
          %and3A_216 = arith.constant 63 : i32
          %and3A_217 = vector.broadcast %and3A_216 : i32 to vector<16xi32>
          %and3A_218 = arith.andi %add3A_215, %and3A_217 : vector<16xi32>
          %gather3A_219 = tpu.vector_load_idx %arg14[%add3A_178, %and3A_218] : memref<80x64xi32, #tpu.memory_space<vmem>>[vector<16xi32>, vector<16xi32>], vector<16xi32>,
          %gather3A_220 = tpu.vector_load_idx %arg15[%add3A_178, %and3A_218] : memref<80x64xi32, #tpu.memory_space<vmem>>[vector<16xi32>, vector<16xi32>], vector<16xi32>,
          %bitcast3A_221 = vector.bitcast %gather3A_219 : vector<16xi32> to vector<32xbf16>
          %bitcast3A_222 = vector.bitcast %gather3A_220 : vector<16xi32> to vector<32xbf16>
          %mul3A_223 = arith.mulf %bitcast3A_221, %bitcast3A_222 : vector<32xbf16>
          %add3A_224 = arith.addf %add3A_209, %mul3A_223 : vector<32xbf16>
          %mul3A_225 = arith.constant 4 : i32
          %mul3A_226 = arith.muli %scan3A_193, %mul3A_225 : i32
          %add3A_227 = arith.constant 2 : i32
          %add3A_228 = arith.addi %mul3A_226, %add3A_227 : i32
          %add3A_229 = vector.broadcast %add3A_228 : i32 to vector<16xi32>
          %add3A_230 = arith.addi %iota3A, %add3A_229 : vector<16xi32>
          %and3A_231 = arith.constant 63 : i32
          %and3A_232 = vector.broadcast %and3A_231 : i32 to vector<16xi32>
          %and3A_233 = arith.andi %add3A_230, %and3A_232 : vector<16xi32>
          %gather3A_234 = tpu.vector_load_idx %arg14[%add3A_178, %and3A_233] : memref<80x64xi32, #tpu.memory_space<vmem>>[vector<16xi32>, vector<16xi32>], vector<16xi32>,
          %gather3A_235 = tpu.vector_load_idx %arg15[%add3A_178, %and3A_233] : memref<80x64xi32, #tpu.memory_space<vmem>>[vector<16xi32>, vector<16xi32>], vector<16xi32>,
          %bitcast3A_236 = vector.bitcast %gather3A_234 : vector<16xi32> to vector<32xbf16>
          %bitcast3A_237 = vector.bitcast %gather3A_235 : vector<16xi32> to vector<32xbf16>
          %mul3A_238 = arith.mulf %bitcast3A_236, %bitcast3A_237 : vector<32xbf16>
          %add3A_239 = arith.addf %add3A_224, %mul3A_238 : vector<32xbf16>
          %mul3A_240 = arith.constant 4 : i32
          %mul3A_241 = arith.muli %scan3A_193, %mul3A_240 : i32
          %add3A_242 = arith.constant 3 : i32
          %add3A_243 = arith.addi %mul3A_241, %add3A_242 : i32
          %add3A_244 = vector.broadcast %add3A_243 : i32 to vector<16xi32>
          %add3A_245 = arith.addi %iota3A, %add3A_244 : vector<16xi32>
          %and3A_246 = arith.constant 63 : i32
          %and3A_247 = vector.broadcast %and3A_246 : i32 to vector<16xi32>
          %and3A_248 = arith.andi %add3A_245, %and3A_247 : vector<16xi32>
          %gather3A_249 = tpu.vector_load_idx %arg14[%add3A_178, %and3A_248] : memref<80x64xi32, #tpu.memory_space<vmem>>[vector<16xi32>, vector<16xi32>], vector<16xi32>,
          %gather3A_250 = tpu.vector_load_idx %arg15[%add3A_178, %and3A_248] : memref<80x64xi32, #tpu.memory_space<vmem>>[vector<16xi32>, vector<16xi32>], vector<16xi32>,
          %bitcast3A_251 = vector.bitcast %gather3A_249 : vector<16xi32> to vector<32xbf16>
          %bitcast3A_252 = vector.bitcast %gather3A_250 : vector<16xi32> to vector<32xbf16>
          %mul3A_253 = arith.mulf %bitcast3A_251, %bitcast3A_252 : vector<32xbf16>
          %add3A_254 = arith.addf %add3A_239, %mul3A_253 : vector<32xbf16>
          %unpack3A = tpu.unpack_subelements %add3A_254, 0 {pack_format = #tpu.pack_format<interleaved>} : vector<32xbf16> -> vector<16xf32>
          %unpack3A_255 = tpu.unpack_subelements %add3A_254, 1 {pack_format = #tpu.pack_format<interleaved>} : vector<32xbf16> -> vector<16xf32>
          %add3A_256 = arith.addf %scan3A_194, %unpack3A : vector<16xf32>
          %add3A_257 = arith.addf %scan3A_195, %unpack3A_255 : vector<16xf32>
          %scan3A_258 = arith.constant 1 : i32
          %scan3A_259 = arith.addi %scan3A_193, %scan3A_258 : i32
          %broadcast_in_dim3A_260 = arith.constant 0.000000e+00 : bf16
          %broadcast_in_dim3A_261 = vector.broadcast %broadcast_in_dim3A_260 : bf16 to vector<32xbf16>
          %mul3A_262 = arith.constant 4 : i32
          %mul3A_263 = arith.muli %scan3A_259, %mul3A_262 : i32
          %add3A_264 = arith.constant 0 : i32
          %add3A_265 = arith.addi %mul3A_263, %add3A_264 : i32
          %add3A_266 = vector.broadcast %add3A_265 : i32 to vector<16xi32>
          %add3A_267 = arith.addi %iota3A, %add3A_266 : vector<16xi32>
          %and3A_268 = arith.constant 63 : i32
          %and3A_269 = vector.broadcast %and3A_268 : i32 to vector<16xi32>
          %and3A_270 = arith.andi %add3A_267, %and3A_269 : vector<16xi32>
          %gather3A_271 = tpu.vector_load_idx %arg14[%add3A_178, %and3A_270] : memref<80x64xi32, #tpu.memory_space<vmem>>[vector<16xi32>, vector<16xi32>], vector<16xi32>,
          %gather3A_272 = tpu.vector_load_idx %arg15[%add3A_178, %and3A_270] : memref<80x64xi32, #tpu.memory_space<vmem>>[vector<16xi32>, vector<16xi32>], vector<16xi32>,
          %bitcast3A_273 = vector.bitcast %gather3A_271 : vector<16xi32> to vector<32xbf16>
          %bitcast3A_274 = vector.bitcast %gather3A_272 : vector<16xi32> to vector<32xbf16>
          %mul3A_275 = arith.mulf %bitcast3A_273, %bitcast3A_274 : vector<32xbf16>
          %add3A_276 = arith.addf %broadcast_in_dim3A_261, %mul3A_275 : vector<32xbf16>
          %mul3A_277 = arith.constant 4 : i32
          %mul3A_278 = arith.muli %scan3A_259, %mul3A_277 : i32
          %add3A_279 = arith.constant 1 : i32
          %add3A_280 = arith.addi %mul3A_278, %add3A_279 : i32
          %add3A_281 = vector.broadcast %add3A_280 : i32 to vector<16xi32>
          %add3A_282 = arith.addi %iota3A, %add3A_281 : vector<16xi32>
          %and3A_283 = arith.constant 63 : i32
          %and3A_284 = vector.broadcast %and3A_283 : i32 to vector<16xi32>
          %and3A_285 = arith.andi %add3A_282, %and3A_284 : vector<16xi32>
          %gather3A_286 = tpu.vector_load_idx %arg14[%add3A_178, %and3A_285] : memref<80x64xi32, #tpu.memory_space<vmem>>[vector<16xi32>, vector<16xi32>], vector<16xi32>,
          %gather3A_287 = tpu.vector_load_idx %arg15[%add3A_178, %and3A_285] : memref<80x64xi32, #tpu.memory_space<vmem>>[vector<16xi32>, vector<16xi32>], vector<16xi32>,
          %bitcast3A_288 = vector.bitcast %gather3A_286 : vector<16xi32> to vector<32xbf16>
          %bitcast3A_289 = vector.bitcast %gather3A_287 : vector<16xi32> to vector<32xbf16>
          %mul3A_290 = arith.mulf %bitcast3A_288, %bitcast3A_289 : vector<32xbf16>
          %add3A_291 = arith.addf %add3A_276, %mul3A_290 : vector<32xbf16>
          %mul3A_292 = arith.constant 4 : i32
          %mul3A_293 = arith.muli %scan3A_259, %mul3A_292 : i32
          %add3A_294 = arith.constant 2 : i32
          %add3A_295 = arith.addi %mul3A_293, %add3A_294 : i32
          %add3A_296 = vector.broadcast %add3A_295 : i32 to vector<16xi32>
          %add3A_297 = arith.addi %iota3A, %add3A_296 : vector<16xi32>
          %and3A_298 = arith.constant 63 : i32
          %and3A_299 = vector.broadcast %and3A_298 : i32 to vector<16xi32>
          %and3A_300 = arith.andi %add3A_297, %and3A_299 : vector<16xi32>
          %gather3A_301 = tpu.vector_load_idx %arg14[%add3A_178, %and3A_300] : memref<80x64xi32, #tpu.memory_space<vmem>>[vector<16xi32>, vector<16xi32>], vector<16xi32>,
          %gather3A_302 = tpu.vector_load_idx %arg15[%add3A_178, %and3A_300] : memref<80x64xi32, #tpu.memory_space<vmem>>[vector<16xi32>, vector<16xi32>], vector<16xi32>,
          %bitcast3A_303 = vector.bitcast %gather3A_301 : vector<16xi32> to vector<32xbf16>
          %bitcast3A_304 = vector.bitcast %gather3A_302 : vector<16xi32> to vector<32xbf16>
          %mul3A_305 = arith.mulf %bitcast3A_303, %bitcast3A_304 : vector<32xbf16>
          %add3A_306 = arith.addf %add3A_291, %mul3A_305 : vector<32xbf16>
          %mul3A_307 = arith.constant 4 : i32
          %mul3A_308 = arith.muli %scan3A_259, %mul3A_307 : i32
          %add3A_309 = arith.constant 3 : i32
          %add3A_310 = arith.addi %mul3A_308, %add3A_309 : i32
          %add3A_311 = vector.broadcast %add3A_310 : i32 to vector<16xi32>
          %add3A_312 = arith.addi %iota3A, %add3A_311 : vector<16xi32>
          %and3A_313 = arith.constant 63 : i32
          %and3A_314 = vector.broadcast %and3A_313 : i32 to vector<16xi32>
          %and3A_315 = arith.andi %add3A_312, %and3A_314 : vector<16xi32>
          %gather3A_316 = tpu.vector_load_idx %arg14[%add3A_178, %and3A_315] : memref<80x64xi32, #tpu.memory_space<vmem>>[vector<16xi32>, vector<16xi32>], vector<16xi32>,
          %gather3A_317 = tpu.vector_load_idx %arg15[%add3A_178, %and3A_315] : memref<80x64xi32, #tpu.memory_space<vmem>>[vector<16xi32>, vector<16xi32>], vector<16xi32>,
          %bitcast3A_318 = vector.bitcast %gather3A_316 : vector<16xi32> to vector<32xbf16>
          %bitcast3A_319 = vector.bitcast %gather3A_317 : vector<16xi32> to vector<32xbf16>
          %mul3A_320 = arith.mulf %bitcast3A_318, %bitcast3A_319 : vector<32xbf16>
          %add3A_321 = arith.addf %add3A_306, %mul3A_320 : vector<32xbf16>
          %unpack3A_322 = tpu.unpack_subelements %add3A_321, 0 {pack_format = #tpu.pack_format<interleaved>} : vector<32xbf16> -> vector<16xf32>
          %unpack3A_323 = tpu.unpack_subelements %add3A_321, 1 {pack_format = #tpu.pack_format<interleaved>} : vector<32xbf16> -> vector<16xf32>
          %add3A_324 = arith.addf %add3A_256, %unpack3A_322 : vector<16xf32>
          %add3A_325 = arith.addf %add3A_257, %unpack3A_323 : vector<16xf32>
          %scan3A_326 = arith.constant 2 : i32
          %scan3A_327 = arith.addi %scan3A_193, %scan3A_326 : i32
          %broadcast_in_dim3A_328 = arith.constant 0.000000e+00 : bf16
          %broadcast_in_dim3A_329 = vector.broadcast %broadcast_in_dim3A_328 : bf16 to vector<32xbf16>
          %mul3A_330 = arith.constant 4 : i32
          %mul3A_331 = arith.muli %scan3A_327, %mul3A_330 : i32
          %add3A_332 = arith.constant 0 : i32
          %add3A_333 = arith.addi %mul3A_331, %add3A_332 : i32
          %add3A_334 = vector.broadcast %add3A_333 : i32 to vector<16xi32>
          %add3A_335 = arith.addi %iota3A, %add3A_334 : vector<16xi32>
          %and3A_336 = arith.constant 63 : i32
          %and3A_337 = vector.broadcast %and3A_336 : i32 to vector<16xi32>
          %and3A_338 = arith.andi %add3A_335, %and3A_337 : vector<16xi32>
          %gather3A_339 = tpu.vector_load_idx %arg14[%add3A_178, %and3A_338] : memref<80x64xi32, #tpu.memory_space<vmem>>[vector<16xi32>, vector<16xi32>], vector<16xi32>,
          %gather3A_340 = tpu.vector_load_idx %arg15[%add3A_178, %and3A_338] : memref<80x64xi32, #tpu.memory_space<vmem>>[vector<16xi32>, vector<16xi32>], vector<16xi32>,
          %bitcast3A_341 = vector.bitcast %gather3A_339 : vector<16xi32> to vector<32xbf16>
          %bitcast3A_342 = vector.bitcast %gather3A_340 : vector<16xi32> to vector<32xbf16>
          %mul3A_343 = arith.mulf %bitcast3A_341, %bitcast3A_342 : vector<32xbf16>
          %add3A_344 = arith.addf %broadcast_in_dim3A_329, %mul3A_343 : vector<32xbf16>
          %mul3A_345 = arith.constant 4 : i32
          %mul3A_346 = arith.muli %scan3A_327, %mul3A_345 : i32
          %add3A_347 = arith.constant 1 : i32
          %add3A_348 = arith.addi %mul3A_346, %add3A_347 : i32
          %add3A_349 = vector.broadcast %add3A_348 : i32 to vector<16xi32>
          %add3A_350 = arith.addi %iota3A, %add3A_349 : vector<16xi32>
          %and3A_351 = arith.constant 63 : i32
          %and3A_352 = vector.broadcast %and3A_351 : i32 to vector<16xi32>
          %and3A_353 = arith.andi %add3A_350, %and3A_352 : vector<16xi32>
          %gather3A_354 = tpu.vector_load_idx %arg14[%add3A_178, %and3A_353] : memref<80x64xi32, #tpu.memory_space<vmem>>[vector<16xi32>, vector<16xi32>], vector<16xi32>,
          %gather3A_355 = tpu.vector_load_idx %arg15[%add3A_178, %and3A_353] : memref<80x64xi32, #tpu.memory_space<vmem>>[vector<16xi32>, vector<16xi32>], vector<16xi32>,
          %bitcast3A_356 = vector.bitcast %gather3A_354 : vector<16xi32> to vector<32xbf16>
          %bitcast3A_357 = vector.bitcast %gather3A_355 : vector<16xi32> to vector<32xbf16>
          %mul3A_358 = arith.mulf %bitcast3A_356, %bitcast3A_357 : vector<32xbf16>
          %add3A_359 = arith.addf %add3A_344, %mul3A_358 : vector<32xbf16>
          %mul3A_360 = arith.constant 4 : i32
          %mul3A_361 = arith.muli %scan3A_327, %mul3A_360 : i32
          %add3A_362 = arith.constant 2 : i32
          %add3A_363 = arith.addi %mul3A_361, %add3A_362 : i32
          %add3A_364 = vector.broadcast %add3A_363 : i32 to vector<16xi32>
          %add3A_365 = arith.addi %iota3A, %add3A_364 : vector<16xi32>
          %and3A_366 = arith.constant 63 : i32
          %and3A_367 = vector.broadcast %and3A_366 : i32 to vector<16xi32>
          %and3A_368 = arith.andi %add3A_365, %and3A_367 : vector<16xi32>
          %gather3A_369 = tpu.vector_load_idx %arg14[%add3A_178, %and3A_368] : memref<80x64xi32, #tpu.memory_space<vmem>>[vector<16xi32>, vector<16xi32>], vector<16xi32>,
          %gather3A_370 = tpu.vector_load_idx %arg15[%add3A_178, %and3A_368] : memref<80x64xi32, #tpu.memory_space<vmem>>[vector<16xi32>, vector<16xi32>], vector<16xi32>,
          %bitcast3A_371 = vector.bitcast %gather3A_369 : vector<16xi32> to vector<32xbf16>
          %bitcast3A_372 = vector.bitcast %gather3A_370 : vector<16xi32> to vector<32xbf16>
          %mul3A_373 = arith.mulf %bitcast3A_371, %bitcast3A_372 : vector<32xbf16>
          %add3A_374 = arith.addf %add3A_359, %mul3A_373 : vector<32xbf16>
          %mul3A_375 = arith.constant 4 : i32
          %mul3A_376 = arith.muli %scan3A_327, %mul3A_375 : i32
          %add3A_377 = arith.constant 3 : i32
          %add3A_378 = arith.addi %mul3A_376, %add3A_377 : i32
          %add3A_379 = vector.broadcast %add3A_378 : i32 to vector<16xi32>
          %add3A_380 = arith.addi %iota3A, %add3A_379 : vector<16xi32>
          %and3A_381 = arith.constant 63 : i32
          %and3A_382 = vector.broadcast %and3A_381 : i32 to vector<16xi32>
          %and3A_383 = arith.andi %add3A_380, %and3A_382 : vector<16xi32>
          %gather3A_384 = tpu.vector_load_idx %arg14[%add3A_178, %and3A_383] : memref<80x64xi32, #tpu.memory_space<vmem>>[vector<16xi32>, vector<16xi32>], vector<16xi32>,
          %gather3A_385 = tpu.vector_load_idx %arg15[%add3A_178, %and3A_383] : memref<80x64xi32, #tpu.memory_space<vmem>>[vector<16xi32>, vector<16xi32>], vector<16xi32>,
          %bitcast3A_386 = vector.bitcast %gather3A_384 : vector<16xi32> to vector<32xbf16>
          %bitcast3A_387 = vector.bitcast %gather3A_385 : vector<16xi32> to vector<32xbf16>
          %mul3A_388 = arith.mulf %bitcast3A_386, %bitcast3A_387 : vector<32xbf16>
          %add3A_389 = arith.addf %add3A_374, %mul3A_388 : vector<32xbf16>
          %unpack3A_390 = tpu.unpack_subelements %add3A_389, 0 {pack_format = #tpu.pack_format<interleaved>} : vector<32xbf16> -> vector<16xf32>
          %unpack3A_391 = tpu.unpack_subelements %add3A_389, 1 {pack_format = #tpu.pack_format<interleaved>} : vector<32xbf16> -> vector<16xf32>
          %add3A_392 = arith.addf %add3A_324, %unpack3A_390 : vector<16xf32>
          %add3A_393 = arith.addf %add3A_325, %unpack3A_391 : vector<16xf32>
          %scan3A_394 = arith.constant 3 : i32
          %scan3A_395 = arith.addi %scan3A_193, %scan3A_394 : i32
          %broadcast_in_dim3A_396 = arith.constant 0.000000e+00 : bf16
          %broadcast_in_dim3A_397 = vector.broadcast %broadcast_in_dim3A_396 : bf16 to vector<32xbf16>
          %mul3A_398 = arith.constant 4 : i32
          %mul3A_399 = arith.muli %scan3A_395, %mul3A_398 : i32
          %add3A_400 = arith.constant 0 : i32
          %add3A_401 = arith.addi %mul3A_399, %add3A_400 : i32
          %add3A_402 = vector.broadcast %add3A_401 : i32 to vector<16xi32>
          %add3A_403 = arith.addi %iota3A, %add3A_402 : vector<16xi32>
          %and3A_404 = arith.constant 63 : i32
          %and3A_405 = vector.broadcast %and3A_404 : i32 to vector<16xi32>
          %and3A_406 = arith.andi %add3A_403, %and3A_405 : vector<16xi32>
          %gather3A_407 = tpu.vector_load_idx %arg14[%add3A_178, %and3A_406] : memref<80x64xi32, #tpu.memory_space<vmem>>[vector<16xi32>, vector<16xi32>], vector<16xi32>,
          %gather3A_408 = tpu.vector_load_idx %arg15[%add3A_178, %and3A_406] : memref<80x64xi32, #tpu.memory_space<vmem>>[vector<16xi32>, vector<16xi32>], vector<16xi32>,
          %bitcast3A_409 = vector.bitcast %gather3A_407 : vector<16xi32> to vector<32xbf16>
          %bitcast3A_410 = vector.bitcast %gather3A_408 : vector<16xi32> to vector<32xbf16>
          %mul3A_411 = arith.mulf %bitcast3A_409, %bitcast3A_410 : vector<32xbf16>
          %add3A_412 = arith.addf %broadcast_in_dim3A_397, %mul3A_411 : vector<32xbf16>
          %mul3A_413 = arith.constant 4 : i32
          %mul3A_414 = arith.muli %scan3A_395, %mul3A_413 : i32
          %add3A_415 = arith.constant 1 : i32
          %add3A_416 = arith.addi %mul3A_414, %add3A_415 : i32
          %add3A_417 = vector.broadcast %add3A_416 : i32 to vector<16xi32>
          %add3A_418 = arith.addi %iota3A, %add3A_417 : vector<16xi32>
          %and3A_419 = arith.constant 63 : i32
          %and3A_420 = vector.broadcast %and3A_419 : i32 to vector<16xi32>
          %and3A_421 = arith.andi %add3A_418, %and3A_420 : vector<16xi32>
          %gather3A_422 = tpu.vector_load_idx %arg14[%add3A_178, %and3A_421] : memref<80x64xi32, #tpu.memory_space<vmem>>[vector<16xi32>, vector<16xi32>], vector<16xi32>,
          %gather3A_423 = tpu.vector_load_idx %arg15[%add3A_178, %and3A_421] : memref<80x64xi32, #tpu.memory_space<vmem>>[vector<16xi32>, vector<16xi32>], vector<16xi32>,
          %bitcast3A_424 = vector.bitcast %gather3A_422 : vector<16xi32> to vector<32xbf16>
          %bitcast3A_425 = vector.bitcast %gather3A_423 : vector<16xi32> to vector<32xbf16>
          %mul3A_426 = arith.mulf %bitcast3A_424, %bitcast3A_425 : vector<32xbf16>
          %add3A_427 = arith.addf %add3A_412, %mul3A_426 : vector<32xbf16>
          %mul3A_428 = arith.constant 4 : i32
          %mul3A_429 = arith.muli %scan3A_395, %mul3A_428 : i32
          %add3A_430 = arith.constant 2 : i32
          %add3A_431 = arith.addi %mul3A_429, %add3A_430 : i32
          %add3A_432 = vector.broadcast %add3A_431 : i32 to vector<16xi32>
          %add3A_433 = arith.addi %iota3A, %add3A_432 : vector<16xi32>
          %and3A_434 = arith.constant 63 : i32
          %and3A_435 = vector.broadcast %and3A_434 : i32 to vector<16xi32>
          %and3A_436 = arith.andi %add3A_433, %and3A_435 : vector<16xi32>
          %gather3A_437 = tpu.vector_load_idx %arg14[%add3A_178, %and3A_436] : memref<80x64xi32, #tpu.memory_space<vmem>>[vector<16xi32>, vector<16xi32>], vector<16xi32>,
          %gather3A_438 = tpu.vector_load_idx %arg15[%add3A_178, %and3A_436] : memref<80x64xi32, #tpu.memory_space<vmem>>[vector<16xi32>, vector<16xi32>], vector<16xi32>,
          %bitcast3A_439 = vector.bitcast %gather3A_437 : vector<16xi32> to vector<32xbf16>
          %bitcast3A_440 = vector.bitcast %gather3A_438 : vector<16xi32> to vector<32xbf16>
          %mul3A_441 = arith.mulf %bitcast3A_439, %bitcast3A_440 : vector<32xbf16>
          %add3A_442 = arith.addf %add3A_427, %mul3A_441 : vector<32xbf16>
          %mul3A_443 = arith.constant 4 : i32
          %mul3A_444 = arith.muli %scan3A_395, %mul3A_443 : i32
          %add3A_445 = arith.constant 3 : i32
          %add3A_446 = arith.addi %mul3A_444, %add3A_445 : i32
          %add3A_447 = vector.broadcast %add3A_446 : i32 to vector<16xi32>
          %add3A_448 = arith.addi %iota3A, %add3A_447 : vector<16xi32>
          %and3A_449 = arith.constant 63 : i32
          %and3A_450 = vector.broadcast %and3A_449 : i32 to vector<16xi32>
          %and3A_451 = arith.andi %add3A_448, %and3A_450 : vector<16xi32>
          %gather3A_452 = tpu.vector_load_idx %arg14[%add3A_178, %and3A_451] : memref<80x64xi32, #tpu.memory_space<vmem>>[vector<16xi32>, vector<16xi32>], vector<16xi32>,
          %gather3A_453 = tpu.vector_load_idx %arg15[%add3A_178, %and3A_451] : memref<80x64xi32, #tpu.memory_space<vmem>>[vector<16xi32>, vector<16xi32>], vector<16xi32>,
          %bitcast3A_454 = vector.bitcast %gather3A_452 : vector<16xi32> to vector<32xbf16>
          %bitcast3A_455 = vector.bitcast %gather3A_453 : vector<16xi32> to vector<32xbf16>
          %mul3A_456 = arith.mulf %bitcast3A_454, %bitcast3A_455 : vector<32xbf16>
          %add3A_457 = arith.addf %add3A_442, %mul3A_456 : vector<32xbf16>
          %unpack3A_458 = tpu.unpack_subelements %add3A_457, 0 {pack_format = #tpu.pack_format<interleaved>} : vector<32xbf16> -> vector<16xf32>
          %unpack3A_459 = tpu.unpack_subelements %add3A_457, 1 {pack_format = #tpu.pack_format<interleaved>} : vector<32xbf16> -> vector<16xf32>
          %add3A_460 = arith.addf %add3A_392, %unpack3A_458 : vector<16xf32>
          %add3A_461 = arith.addf %add3A_393, %unpack3A_459 : vector<16xf32>
          scf.yield %add3A_460, %add3A_461 : vector<16xf32>, vector<16xf32>
        }
        %scan3A_185 = arith.constant 16 : i32
        %add3A_186 = arith.addf %scan3A_184#0, %scan3A_184#1 : vector<16xf32>
        %mul3A_187 = arith.constant 80 : i32
        %mul3A_188 = arith.muli %add3A_158, %mul3A_187 : i32
        %mul3A_189 = arith.constant 16 : i32
        %mul3A_190 = arith.muli %scan3A_174, %mul3A_189 : i32
        %add3A_191 = arith.addi %mul3A_188, %mul3A_190 : i32
        %swap3A = arith.index_cast %add3A_191 : i32 to index
        %swap3A_192 = tpu.vector_load %arg16[%swap3A] {strides = array<i32>} : memref<10000xf32, #tpu.memory_space<vmem>>, vector<16xf32>,
        tpu.vector_store %arg16[%swap3A], %add3A_186 {strides = array<i32>} : memref<10000xf32, #tpu.memory_space<vmem>>, vector<16xf32>,
      }
      %scan3A_164 = arith.constant 5 : i32
      %add3A_165 = arith.constant 3 : i32
      %add3A_166 = arith.addi %mul3A_66, %add3A_165 : i32
      %add3A_167 = arith.constant 4 : i32
      %add3A_168 = arith.addi %add3A_166, %add3A_167 : i32
      %lt3A_169 = arith.constant 125 : i32
      %lt3A_170 = arith.cmpi slt, %add3A_168, %lt3A_169 : i32
      %convert_element_type3A_171 = arith.extui %lt3A_170 : i1 to i32
      %cond3A_172 = arith.constant 0 : i32
      %cond3A_173 = arith.cmpi ne, %convert_element_type3A_171, %cond3A_172 : i32
      scf.if %cond3A_173 {
        %mul3A_174 = arith.constant 80 : i32
        %mul3A_175 = arith.muli %add3A_168, %mul3A_174 : i32
        %dma_start3A_176 = tpu.memref_slice %arg6[%mul3A_175] : memref<10000xi32, #tpu.memory_space<vmem>> -> memref<80xi32, #tpu.memory_space<vmem>>
        %dma_start3A_177 = arith.constant 0 : i32
        %dma_start3A_178 = arith.constant 0 : i32
        %dma_start3A_179 = tpu.memref_slice %arg21[%dma_start3A_177, %dma_start3A_178] : memref<10000x64xi32, #tpu.memory_space<vmem_shared>> -> memref<10000x64xi32, #tpu.memory_space<vmem_shared>>
        tpu.enqueue_indirect_dma source(%dma_start3A_179 : memref<10000x64xi32, #tpu.memory_space<vmem_shared>>) target(%arg14 : memref<80x64xi32, #tpu.memory_space<vmem>>) offsets(%dma_start3A_176 : memref<80xi32, #tpu.memory_space<vmem>>) semaphore(%arg20 : memref<!tpu.dma_semaphore, #tpu.memory_space<semaphore_mem>>)
        %mul3A_180 = arith.constant 80 : i32
        %mul3A_181 = arith.muli %add3A_168, %mul3A_180 : i32
        %dma_start3A_182 = tpu.memref_slice %arg7[%mul3A_181] : memref<10000xi32, #tpu.memory_space<vmem>> -> memref<80xi32, #tpu.memory_space<vmem>>
        %dma_start3A_183 = arith.constant 0 : i32
        %dma_start3A_184 = arith.constant 0 : i32
        %dma_start3A_185 = tpu.memref_slice %arg21[%dma_start3A_183, %dma_start3A_184] : memref<10000x64xi32, #tpu.memory_space<vmem_shared>> -> memref<10000x64xi32, #tpu.memory_space<vmem_shared>>
        tpu.enqueue_indirect_dma source(%dma_start3A_185 : memref<10000x64xi32, #tpu.memory_space<vmem_shared>>) target(%arg15 : memref<80x64xi32, #tpu.memory_space<vmem>>) offsets(%dma_start3A_182 : memref<80xi32, #tpu.memory_space<vmem>>) semaphore(%arg20 : memref<!tpu.dma_semaphore, #tpu.memory_space<semaphore_mem>>)
      } else {
      }
    }
    %scan3A_48 = arith.constant 31 : i32
    %dma_wait3A = arith.constant 0 : i32
    %dma_wait3A_49 = tpu.memref_slice %arg6[%dma_wait3A] : memref<10000xi32, #tpu.memory_space<vmem>> -> memref<80xi32, #tpu.memory_space<vmem>>
    %dma_wait3A_50 = arith.constant 0 : i32
    %dma_wait3A_51 = arith.constant 0 : i32
    %dma_wait3A_52 = tpu.memref_slice %arg21[%dma_wait3A_50, %dma_wait3A_51] : memref<10000x64xi32, #tpu.memory_space<vmem_shared>> -> memref<10000x64xi32, #tpu.memory_space<vmem_shared>>
    tpu.wait_indirect_dma semaphore(%arg17 : memref<!tpu.dma_semaphore, #tpu.memory_space<semaphore_mem>>) src(%dma_wait3A_52 : memref<10000x64xi32, #tpu.memory_space<vmem_shared>>) dst(%arg8 : memref<80x64xi32, #tpu.memory_space<vmem>>)
    %dma_wait3A_53 = arith.constant 0 : i32
    %dma_wait3A_54 = tpu.memref_slice %arg7[%dma_wait3A_53] : memref<10000xi32, #tpu.memory_space<vmem>> -> memref<80xi32, #tpu.memory_space<vmem>>
    %dma_wait3A_55 = arith.constant 0 : i32
    %dma_wait3A_56 = arith.constant 0 : i32
    %dma_wait3A_57 = tpu.memref_slice %arg21[%dma_wait3A_55, %dma_wait3A_56] : memref<10000x64xi32, #tpu.memory_space<vmem_shared>> -> memref<10000x64xi32, #tpu.memory_space<vmem_shared>>
    tpu.wait_indirect_dma semaphore(%arg17 : memref<!tpu.dma_semaphore, #tpu.memory_space<semaphore_mem>>) src(%dma_wait3A_57 : memref<10000x64xi32, #tpu.memory_space<vmem_shared>>) dst(%arg9 : memref<80x64xi32, #tpu.memory_space<vmem>>)
    %scan3A_58 = arith.constant 0 : i32
    %scan3A_59 = arith.constant 0 : i32
    %scan3A_60 = arith.constant 5 : i32
    %scan3A_61 = arith.addi %scan3A_59, %scan3A_60 : i32
    %scan3A_62 = arith.constant 1 : i32
    scf.for %scan3A_64 = %scan3A_59 to %scan3A_61 step %scan3A_62  : i32 {
      %mul3A_65 = arith.constant 16 : i32
      %mul3A_66 = arith.muli %scan3A_64, %mul3A_65 : i32
      %add3A_67 = vector.broadcast %mul3A_66 : i32 to vector<16xi32>
      %add3A_68 = arith.addi %iota3A, %add3A_67 : vector<16xi32>
      %broadcast_in_dim3A = arith.constant 0.000000e+00 : f32
      %broadcast_in_dim3A_69 = vector.broadcast %broadcast_in_dim3A : f32 to vector<16xf32>
      %scan3A_70 = arith.constant 0 : i32
      %scan3A_71 = arith.constant 16 : i32
      %scan3A_72 = arith.addi %scan3A_70, %scan3A_71 : i32
      %scan3A_73 = arith.constant 4 : i32
      %scan3A_74:2 = scf.for %scan3A_82 = %scan3A_70 to %scan3A_72 step %scan3A_73 iter_args(%scan3A_83 = %broadcast_in_dim3A_69, %scan3A_84 = %broadcast_in_dim3A_69) -> (vector<16xf32>, vector<16xf32>)  : i32 {
        %broadcast_in_dim3A_85 = arith.constant 0.000000e+00 : bf16
        %broadcast_in_dim3A_86 = vector.broadcast %broadcast_in_dim3A_85 : bf16 to vector<32xbf16>
        %mul3A_87 = arith.constant 4 : i32
        %mul3A_88 = arith.muli %scan3A_82, %mul3A_87 : i32
        %add3A_89 = arith.constant 0 : i32
        %add3A_90 = arith.addi %mul3A_88, %add3A_89 : i32
        %add3A_91 = vector.broadcast %add3A_90 : i32 to vector<16xi32>
        %add3A_92 = arith.addi %iota3A, %add3A_91 : vector<16xi32>
        %and3A = arith.constant 63 : i32
        %and3A_93 = vector.broadcast %and3A : i32 to vector<16xi32>
        %and3A_94 = arith.andi %add3A_92, %and3A_93 : vector<16xi32>
        %gather3A = tpu.vector_load_idx %arg8[%add3A_68, %and3A_94] : memref<80x64xi32, #tpu.memory_space<vmem>>[vector<16xi32>, vector<16xi32>], vector<16xi32>,
        %gather3A_95 = tpu.vector_load_idx %arg9[%add3A_68, %and3A_94] : memref<80x64xi32, #tpu.memory_space<vmem>>[vector<16xi32>, vector<16xi32>], vector<16xi32>,
        %bitcast3A = vector.bitcast %gather3A : vector<16xi32> to vector<32xbf16>
        %bitcast3A_96 = vector.bitcast %gather3A_95 : vector<16xi32> to vector<32xbf16>
        %mul3A_97 = arith.mulf %bitcast3A, %bitcast3A_96 : vector<32xbf16>
        %add3A_98 = arith.addf %broadcast_in_dim3A_86, %mul3A_97 : vector<32xbf16>
        %mul3A_99 = arith.constant 4 : i32
        %mul3A_100 = arith.muli %scan3A_82, %mul3A_99 : i32
        %add3A_101 = arith.constant 1 : i32
        %add3A_102 = arith.addi %mul3A_100, %add3A_101 : i32
        %add3A_103 = vector.broadcast %add3A_102 : i32 to vector<16xi32>
        %add3A_104 = arith.addi %iota3A, %add3A_103 : vector<16xi32>
        %and3A_105 = arith.constant 63 : i32
        %and3A_106 = vector.broadcast %and3A_105 : i32 to vector<16xi32>
        %and3A_107 = arith.andi %add3A_104, %and3A_106 : vector<16xi32>
        %gather3A_108 = tpu.vector_load_idx %arg8[%add3A_68, %and3A_107] : memref<80x64xi32, #tpu.memory_space<vmem>>[vector<16xi32>, vector<16xi32>], vector<16xi32>,
        %gather3A_109 = tpu.vector_load_idx %arg9[%add3A_68, %and3A_107] : memref<80x64xi32, #tpu.memory_space<vmem>>[vector<16xi32>, vector<16xi32>], vector<16xi32>,
        %bitcast3A_110 = vector.bitcast %gather3A_108 : vector<16xi32> to vector<32xbf16>
        %bitcast3A_111 = vector.bitcast %gather3A_109 : vector<16xi32> to vector<32xbf16>
        %mul3A_112 = arith.mulf %bitcast3A_110, %bitcast3A_111 : vector<32xbf16>
        %add3A_113 = arith.addf %add3A_98, %mul3A_112 : vector<32xbf16>
        %mul3A_114 = arith.constant 4 : i32
        %mul3A_115 = arith.muli %scan3A_82, %mul3A_114 : i32
        %add3A_116 = arith.constant 2 : i32
        %add3A_117 = arith.addi %mul3A_115, %add3A_116 : i32
        %add3A_118 = vector.broadcast %add3A_117 : i32 to vector<16xi32>
        %add3A_119 = arith.addi %iota3A, %add3A_118 : vector<16xi32>
        %and3A_120 = arith.constant 63 : i32
        %and3A_121 = vector.broadcast %and3A_120 : i32 to vector<16xi32>
        %and3A_122 = arith.andi %add3A_119, %and3A_121 : vector<16xi32>
        %gather3A_123 = tpu.vector_load_idx %arg8[%add3A_68, %and3A_122] : memref<80x64xi32, #tpu.memory_space<vmem>>[vector<16xi32>, vector<16xi32>], vector<16xi32>,
        %gather3A_124 = tpu.vector_load_idx %arg9[%add3A_68, %and3A_122] : memref<80x64xi32, #tpu.memory_space<vmem>>[vector<16xi32>, vector<16xi32>], vector<16xi32>,
        %bitcast3A_125 = vector.bitcast %gather3A_123 : vector<16xi32> to vector<32xbf16>
        %bitcast3A_126 = vector.bitcast %gather3A_124 : vector<16xi32> to vector<32xbf16>
        %mul3A_127 = arith.mulf %bitcast3A_125, %bitcast3A_126 : vector<32xbf16>
        %add3A_128 = arith.addf %add3A_113, %mul3A_127 : vector<32xbf16>
        %mul3A_129 = arith.constant 4 : i32
        %mul3A_130 = arith.muli %scan3A_82, %mul3A_129 : i32
        %add3A_131 = arith.constant 3 : i32
        %add3A_132 = arith.addi %mul3A_130, %add3A_131 : i32
        %add3A_133 = vector.broadcast %add3A_132 : i32 to vector<16xi32>
        %add3A_134 = arith.addi %iota3A, %add3A_133 : vector<16xi32>
        %and3A_135 = arith.constant 63 : i32
        %and3A_136 = vector.broadcast %and3A_135 : i32 to vector<16xi32>
        %and3A_137 = arith.andi %add3A_134, %and3A_136 : vector<16xi32>
        %gather3A_138 = tpu.vector_load_idx %arg8[%add3A_68, %and3A_137] : memref<80x64xi32, #tpu.memory_space<vmem>>[vector<16xi32>, vector<16xi32>], vector<16xi32>,
        %gather3A_139 = tpu.vector_load_idx %arg9[%add3A_68, %and3A_137] : memref<80x64xi32, #tpu.memory_space<vmem>>[vector<16xi32>, vector<16xi32>], vector<16xi32>,
        %bitcast3A_140 = vector.bitcast %gather3A_138 : vector<16xi32> to vector<32xbf16>
        %bitcast3A_141 = vector.bitcast %gather3A_139 : vector<16xi32> to vector<32xbf16>
        %mul3A_142 = arith.mulf %bitcast3A_140, %bitcast3A_141 : vector<32xbf16>
        %add3A_143 = arith.addf %add3A_128, %mul3A_142 : vector<32xbf16>
        %unpack3A = tpu.unpack_subelements %add3A_143, 0 {pack_format = #tpu.pack_format<interleaved>} : vector<32xbf16> -> vector<16xf32>
        %unpack3A_144 = tpu.unpack_subelements %add3A_143, 1 {pack_format = #tpu.pack_format<interleaved>} : vector<32xbf16> -> vector<16xf32>
        %add3A_145 = arith.addf %scan3A_83, %unpack3A : vector<16xf32>
        %add3A_146 = arith.addf %scan3A_84, %unpack3A_144 : vector<16xf32>
        %scan3A_147 = arith.constant 1 : i32
        %scan3A_148 = arith.addi %scan3A_82, %scan3A_147 : i32
        %broadcast_in_dim3A_149 = arith.constant 0.000000e+00 : bf16
        %broadcast_in_dim3A_150 = vector.broadcast %broadcast_in_dim3A_149 : bf16 to vector<32xbf16>
        %mul3A_151 = arith.constant 4 : i32
        %mul3A_152 = arith.muli %scan3A_148, %mul3A_151 : i32
        %add3A_153 = arith.constant 0 : i32
        %add3A_154 = arith.addi %mul3A_152, %add3A_153 : i32
        %add3A_155 = vector.broadcast %add3A_154 : i32 to vector<16xi32>
        %add3A_156 = arith.addi %iota3A, %add3A_155 : vector<16xi32>
        %and3A_157 = arith.constant 63 : i32
        %and3A_158 = vector.broadcast %and3A_157 : i32 to vector<16xi32>
        %and3A_159 = arith.andi %add3A_156, %and3A_158 : vector<16xi32>
        %gather3A_160 = tpu.vector_load_idx %arg8[%add3A_68, %and3A_159] : memref<80x64xi32, #tpu.memory_space<vmem>>[vector<16xi32>, vector<16xi32>], vector<16xi32>,
        %gather3A_161 = tpu.vector_load_idx %arg9[%add3A_68, %and3A_159] : memref<80x64xi32, #tpu.memory_space<vmem>>[vector<16xi32>, vector<16xi32>], vector<16xi32>,
        %bitcast3A_162 = vector.bitcast %gather3A_160 : vector<16xi32> to vector<32xbf16>
        %bitcast3A_163 = vector.bitcast %gather3A_161 : vector<16xi32> to vector<32xbf16>
        %mul3A_164 = arith.mulf %bitcast3A_162, %bitcast3A_163 : vector<32xbf16>
        %add3A_165 = arith.addf %broadcast_in_dim3A_150, %mul3A_164 : vector<32xbf16>
        %mul3A_166 = arith.constant 4 : i32
        %mul3A_167 = arith.muli %scan3A_148, %mul3A_166 : i32
        %add3A_168 = arith.constant 1 : i32
        %add3A_169 = arith.addi %mul3A_167, %add3A_168 : i32
        %add3A_170 = vector.broadcast %add3A_169 : i32 to vector<16xi32>
        %add3A_171 = arith.addi %iota3A, %add3A_170 : vector<16xi32>
        %and3A_172 = arith.constant 63 : i32
        %and3A_173 = vector.broadcast %and3A_172 : i32 to vector<16xi32>
        %and3A_174 = arith.andi %add3A_171, %and3A_173 : vector<16xi32>
        %gather3A_175 = tpu.vector_load_idx %arg8[%add3A_68, %and3A_174] : memref<80x64xi32, #tpu.memory_space<vmem>>[vector<16xi32>, vector<16xi32>], vector<16xi32>,
        %gather3A_176 = tpu.vector_load_idx %arg9[%add3A_68, %and3A_174] : memref<80x64xi32, #tpu.memory_space<vmem>>[vector<16xi32>, vector<16xi32>], vector<16xi32>,
        %bitcast3A_177 = vector.bitcast %gather3A_175 : vector<16xi32> to vector<32xbf16>
        %bitcast3A_178 = vector.bitcast %gather3A_176 : vector<16xi32> to vector<32xbf16>
        %mul3A_179 = arith.mulf %bitcast3A_177, %bitcast3A_178 : vector<32xbf16>
        %add3A_180 = arith.addf %add3A_165, %mul3A_179 : vector<32xbf16>
        %mul3A_181 = arith.constant 4 : i32
        %mul3A_182 = arith.muli %scan3A_148, %mul3A_181 : i32
        %add3A_183 = arith.constant 2 : i32
        %add3A_184 = arith.addi %mul3A_182, %add3A_183 : i32
        %add3A_185 = vector.broadcast %add3A_184 : i32 to vector<16xi32>
        %add3A_186 = arith.addi %iota3A, %add3A_185 : vector<16xi32>
        %and3A_187 = arith.constant 63 : i32
        %and3A_188 = vector.broadcast %and3A_187 : i32 to vector<16xi32>
        %and3A_189 = arith.andi %add3A_186, %and3A_188 : vector<16xi32>
        %gather3A_190 = tpu.vector_load_idx %arg8[%add3A_68, %and3A_189] : memref<80x64xi32, #tpu.memory_space<vmem>>[vector<16xi32>, vector<16xi32>], vector<16xi32>,
        %gather3A_191 = tpu.vector_load_idx %arg9[%add3A_68, %and3A_189] : memref<80x64xi32, #tpu.memory_space<vmem>>[vector<16xi32>, vector<16xi32>], vector<16xi32>,
        %bitcast3A_192 = vector.bitcast %gather3A_190 : vector<16xi32> to vector<32xbf16>
        %bitcast3A_193 = vector.bitcast %gather3A_191 : vector<16xi32> to vector<32xbf16>
        %mul3A_194 = arith.mulf %bitcast3A_192, %bitcast3A_193 : vector<32xbf16>
        %add3A_195 = arith.addf %add3A_180, %mul3A_194 : vector<32xbf16>
        %mul3A_196 = arith.constant 4 : i32
        %mul3A_197 = arith.muli %scan3A_148, %mul3A_196 : i32
        %add3A_198 = arith.constant 3 : i32
        %add3A_199 = arith.addi %mul3A_197, %add3A_198 : i32
        %add3A_200 = vector.broadcast %add3A_199 : i32 to vector<16xi32>
        %add3A_201 = arith.addi %iota3A, %add3A_200 : vector<16xi32>
        %and3A_202 = arith.constant 63 : i32
        %and3A_203 = vector.broadcast %and3A_202 : i32 to vector<16xi32>
        %and3A_204 = arith.andi %add3A_201, %and3A_203 : vector<16xi32>
        %gather3A_205 = tpu.vector_load_idx %arg8[%add3A_68, %and3A_204] : memref<80x64xi32, #tpu.memory_space<vmem>>[vector<16xi32>, vector<16xi32>], vector<16xi32>,
        %gather3A_206 = tpu.vector_load_idx %arg9[%add3A_68, %and3A_204] : memref<80x64xi32, #tpu.memory_space<vmem>>[vector<16xi32>, vector<16xi32>], vector<16xi32>,
        %bitcast3A_207 = vector.bitcast %gather3A_205 : vector<16xi32> to vector<32xbf16>
        %bitcast3A_208 = vector.bitcast %gather3A_206 : vector<16xi32> to vector<32xbf16>
        %mul3A_209 = arith.mulf %bitcast3A_207, %bitcast3A_208 : vector<32xbf16>
        %add3A_210 = arith.addf %add3A_195, %mul3A_209 : vector<32xbf16>
        %unpack3A_211 = tpu.unpack_subelements %add3A_210, 0 {pack_format = #tpu.pack_format<interleaved>} : vector<32xbf16> -> vector<16xf32>
        %unpack3A_212 = tpu.unpack_subelements %add3A_210, 1 {pack_format = #tpu.pack_format<interleaved>} : vector<32xbf16> -> vector<16xf32>
        %add3A_213 = arith.addf %add3A_145, %unpack3A_211 : vector<16xf32>
        %add3A_214 = arith.addf %add3A_146, %unpack3A_212 : vector<16xf32>
        %scan3A_215 = arith.constant 2 : i32
        %scan3A_216 = arith.addi %scan3A_82, %scan3A_215 : i32
        %broadcast_in_dim3A_217 = arith.constant 0.000000e+00 : bf16
        %broadcast_in_dim3A_218 = vector.broadcast %broadcast_in_dim3A_217 : bf16 to vector<32xbf16>
        %mul3A_219 = arith.constant 4 : i32
        %mul3A_220 = arith.muli %scan3A_216, %mul3A_219 : i32
        %add3A_221 = arith.constant 0 : i32
        %add3A_222 = arith.addi %mul3A_220, %add3A_221 : i32
        %add3A_223 = vector.broadcast %add3A_222 : i32 to vector<16xi32>
        %add3A_224 = arith.addi %iota3A, %add3A_223 : vector<16xi32>
        %and3A_225 = arith.constant 63 : i32
        %and3A_226 = vector.broadcast %and3A_225 : i32 to vector<16xi32>
        %and3A_227 = arith.andi %add3A_224, %and3A_226 : vector<16xi32>
        %gather3A_228 = tpu.vector_load_idx %arg8[%add3A_68, %and3A_227] : memref<80x64xi32, #tpu.memory_space<vmem>>[vector<16xi32>, vector<16xi32>], vector<16xi32>,
        %gather3A_229 = tpu.vector_load_idx %arg9[%add3A_68, %and3A_227] : memref<80x64xi32, #tpu.memory_space<vmem>>[vector<16xi32>, vector<16xi32>], vector<16xi32>,
        %bitcast3A_230 = vector.bitcast %gather3A_228 : vector<16xi32> to vector<32xbf16>
        %bitcast3A_231 = vector.bitcast %gather3A_229 : vector<16xi32> to vector<32xbf16>
        %mul3A_232 = arith.mulf %bitcast3A_230, %bitcast3A_231 : vector<32xbf16>
        %add3A_233 = arith.addf %broadcast_in_dim3A_218, %mul3A_232 : vector<32xbf16>
        %mul3A_234 = arith.constant 4 : i32
        %mul3A_235 = arith.muli %scan3A_216, %mul3A_234 : i32
        %add3A_236 = arith.constant 1 : i32
        %add3A_237 = arith.addi %mul3A_235, %add3A_236 : i32
        %add3A_238 = vector.broadcast %add3A_237 : i32 to vector<16xi32>
        %add3A_239 = arith.addi %iota3A, %add3A_238 : vector<16xi32>
        %and3A_240 = arith.constant 63 : i32
        %and3A_241 = vector.broadcast %and3A_240 : i32 to vector<16xi32>
        %and3A_242 = arith.andi %add3A_239, %and3A_241 : vector<16xi32>
        %gather3A_243 = tpu.vector_load_idx %arg8[%add3A_68, %and3A_242] : memref<80x64xi32, #tpu.memory_space<vmem>>[vector<16xi32>, vector<16xi32>], vector<16xi32>,
        %gather3A_244 = tpu.vector_load_idx %arg9[%add3A_68, %and3A_242] : memref<80x64xi32, #tpu.memory_space<vmem>>[vector<16xi32>, vector<16xi32>], vector<16xi32>,
        %bitcast3A_245 = vector.bitcast %gather3A_243 : vector<16xi32> to vector<32xbf16>
        %bitcast3A_246 = vector.bitcast %gather3A_244 : vector<16xi32> to vector<32xbf16>
        %mul3A_247 = arith.mulf %bitcast3A_245, %bitcast3A_246 : vector<32xbf16>
        %add3A_248 = arith.addf %add3A_233, %mul3A_247 : vector<32xbf16>
        %mul3A_249 = arith.constant 4 : i32
        %mul3A_250 = arith.muli %scan3A_216, %mul3A_249 : i32
        %add3A_251 = arith.constant 2 : i32
        %add3A_252 = arith.addi %mul3A_250, %add3A_251 : i32
        %add3A_253 = vector.broadcast %add3A_252 : i32 to vector<16xi32>
        %add3A_254 = arith.addi %iota3A, %add3A_253 : vector<16xi32>
        %and3A_255 = arith.constant 63 : i32
        %and3A_256 = vector.broadcast %and3A_255 : i32 to vector<16xi32>
        %and3A_257 = arith.andi %add3A_254, %and3A_256 : vector<16xi32>
        %gather3A_258 = tpu.vector_load_idx %arg8[%add3A_68, %and3A_257] : memref<80x64xi32, #tpu.memory_space<vmem>>[vector<16xi32>, vector<16xi32>], vector<16xi32>,
        %gather3A_259 = tpu.vector_load_idx %arg9[%add3A_68, %and3A_257] : memref<80x64xi32, #tpu.memory_space<vmem>>[vector<16xi32>, vector<16xi32>], vector<16xi32>,
        %bitcast3A_260 = vector.bitcast %gather3A_258 : vector<16xi32> to vector<32xbf16>
        %bitcast3A_261 = vector.bitcast %gather3A_259 : vector<16xi32> to vector<32xbf16>
        %mul3A_262 = arith.mulf %bitcast3A_260, %bitcast3A_261 : vector<32xbf16>
        %add3A_263 = arith.addf %add3A_248, %mul3A_262 : vector<32xbf16>
        %mul3A_264 = arith.constant 4 : i32
        %mul3A_265 = arith.muli %scan3A_216, %mul3A_264 : i32
        %add3A_266 = arith.constant 3 : i32
        %add3A_267 = arith.addi %mul3A_265, %add3A_266 : i32
        %add3A_268 = vector.broadcast %add3A_267 : i32 to vector<16xi32>
        %add3A_269 = arith.addi %iota3A, %add3A_268 : vector<16xi32>
        %and3A_270 = arith.constant 63 : i32
        %and3A_271 = vector.broadcast %and3A_270 : i32 to vector<16xi32>
        %and3A_272 = arith.andi %add3A_269, %and3A_271 : vector<16xi32>
        %gather3A_273 = tpu.vector_load_idx %arg8[%add3A_68, %and3A_272] : memref<80x64xi32, #tpu.memory_space<vmem>>[vector<16xi32>, vector<16xi32>], vector<16xi32>,
        %gather3A_274 = tpu.vector_load_idx %arg9[%add3A_68, %and3A_272] : memref<80x64xi32, #tpu.memory_space<vmem>>[vector<16xi32>, vector<16xi32>], vector<16xi32>,
        %bitcast3A_275 = vector.bitcast %gather3A_273 : vector<16xi32> to vector<32xbf16>
        %bitcast3A_276 = vector.bitcast %gather3A_274 : vector<16xi32> to vector<32xbf16>
        %mul3A_277 = arith.mulf %bitcast3A_275, %bitcast3A_276 : vector<32xbf16>
        %add3A_278 = arith.addf %add3A_263, %mul3A_277 : vector<32xbf16>
        %unpack3A_279 = tpu.unpack_subelements %add3A_278, 0 {pack_format = #tpu.pack_format<interleaved>} : vector<32xbf16> -> vector<16xf32>
        %unpack3A_280 = tpu.unpack_subelements %add3A_278, 1 {pack_format = #tpu.pack_format<interleaved>} : vector<32xbf16> -> vector<16xf32>
        %add3A_281 = arith.addf %add3A_213, %unpack3A_279 : vector<16xf32>
        %add3A_282 = arith.addf %add3A_214, %unpack3A_280 : vector<16xf32>
        %scan3A_283 = arith.constant 3 : i32
        %scan3A_284 = arith.addi %scan3A_82, %scan3A_283 : i32
        %broadcast_in_dim3A_285 = arith.constant 0.000000e+00 : bf16
        %broadcast_in_dim3A_286 = vector.broadcast %broadcast_in_dim3A_285 : bf16 to vector<32xbf16>
        %mul3A_287 = arith.constant 4 : i32
        %mul3A_288 = arith.muli %scan3A_284, %mul3A_287 : i32
        %add3A_289 = arith.constant 0 : i32
        %add3A_290 = arith.addi %mul3A_288, %add3A_289 : i32
        %add3A_291 = vector.broadcast %add3A_290 : i32 to vector<16xi32>
        %add3A_292 = arith.addi %iota3A, %add3A_291 : vector<16xi32>
        %and3A_293 = arith.constant 63 : i32
        %and3A_294 = vector.broadcast %and3A_293 : i32 to vector<16xi32>
        %and3A_295 = arith.andi %add3A_292, %and3A_294 : vector<16xi32>
        %gather3A_296 = tpu.vector_load_idx %arg8[%add3A_68, %and3A_295] : memref<80x64xi32, #tpu.memory_space<vmem>>[vector<16xi32>, vector<16xi32>], vector<16xi32>,
        %gather3A_297 = tpu.vector_load_idx %arg9[%add3A_68, %and3A_295] : memref<80x64xi32, #tpu.memory_space<vmem>>[vector<16xi32>, vector<16xi32>], vector<16xi32>,
        %bitcast3A_298 = vector.bitcast %gather3A_296 : vector<16xi32> to vector<32xbf16>
        %bitcast3A_299 = vector.bitcast %gather3A_297 : vector<16xi32> to vector<32xbf16>
        %mul3A_300 = arith.mulf %bitcast3A_298, %bitcast3A_299 : vector<32xbf16>
        %add3A_301 = arith.addf %broadcast_in_dim3A_286, %mul3A_300 : vector<32xbf16>
        %mul3A_302 = arith.constant 4 : i32
        %mul3A_303 = arith.muli %scan3A_284, %mul3A_302 : i32
        %add3A_304 = arith.constant 1 : i32
        %add3A_305 = arith.addi %mul3A_303, %add3A_304 : i32
        %add3A_306 = vector.broadcast %add3A_305 : i32 to vector<16xi32>
        %add3A_307 = arith.addi %iota3A, %add3A_306 : vector<16xi32>
        %and3A_308 = arith.constant 63 : i32
        %and3A_309 = vector.broadcast %and3A_308 : i32 to vector<16xi32>
        %and3A_310 = arith.andi %add3A_307, %and3A_309 : vector<16xi32>
        %gather3A_311 = tpu.vector_load_idx %arg8[%add3A_68, %and3A_310] : memref<80x64xi32, #tpu.memory_space<vmem>>[vector<16xi32>, vector<16xi32>], vector<16xi32>,
        %gather3A_312 = tpu.vector_load_idx %arg9[%add3A_68, %and3A_310] : memref<80x64xi32, #tpu.memory_space<vmem>>[vector<16xi32>, vector<16xi32>], vector<16xi32>,
        %bitcast3A_313 = vector.bitcast %gather3A_311 : vector<16xi32> to vector<32xbf16>
        %bitcast3A_314 = vector.bitcast %gather3A_312 : vector<16xi32> to vector<32xbf16>
        %mul3A_315 = arith.mulf %bitcast3A_313, %bitcast3A_314 : vector<32xbf16>
        %add3A_316 = arith.addf %add3A_301, %mul3A_315 : vector<32xbf16>
        %mul3A_317 = arith.constant 4 : i32
        %mul3A_318 = arith.muli %scan3A_284, %mul3A_317 : i32
        %add3A_319 = arith.constant 2 : i32
        %add3A_320 = arith.addi %mul3A_318, %add3A_319 : i32
        %add3A_321 = vector.broadcast %add3A_320 : i32 to vector<16xi32>
        %add3A_322 = arith.addi %iota3A, %add3A_321 : vector<16xi32>
        %and3A_323 = arith.constant 63 : i32
        %and3A_324 = vector.broadcast %and3A_323 : i32 to vector<16xi32>
        %and3A_325 = arith.andi %add3A_322, %and3A_324 : vector<16xi32>
        %gather3A_326 = tpu.vector_load_idx %arg8[%add3A_68, %and3A_325] : memref<80x64xi32, #tpu.memory_space<vmem>>[vector<16xi32>, vector<16xi32>], vector<16xi32>,
        %gather3A_327 = tpu.vector_load_idx %arg9[%add3A_68, %and3A_325] : memref<80x64xi32, #tpu.memory_space<vmem>>[vector<16xi32>, vector<16xi32>], vector<16xi32>,
        %bitcast3A_328 = vector.bitcast %gather3A_326 : vector<16xi32> to vector<32xbf16>
        %bitcast3A_329 = vector.bitcast %gather3A_327 : vector<16xi32> to vector<32xbf16>
        %mul3A_330 = arith.mulf %bitcast3A_328, %bitcast3A_329 : vector<32xbf16>
        %add3A_331 = arith.addf %add3A_316, %mul3A_330 : vector<32xbf16>
        %mul3A_332 = arith.constant 4 : i32
        %mul3A_333 = arith.muli %scan3A_284, %mul3A_332 : i32
        %add3A_334 = arith.constant 3 : i32
        %add3A_335 = arith.addi %mul3A_333, %add3A_334 : i32
        %add3A_336 = vector.broadcast %add3A_335 : i32 to vector<16xi32>
        %add3A_337 = arith.addi %iota3A, %add3A_336 : vector<16xi32>
        %and3A_338 = arith.constant 63 : i32
        %and3A_339 = vector.broadcast %and3A_338 : i32 to vector<16xi32>
        %and3A_340 = arith.andi %add3A_337, %and3A_339 : vector<16xi32>
        %gather3A_341 = tpu.vector_load_idx %arg8[%add3A_68, %and3A_340] : memref<80x64xi32, #tpu.memory_space<vmem>>[vector<16xi32>, vector<16xi32>], vector<16xi32>,
        %gather3A_342 = tpu.vector_load_idx %arg9[%add3A_68, %and3A_340] : memref<80x64xi32, #tpu.memory_space<vmem>>[vector<16xi32>, vector<16xi32>], vector<16xi32>,
        %bitcast3A_343 = vector.bitcast %gather3A_341 : vector<16xi32> to vector<32xbf16>
        %bitcast3A_344 = vector.bitcast %gather3A_342 : vector<16xi32> to vector<32xbf16>
        %mul3A_345 = arith.mulf %bitcast3A_343, %bitcast3A_344 : vector<32xbf16>
        %add3A_346 = arith.addf %add3A_331, %mul3A_345 : vector<32xbf16>
        %unpack3A_347 = tpu.unpack_subelements %add3A_346, 0 {pack_format = #tpu.pack_format<interleaved>} : vector<32xbf16> -> vector<16xf32>
        %unpack3A_348 = tpu.unpack_subelements %add3A_346, 1 {pack_format = #tpu.pack_format<interleaved>} : vector<32xbf16> -> vector<16xf32>
        %add3A_349 = arith.addf %add3A_281, %unpack3A_347 : vector<16xf32>
        %add3A_350 = arith.addf %add3A_282, %unpack3A_348 : vector<16xf32>
        scf.yield %add3A_349, %add3A_350 : vector<16xf32>, vector<16xf32>
      }
      %scan3A_75 = arith.constant 16 : i32
      %add3A_76 = arith.addf %scan3A_74#0, %scan3A_74#1 : vector<16xf32>
      %mul3A_77 = arith.constant 16 : i32
      %mul3A_78 = arith.muli %scan3A_64, %mul3A_77 : i32
      %add3A_79 = arith.constant 9920 : i32
      %add3A_80 = arith.addi %add3A_79, %mul3A_78 : i32
      %swap3A = arith.index_cast %add3A_80 : i32 to index
      %swap3A_81 = tpu.vector_load %arg16[%swap3A] {strides = array<i32>} : memref<10000xf32, #tpu.memory_space<vmem>>, vector<16xf32>,
      tpu.vector_store %arg16[%swap3A], %add3A_76 {strides = array<i32>} : memref<10000xf32, #tpu.memory_space<vmem>>, vector<16xf32>,
    }
    %scan3A_63 = arith.constant 5 : i32
    "tpu.region"() ({
      %run_scoped3A = tpu.sem_alloc : memref<!tpu.dma_semaphore, #tpu.memory_space<semaphore_mem>>
      %dma_start3A_64 = tpu.memref_slice %arg5[%mul3A_2] : memref<320000xf32, #tpu.memory_space<hbm>> -> memref<10000xf32, #tpu.memory_space<hbm>>
      %dma_start3A_65 = tpu.memref_slice %arg5[%mul3A_2] : memref<320000xf32, #tpu.memory_space<hbm>> -> memref<10000xf32, #tpu.memory_space<hbm>>
      tpu.enqueue_dma source(%arg16 : memref<10000xf32, #tpu.memory_space<vmem>>) target(%dma_start3A_65 : memref<10000xf32, #tpu.memory_space<hbm>>) target_semaphore(%run_scoped3A : memref<!tpu.dma_semaphore, #tpu.memory_space<semaphore_mem>>)
      %dma_wait3A_66 = tpu.memref_slice %arg5[%mul3A_2] : memref<320000xf32, #tpu.memory_space<hbm>> -> memref<10000xf32, #tpu.memory_space<hbm>>
      %dma_wait3A_67 = tpu.memref_slice %arg5[%mul3A_2] : memref<320000xf32, #tpu.memory_space<hbm>> -> memref<10000xf32, #tpu.memory_space<hbm>>
      tpu.wait_dma2 semaphore(%run_scoped3A : memref<!tpu.dma_semaphore, #tpu.memory_space<semaphore_mem>>) src(%arg16 : memref<10000xf32, #tpu.memory_space<vmem>>) dst(%dma_wait3A_67 : memref<10000xf32, #tpu.memory_space<hbm>>)
      tpu.yield
    }) : () -> ()
    return
  }
}

</mosaic_0001>

<sc_bundles>
// kernel: kernel.3.cloned.1.call-start
scs
__scs_entry_jumppad:
0x0: {  	(pc) =	sbr.rel $0x88, $3  }
0x1: {  	(tag) =	ssettag $0x0;
	lr =	simm.s32 $0x1  }
0x2: {  	[smem:$0x3F9F] =	sst lr;
	_ =	strace $0xD0000000  }
0x3: {  	_ = 	snop  }
0x4: {  	_ = 	snop  }
0x5: {  	_ = 	snop  }
0x6: {  	_ = 	snop  }
0x7: {  	_ = 	snop  }
__scs_overlays_trampoline_lowered:
0x8: {  	[smem:$0x3FAE] =	sst s0  }
0x9: {  	[smem:$0x3FAF] =	sst s1  }
0xa: {  	[smem:$0x3FB0] =	sst s2  }
0xb: {  	[smem:$0x3FB1] =	sst s3  }
0xc: {  	[smem:$0x3FB2] =	sst s4  }
0xd: {  	[smem:$0x3FB3] =	sst s5  }
0xe: {  	[smem:$0x3FB4] =	sst s6  }
0xf: {  	[smem:$0x3FB5] =	sst s7  }
0x10: {  	[smem:$0x3FB6] =	sst s8  }
0x11: {  	[smem:$0x3FB7] =	sst s9;
	s0 =	simm.s32 @!p0 $0x0  }
0x12: {  	s1 =	sld [smem:$0x3F9D];
	s0 =	simm.s32 @p0 $0x1  }
0x13: {  	[smem:$0x3FB8] =	sst s0;
	s0 =	simm.s32 @!p1 $0x0  }
0x14: {  	s2 =	sld [smem:$0x3F9C];
	s0 =	simm.s32 @p1 $0x1  }
0x15: {  	[smem:$0x3FB9] =	sst s0;
	s0 =	simm.s32 @!p2 $0x0  }
0x16: {  	s3 =	sld [smem:$0x3FDB];
	s0 =	simm.s32 @p2 $0x1  }
0x17: {  	s4 =	simm.s32 $0x1BF5;
	[smem:$0x3FBB] =	sst s0  }
0x18: {  	s0 =	sld [smem:$0x3F9E];
	_ =	swait.ge [sflag:s4], $0x0  }
0x19: {  	s7 =	sld [smem:$0x3F9F]  }
0x1a: {  	s8 =	sadd.s32 $0xFFFFE003, lr  }
0x1b: {  	s9 =	sadd.s32 $0xFFFFFEF7, lr;
	s5 =	simm.s32 $0xFFFFFFFF;
	p2 =	slt.u32 s8, $0xFFFFF086  }
0x1c: {  	p1 =	slt.u32 s9, $0xF7A;
	s5 =	simm.s32 @!p2 $0x0  }
0x1d: {  	s5 =	simm.s32 @p1 $0x1;
	p0 =	seq.s32 s7, s2  }
0x1e: {  	s7 =	smul.u32 @!p0 $0xF7A, s2;
	p2 =	seq.s32 @!p0 s5, $0x0  }
0x1f: {  	s9 =	smul.u32 $0xF7A, s1;
	s8 =	simm.s32 @!p0 $0x1BF5;
	p2 =	por !p2, p0  }
0x20: {  	[sflag:s8] =	ssyncset.s32 @!p0 $0xFFFFF086;
	s6 =	sadd.s32 @!p0 s3, s7;
	s7 =	simm.s32 @!p0 $0x108  }
0x21: {  	s3 =	sadd.s32 s3, s9;
	s6 =	sadd.s32 @!p0 $0x88, s6;
	s7 =	simm.s32 @p2 $0x1082  }
0x22: {  	[simem:s7], [sflag:s8] =	dma.local @!p0 [hbm:s6], $0xF7A  }
0x23: {  	s9 =	sor.u32 $0xD0000000, s2;
	s6 =	simm.s32 $0x108;
	_ =	swait.ge @!p0 [sflag:s8], $0x0  }
0x24: {  	s3 =	sadd.s32 $0x88, s3;
	s6 =	simm.s32 @!p1 $0x1082;
	[sflag:s4] =	ssyncset.s32 $0xFFFFF086  }
0x25: {  	[simem:s6], [sflag:s4] =	dma.local [hbm:s3], $0xF7A  }
0x26: {  	[smem:$0x3F9F] =	sst s1;
	(tag) =	ssettag s2;
	_ =	strace s9  }
0x27: {  	s1 =	sld [smem:$0x3FAF]  }
0x28: {  	s2 =	sld [smem:$0x3FB0]  }
0x29: {  	s4 =	sld [smem:$0x3FB2]  }
0x2a: {  	p0 =	seq.s32 s5, $0x0;
	s5 =	sld [smem:$0x3FB3]  }
0x2b: {  	s6 =	sld [smem:$0x3FB4]  }
0x2c: {  	s7 =	sld [smem:$0x3FB5]  }
0x2d: {  	s3 =	simm.s32 $0x108;
	s8 =	sld [smem:$0x3FB6]  }
0x2e: {  	s3 =	simm.s32 @!p0 $0x1082;
	s9 =	sld [smem:$0x3FB7]  }
0x2f: {  	lr =	sadd.s32 s0, s3;
	s0 =	sld [smem:$0x3FAE]  }
0x30: {  	s3 =	sld [smem:$0x3FB1]  }
0x31: {  	[smem:$0x3FBA] =	sst s10  }
0x32: {  	s10 =	sld [smem:$0x3FB8];
	_ =	sdelay $0x3  }
0x33: {  	p0 =	seq.s32 s10, $0x1;
	s10 =	sld [smem:$0x3FBA];
	_ =	sdelay $0x3  }
0x34: {  	[smem:$0x3FBA] =	sst s10  }
0x35: {  	s10 =	sld [smem:$0x3FB9];
	_ =	sdelay $0x3  }
0x36: {  	p1 =	seq.s32 s10, $0x1;
	s10 =	sld [smem:$0x3FBA];
	_ =	sdelay $0x3  }
0x37: {  	[smem:$0x3FBA] =	sst s10  }
0x38: {  	s10 =	sld [smem:$0x3FBB]  }
0x39: {  	_ = 	snop;
	(pc) =	sbr.ind lr, $3  }
0x3a: {  	_ = 	snop  }
0x3b: {  	_ = 	snop  }
0x3c: {  	p2 =	seq.s32 s10, $0x1;
	s10 =	sld [smem:$0x3FBA]  }
0x3d: {  	_ =	shalt  }
0x3e: {  	_ =	shalt  }
0x3f: {  	_ =	shalt  }
0x40: {  	_ =	shalt  }
0x41: {  	_ =	shalt  }
0x42: {  	_ =	shalt  }
0x43: {  	_ =	shalt  }
0x44: {  	_ =	shalt  }
0x45: {  	_ =	shalt  }
0x46: {  	_ =	shalt  }
0x47: {  	_ =	shalt  }
0x48: {  	_ =	shalt  }
0x49: {  	_ =	shalt  }
0x4a: {  	_ =	shalt  }
0x4b: {  	_ =	shalt  }
0x4c: {  	_ =	shalt  }
0x4d: {  	_ =	shalt  }
0x4e: {  	_ =	shalt  }
0x4f: {  	_ =	shalt  }
0x50: {  	_ =	shalt  }
0x51: {  	_ =	shalt  }
0x52: {  	_ =	shalt  }
0x53: {  	_ =	shalt  }
0x54: {  	_ =	shalt  }
0x55: {  	_ =	shalt  }
0x56: {  	_ =	shalt  }
0x57: {  	_ =	shalt  }
0x58: {  	_ =	shalt  }
0x59: {  	_ =	shalt  }
0x5a: {  	_ =	shalt  }
0x5b: {  	_ =	shalt  }
0x5c: {  	_ =	shalt  }
0x5d: {  	_ =	shalt  }
0x5e: {  	_ =	shalt  }
0x5f: {  	_ =	shalt  }
0x60: {  	_ =	shalt  }
0x61: {  	_ =	shalt  }
0x62: {  	_ =	shalt  }
0x63: {  	_ =	shalt  }
0x64: {  	_ =	shalt  }
0x65: {  	_ =	shalt  }
0x66: {  	_ =	shalt  }
0x67: {  	_ =	shalt  }
0x68: {  	_ =	shalt  }
0x69: {  	_ =	shalt  }
0x6a: {  	_ =	shalt  }
0x6b: {  	_ =	shalt  }
0x6c: {  	_ =	shalt  }
0x6d: {  	_ =	shalt  }
0x6e: {  	_ =	shalt  }
0x6f: {  	_ =	shalt  }
0x70: {  	_ =	shalt  }
0x71: {  	_ =	shalt  }
0x72: {  	_ =	shalt  }
0x73: {  	_ =	shalt  }
0x74: {  	_ =	shalt  }
0x75: {  	_ =	shalt  }
0x76: {  	_ =	shalt  }
0x77: {  	_ =	shalt  }
0x78: {  	_ =	shalt  }
0x79: {  	_ =	shalt  }
0x7a: {  	_ =	shalt  }
0x7b: {  	_ =	shalt  }
0x7c: {  	_ =	shalt  }
0x7d: {  	_ =	shalt  }
0x7e: {  	_ =	shalt  }
0x7f: {  	_ =	shalt  }
0x80: {  	_ =	shalt  }
0x81: {  	_ =	shalt  }
0x82: {  	_ =	shalt  }
0x83: {  	_ =	shalt  }
0x84: {  	_ =	shalt  }
0x85: {  	_ =	shalt  }
0x86: {  	_ =	shalt  }
0x87: {  	_ =	shalt  }
.Lfunc_end0:
.L_simem_size_0:
called_computation_lowered:
.L_overlay_start_0:
0x88: {  	s2 =	sld [smem:$0x3FD9]  }
0x89: {  	s3 =	sld [smem:$0x3FFE];
	_ =	sdelay $0x1  }
0x8a: {  	s1 =	srdreg.scid  }
0x8b: {  	s0 =	sand.u32 $0x1, s1  }
0x8c: {  	s17 =	sshll.u32 s0, $0xA;
	s2 =	sadd.s32 s3, s2  }
0x8d: {  	s2 =	sadd.s32 s2, s17  }
0x8e: {  	[smem:$0x3FC6] =	sst s2  }
0x8f: {  	_ = 	snop  }
0x90: {  	s2 =	sld [smem:$0x3FD0];
	(tm) =	ssettm $0x1  }
0x91: {  	s18 =	sld [smem:$0x3FFB];
	_ =	sdelay $0x3  }
0x92: {  	_ =	strace s18  }
0x93: {  	s3 =	sld [smem:$0x3FFC];
	_ =	sdelay $0x3  }
0x94: {  	_ =	strace s3  }
0x95: {  	s3 =	sld [smem:$0x3FFD];
	_ =	sdelay $0x3  }
0x96: {  	_ =	strace s3  }
0x97: {  	_ =	strace $0x8FFFFFFF  }
0x98: {  	s19 =	sld [smem:$0x3FDB];
	_ =	sdelay $0x1  }
0x99: {  	s4 =	simm.s32 $_scs_section_size  }
0x9a: {  	s5 =	simm.s32 $_size__tile_overlayer_lowered;
	s6 =	simm.s32 $_tile_overlayer_lowered  }
0x9b: {  	s22 =	simm.s32 $0x1BFF;
	s21 =	sshll.u32 s6, $0x1;
	s3 =	sadd.s32 s4, s19  }
0x9c: {  	s7 =	simm.s32 $0x0;
	s20 =	sshll.u32 s5, $0x1;
	s5 =	sadd.s32 s21, s3  }
0x9d: {  	[timem:s7], [sflag:s22] =	dma.local [hbm:s5], s20  }
0x9e: {  	_ =	swait.ge [sflag:s22], s20  }
0x9f: {  	s4 =	ssub.s32 $0x0, s20;
	[sflag:s22] =	ssyncset.done $0x0  }
0xa0: {  	[sflag:s22] =	ssyncadd.s32 s4;
	_ =	sdelay $0x1  }
0xa1: {  	s23 =	simm.s32 $0x1B8B  }
0xa2: {  	_ =	swait.ge [sflag:s23], $0x1  }
0xa3: {  	[sflag:s23] =	ssyncset.done $0x0  }
0xa4: {  	s25 =	simm.s32 $0x1B8E;
	s24 =	sld [smem:$0x3FFE];
	[sflag:s23] =	ssyncadd.s32 $0xFFFFFFFF  }
0xa5: {  	s26 =	simm.s32 $execute0_lowered;
	[smem:$0x3FD2] =	sst s25  }
0xa6: {  	s5 =	sshll.u32 s26, $0x1;
	_ =	strace $0x80000046;
	[dreg:$0x1] =	wrdreg $0xFFFFFFFF  }
0xa7: {  	s28 =	simm.s32 $_size_execute0_lowered;
	s3 =	sadd.s32 s3, s5;
	[dreg:$0x0] =	wrdreg $0x0  }
0xa8: {  	s5 =	sshll.u32 s28, $0x1;
	[dreg:$0x2] =	wrdreg s3  }
0xa9: {  	[dreg:$0x3] =	wrdreg s5  }
0xaa: {  	[dreg:$0x4] =	wrdreg $0xC0  }
0xab: {  	_ =	task [dreg:s7], $0x5FFFF  }
0xac: {  	[dreg:$0x1] =	wrdreg $0xFFFFFFFF  }
0xad: {  	[dreg:$0x0] =	wrdreg $0x60  }
0xae: {  	[dreg:$0x2] =	wrdreg s24  }
0xaf: {  	[dreg:$0x3] =	wrdreg s2  }
0xb0: {  	[dreg:$0x4] =	wrdreg $0x115300  }
0xb1: {  	[dreg:$0x5] =	wrdreg $0x9  }
0xb2: {  	_ =	task.clear_ibuf [dreg:s7], $0x6FFFF;
	_ =	strace $0x90000046  }
0xb3: {  	s29 =	simm.s32 $0x9;
	_ =	strace $0x80000048  }
0xb4: {  	_ =	swait.ge [sflag:s29], $0x1  }
0xb5: {  	[sflag:s29] =	ssyncadd.s32 $0xFFFFFFFF  }
0xb6: {  	_ =	strace $0x90000048  }
0xb7: {  	_ =	sfence  }
0xb8: {  	s30 =	sld [smem:$0x0];
	_ =	sdelay $0x2  }
0xb9: {  	s31 =	sshll.u32 s1, $0xD;
	s1 =	sshrl.u32 s1, $0x2  }
0xba: {  	s3 =	sand.u32 $0x4000, s31;
	s1 =	sadd.s32 s1, s30  }
0xbb: {  	s0 =	sor.u32 s3, s0;
	s1 =	sshll.u32 s1, $0x11  }
0xbc: {  	s0 =	sor.u32 s1, s0  }
0xbd: {  	s0 =	sadd.s32 $0x8F2B, s0  }
0xbe: {  	[sflag:s0] =	ssyncadd.remote.s32 $0x1  }
0xbf: {  	_ =	sfence.sel $0xFFFF  }
0xc0: {  	[dreg:$0x0] =	wrdreg $0xFFFFFFFF;
	(pc) =	sbr.abs _section_cstart, $3  }
0xc1: {  	[dreg:$0x1] =	wrdreg $0xFFFFFFFF  }
0xc2: {  	_ =	task.clear_ibuf [dreg:s7], $0x2FFFF;
	_ =	strace $0x9FFFFFFF  }
0xc3: {  	(tm) =	ssettm $0x7FFFFFFF  }
tec
execute0_lowered:
.L_overlay_start_1:
0x0: {  	(tag) =	ssettag $0x1  }
0x1: {  	s0 =	srdreg.scid;
	s4 =	rddreg [dreg:$0x0]  }
0x2: {  	s1 =	stileid.u32;
	s6 =	rddreg [dreg:$0x1];
	s9 =	simm.s32 $0x5  }
0x3: {  	s11 =	simm.s32 $0x50;
	s12 =	simm.s32 $0x4E20;
	s13 =	simm.s32 $0x6220  }
0x4: {  	s14 =	simm.s32 $0x7620;
	s16 =	simm.s32 $0x8A20;
	s18 =	simm.s32 $0x9E20  }
0x5: {  	s20 =	simm.s32 $0xB220;
	s22 =	simm.s32 $0xC620;
	s28 =	simm.s32 $0x3  }
0x6: {  	s29 =	simm.s32 $0x4;
	s0 =	sand.u32 $0x1, s0;
	s2 =	sshll.u32 s1, $0x1  }
0x7: {  	s31 =	simm.s32 $0x0;
	s3 =	sor.u32 s0, s2;
	s2 =	rddreg [dreg:$0x2]  }
0x8: {  	s0 =	ssub.s32 $0x2, s0;
	s7 =	smul.u32 $0x4E2, s3;
	s3 =	simm.s32 $0x0  }
0x9: {  	p0 =	sne.s32 s1, $0x0;
	s24 =	sshrl.u32 s0, $0x1;
	[smem:$0x7FF] =	sst s3  }
0xa: {  	s0 =	ssub.s32 s0, s24;
	s5 =	sadd.s32 s7, s4;
	s30 =	sadd.s32 s6, s7  }
0xb: {  	_ =	strace $0x80000047;
	s0 =	smax.u32 s0, $0x1;
	[dreg:$0x6] =	wrdreg s30  }
0xc: {  	s8 =	sshrl.u32 @!p0 s2, $0x3;
	s25 =	sadd.s32 $0x1D800, s5;
	[dreg:$0x7] =	wrdreg s0  }
0xd: {  	v0 =	vlaneseq.u32;
	s24 =	simm.s32 $0xDA20;
	s26 =	sadd.s32 $0x13A00, s5;
	[dreg:$0x4] =	wrdreg s25  }
0xe: {  	v3 =	vimm.bf16 $0.0e+00;
	v1 =	vmul.u32 $0x40, v0;
	v2 =	vand.u32 $0x7, v0;
	[dreg:$0x5] =	wrdreg s26;
	s25 =	simm.s32 $0x1;
	s26 =	simm.s32 $0x2  }
.LBB2_1:
0xf: {  	s0 =	simm.s32 @!p0 $0x1C05;
	s1 =	rddreg [dreg:$0x0]  }
0x10: {  	[spmem:s8], [sflag:s0] =	dma.local @!p0 [hbm:s1], $0x13880  }
0x11: {  	s0 =	simm.s32 @!p0 $0x5  }
0x12: {  	_ =	swait.ge @!p0 [sflag:s0], $0x13880  }
0x13: {  	[sflag:s0] =	ssyncset.done @!p0 $0x0  }
0x14: {  	s7 =	rddreg [dreg:$0x4];
	[sflag:s0] =	ssyncadd.s32 @!p0 $0xFFFEC780  }
0x15: {  	[tilespmem:s3], [sflag:$0x5] =	stream.linear.gather [hbm4b:s7+s3], $0x2710, $0x38;
	[tilespmem:$0x1B170] =	vst v63  }
0x16: {  	_ =	swait.ge [sflag:s9], $0x2710  }
0x17: {  	[sflag:s9] =	ssyncset.done $0x0  }
0x18: {  	s15 =	simm.s32 $0x2710;
	s10 =	rddreg [dreg:$0x5];
	[sflag:s9] =	ssyncadd.s32 $0xFFFFD8F0  }
0x19: {  	[tilespmem:s15], [sflag:$0x5] =	stream.linear.gather [hbm4b:s10+s3], $0x2710, $0x38;
	[tilespmem:$0x1B170] =	vst v63  }
0x1a: {  	_ =	swait.ge [sflag:s9], $0x2710  }
0x1b: {  	[sflag:s9] =	ssyncset.done $0x0  }
0x1c: {  	[sflag:s9] =	ssyncadd.s32 $0xFFFFD8F0  }
0x1d: {  	[bflag:$0x0] =	sbarrier.arrive $0xFFFF  }
0x1e: {  	[tilespmem:s12], [sflag:$0x1] =	stream.indirect.gather [spmem:s2], $0x40, s3, s11, $0xb8;
	[tilespmem:$0x1B170] =	vst v63  }
0x1f: {  	_ = 	snop  }
0x20: {  	[tilespmem:s13], [sflag:$0x1] =	stream.indirect.gather [spmem:s2], $0x40, s15, s11, $0xb8;
	[tilespmem:$0x1B170] =	vst v63  }
0x21: {  	_ = 	snop  }
0x22: {  	[tilespmem:s14], [sflag:$0x2] =	stream.indirect.gather [spmem:s2], $0x40, s11, s11, $0xb8;
	[tilespmem:$0x1B170] =	vst v63  }
0x23: {  	s17 =	simm.s32 $0x2760  }
0x24: {  	[tilespmem:s16], [sflag:$0x2] =	stream.indirect.gather [spmem:s2], $0x40, s17, s11, $0xb8;
	[tilespmem:$0x1B170] =	vst v63  }
0x25: {  	s19 =	simm.s32 $0xA0  }
0x26: {  	[tilespmem:s18], [sflag:$0x3] =	stream.indirect.gather [spmem:s2], $0x40, s19, s11, $0xb8;
	[tilespmem:$0x1B170] =	vst v63  }
0x27: {  	s21 =	simm.s32 $0x27B0  }
0x28: {  	[tilespmem:s20], [sflag:$0x3] =	stream.indirect.gather [spmem:s2], $0x40, s21, s11, $0xb8;
	[tilespmem:$0x1B170] =	vst v63  }
0x29: {  	s23 =	simm.s32 $0xF0  }
0x2a: {  	[tilespmem:s22], [sflag:$0x4] =	stream.indirect.gather [spmem:s2], $0x40, s23, s11, $0xb8;
	[tilespmem:$0x1B170] =	vst v63  }
0x2b: {  	s30 =	simm.s32 $0x2800;
	s1 =	simm.s32 $0x0  }
0x2c: {  	[tilespmem:s24], [sflag:$0x4] =	stream.indirect.gather [spmem:s2], $0x40, s30, s11, $0xb8;
	[tilespmem:$0x1B170] =	vst v63  }
.LBB2_2:
0x2d: {  	_ =	swait.ge [sflag:s25], $0x1400  }
0x2e: {  	s0 =	smul.u32 $0x500, s1;
	[sflag:s25] =	ssyncset.done $0x0  }
0x2f: {  	[sflag:s25] =	ssyncadd.s32 $0xFFFFEC00  }
0x30: {  	s17 =	sshra.s32 s0, $0x2;
	_ =	swait.ge [sflag:s25], $0x1400  }
0x31: {  	s0 =	sadd.s32 $0xEE20, s17;
	[sflag:s25] =	ssyncset.done $0x0  }
0x32: {  	s15 =	simm.s32 $0x0;
	v4 =	vmov s0;
	[sflag:s25] =	ssyncadd.s32 $0xFFFFEC00  }
.LBB2_3:
0x33: {  	s19 =	sshll.u32 s15, $0x4  }
0x34: {  	s21 =	simm.s32 $0x1;
	v5 =	vmov s19  }
0x35: {  	v7 =	vadd.s32 s21, v0;
	v5 =	vshll.u32 v5, $0x6  }
0x36: {  	s6 =	simm.s32 $0x4;
	v7 =	vand.u32 $0x3F, v7;
	v5 =	vor.u32 v1, v5  }
0x37: {  	v10 =	vadd.s32 s6, v0;
	v9 =	vor.u32 v5, v7  }
0x38: {  	s7 =	simm.s32 $0x6;
	v10 =	vand.u32 $0x3F, v10  }
0x39: {  	v13 =	vadd.s32 s7, v0;
	s21 =	simm.s32 $0x3;
	v10 =	vor.u32 v5, v10  }
0x3a: {  	s23 =	simm.s32 $0x5;
	v13 =	vand.u32 $0x3F, v13;
	v16 =	vadd.s32 s21, v0  }
0x3b: {  	v17 =	vadd.s32 s23, v0;
	v16 =	vand.u32 $0x3F, v16;
	v13 =	vor.u32 v5, v13  }
0x3c: {  	v17 =	vand.u32 $0x3F, v17;
	v16 =	vor.u32 v5, v16;
	v15 =	vld.idx.msk [tilespmem:v9+s13+$0x0], $0xffff  }
0x3d: {  	v17 =	vor.u32 v5, v17;
	v9 =	vld.idx.msk [tilespmem:v9+s12+$0x0], $0xffff  }
0x3e: {  	v19 =	vld.idx.msk [tilespmem:v10+s13+$0x0], $0xffff  }
0x3f: {  	s0 =	simm.s32 $0x0;
	v6 =	vor.u32 v0, v5;
	v21 =	vld.idx.msk [tilespmem:v10+s12+$0x0], $0xffff  }
0x40: {  	s5 =	simm.s32 $0x2;
	v8 =	vor.u32 s0, v6;
	v27 =	vld.idx.msk [tilespmem:v13+s13+$0x0], $0xffff  }
0x41: {  	v7 =	vadd.s32 s5, v0;
	v24 =	vld.idx.msk [tilespmem:v16+s13+$0x0], $0xffff  }
0x42: {  	s10 =	simm.s32 $0x8;
	v7 =	vand.u32 $0x3F, v7;
	v25 =	vld.idx.msk [tilespmem:v17+s12+$0x0], $0xffff  }
0x43: {  	s4 =	simm.s32 $0x7;
	v14 =	vadd.s32 s10, v0;
	v11 =	vor.u32 v5, v7;
	v26 =	vld.idx.msk [tilespmem:v17+s13+$0x0], $0xffff  }
0x44: {  	v20 =	vadd.s32 s4, v0;
	v14 =	vand.u32 $0x38, v14;
	v7 =	vor.u32 v2, v5;
	v33 =	vld.idx.msk [tilespmem:v16+s12+$0x0], $0xffff  }
0x45: {  	s5 =	simm.s32 $0xC;
	v14 =	vor.u32 v14, v7;
	v10 =	vand.u32 $0x3F, v20;
	v12 =	vld.idx.msk [tilespmem:v8+s12+$0x0], $0xffff  }
0x46: {  	v22 =	vadd.s32 s5, v0;
	v8 =	vld.idx.msk [tilespmem:v8+s13+$0x0], $0xffff;
	v20 =	vor.u32 v5, v10  }
0x47: {  	v22 =	vand.u32 $0x3F, v22;
	v34 =	vld.idx.msk [tilespmem:v13+s12+$0x0], $0xffff  }
0x48: {  	s6 =	simm.s32 $0x9;
	s10 =	simm.s32 $0xD;
	v28 =	vor.u32 v5, v22;
	v18 =	vld.idx.msk [tilespmem:v11+s12+$0x0], $0xffff  }
0x49: {  	s21 =	simm.s32 $0xE;
	v17 =	vadd.s32 s6, v0;
	v16 =	vadd.s32 s10, v0;
	v31 =	vld.idx.msk [tilespmem:v11+s13+$0x0], $0xffff  }
0x4a: {  	v13 =	vadd.s32 s21, v0;
	v17 =	vand.u32 $0x3F, v17;
	v16 =	vand.u32 $0x3F, v16;
	v10 =	vld.idx.msk [tilespmem:v14+s13+$0x0], $0xffff  }
0x4b: {  	s7 =	simm.s32 $0xA;
	v32 =	vor.u32 v5, v17;
	v22 =	vor.u32 v5, v16;
	v29 =	vld.idx.msk [tilespmem:v20+s12+$0x0], $0xffff;
	v8 =	vmul.bf16 v8, v12  }
0x4c: {  	v19 =	vmul.bf16 v19, v21;
	v9 =	vmul.bf16 v15, v9;
	v30 =	vld.idx.msk [tilespmem:v20+s13+$0x0], $0xffff;
	v20 =	vadd.s32 s7, v0  }
0x4d: {  	s23 =	simm.s32 $0xB;
	v17 =	vld.idx.msk [tilespmem:v28+s13+$0x0], $0xffff;
	v16 =	vmul.bf16 v26, v25;
	v11 =	vand.u32 $0x3F, v20;
	v8 =	vadd.bf16 v3, v8  }
0x4e: {  	v23 =	vld.idx.msk [tilespmem:v14+s12+$0x0], $0xffff;
	v15 =	vadd.s32 s23, v0;
	v14 =	vadd.bf16 v3, v19;
	v12 =	vor.u32 v5, v11  }
0x4f: {  	v13 =	vand.u32 $0x3F, v13;
	v21 =	vld.idx.msk [tilespmem:v28+s12+$0x0], $0xffff;
	v9 =	vadd.bf16 v9, v8;
	v8 =	vand.u32 $0x3F, v15  }
0x50: {  	v18 =	vmul.bf16 v31, v18;
	v16 =	vadd.bf16 v16, v14;
	v14 =	vld.idx.msk [tilespmem:v22+s12+$0x0], $0xffff;
	v20 =	vor.u32 v5, v8  }
0x51: {  	v25 =	vmul.bf16 v24, v33;
	v24 =	vor.u32 v5, v13;
	v15 =	vld.idx.msk [tilespmem:v32+s12+$0x0], $0xffff  }
0x52: {  	v19 =	vmul.bf16 v27, v34;
	v26 =	vadd.bf16 v18, v9;
	v18 =	vld.idx.msk [tilespmem:v32+s13+$0x0], $0xffff  }
0x53: {  	s30 =	simm.s32 $0xF;
	s21 =	simm.s32 $0x0;
	s23 =	simm.s32 $0x1F;
	v11 =	vimm.f32 $0.0e+00;
	v13 =	vmul.bf16 v30, v29;
	v9 =	vimm.f32 $0.0e+00;
	v8 =	vld.idx.msk [tilespmem:v12+s12+$0x0], $0xffff  }
.LBB2_4:
0x54: {  	s0 =	sadd.s32 $0xFFFFFFF1, s23;
	s10 =	sadd.s32 $0xFFFFFFF2, s23;
	s4 =	sadd.s32 $0xFFFFFFF5, s23;
	v25 =	vadd.bf16 v25, v26;
	v10 =	vmul.bf16 v10, v23;
	v22 =	vld.idx.msk [tilespmem:v22+s13+$0x0], $0xffff;
	v23 =	vadd.s32 s30, v0  }
0x55: {  	s5 =	sadd.s32 $0xFFFFFFFF, s23;
	v17 =	vmul.bf16 v17, v21;
	v26 =	vor.u32 s0, v6;
	v27 =	vadd.s32 s10, v0;
	s0 =	sadd.s32 $0xFFFFFFF3, s23;
	s10 =	sadd.s32 $0xFFFFFFF9, s23;
	v28 =	vld.idx.msk [tilespmem:v20+s13+$0x0], $0xffff  }
0x56: {  	s21 =	sadd.s32 $0x4, s21;
	s30 =	smov.u32 s23;
	v23 =	vand.u32 $0x3F, v23;
	v21 =	vand.u32 $0x3F, v27;
	v27 =	vadd.s32 s4, v0;
	s4 =	sadd.s32 $0xFFFFFFFB, s23;
	v29 =	vld.idx.msk [tilespmem:v24+s12+$0x0], $0xffff  }
0x57: {  	s6 =	sadd.s32 $0xFFFFFFF6, s23;
	v30 =	vadd.s32 s5, v0;
	p1 =	slt.u32 s21, $0xC;
	v21 =	vor.u32 v5, v21;
	v27 =	vand.u32 $0x3F, v27;
	v24 =	vld.idx.msk [tilespmem:v24+s13+$0x0], $0xffff  }
0x58: {  	v32 =	vadd.s32 s6, v0;
	v31 =	vadd.s32 s0, v0;
	v33 =	vadd.s32 s4, v0;
	v20 =	vld.idx.msk [tilespmem:v20+s12+$0x0], $0xffff  }
0x59: {  	v32 =	vand.u32 $0x3F, v32;
	v31 =	vand.u32 $0x3F, v31;
	v34 =	vld.idx.msk [tilespmem:v12+s13+$0x0], $0xffff;
	v12 =	vor.u32 v5, v23  }
0x5a: {  	v30 =	vand.u32 $0x3F, v30;
	v32 =	vor.u32 v5, v32;
	v31 =	vor.u32 v5, v31;
	v23 =	vld.idx.msk [tilespmem:v26+s12+$0x0], $0xffff  }
0x5b: {  	s0 =	sadd.s32 $0xFFFFFFF7, s23;
	v35 =	vadd.s32 s10, v0;
	v10 =	vadd.bf16 v3, v10;
	v27 =	vor.u32 v5, v27;
	v26 =	vld.idx.msk [tilespmem:v26+s13+$0x0], $0xffff  }
0x5c: {  	v16 =	vadd.bf16 v19, v16;
	v37 =	vadd.s32 s0, v0;
	v35 =	vand.u32 $0x38, v35;
	v36 =	vld.idx.msk [tilespmem:v21+s13+$0x0], $0xffff  }
0x5d: {  	s0 =	sadd.s32 $0xFFFFFFF4, s23;
	v35 =	vor.u32 v35, v7;
	v15 =	vmul.bf16 v18, v15;
	v19 =	vld.idx.msk [tilespmem:v21+s12+$0x0], $0xffff;
	v21 =	vand.u32 $0x3F, v37  }
0x5e: {  	v17 =	vadd.bf16 v3, v17;
	v18 =	vadd.s32 s0, v0;
	v21 =	vor.u32 v5, v21;
	v37 =	vld.idx.msk [tilespmem:v12+s12+$0x0], $0xffff  }
0x5f: {  	v38 =	vunpack.i.u.bf16.f32 v25;
	v18 =	vand.u32 $0x3F, v18;
	v20 =	vmul.bf16 v28, v20;
	v12 =	vld.idx.msk [tilespmem:v12+s13+$0x0], $0xffff  }
0x60: {  	s0 =	sadd.s32 $0xFFFFFFF8, s23;
	v14 =	vmul.bf16 v22, v14;
	v18 =	vor.u32 v5, v18;
	v22 =	vmul.bf16 v24, v29;
	v28 =	vld.idx.msk [tilespmem:v31+s12+$0x0], $0xffff  }
0x61: {  	v13 =	vadd.bf16 v13, v16;
	v23 =	vmul.bf16 v26, v23;
	v26 =	vadd.s32 s0, v0;
	v24 =	vld.idx.msk [tilespmem:v27+s13+$0x0], $0xffff  }
0x62: {  	v11 =	vadd.f32 v38, v11;
	v15 =	vadd.bf16 v15, v10;
	v26 =	vand.u32 $0x3F, v26;
	v16 =	vld.idx.msk [tilespmem:v27+s12+$0x0], $0xffff  }
0x63: {  	v14 =	vadd.bf16 v14, v17;
	s0 =	sadd.s32 $0xFFFFFFFA, s23;
	v23 =	vadd.bf16 v3, v23;
	v26 =	vor.u32 v5, v26;
	v27 =	vld.idx.msk [tilespmem:v21+s13+$0x0], $0xffff  }
0x64: {  	v29 =	vand.u32 $0x3F, v33;
	v33 =	vunpack.i.u.bf16.f32 v13;
	v17 =	vadd.s32 s0, v0;
	s0 =	sadd.s32 $0xFFFFFFFD, s23;
	v10 =	vld.idx.msk [tilespmem:v35+s13+$0x0], $0xffff  }
0x65: {  	v14 =	vadd.bf16 v22, v14;
	v17 =	vand.u32 $0x3F, v17;
	v39 =	vadd.s32 s0, v0;
	v38 =	vld.idx.msk [tilespmem:v18+s13+$0x0], $0xffff  }
0x66: {  	v25 =	vunpack.i.l.bf16.f32 v25;
	v39 =	vand.u32 $0x3F, v39;
	v37 =	vmul.bf16 v12, v37;
	v22 =	vld.idx.msk [tilespmem:v32+s12+$0x0], $0xffff  }
0x67: {  	v9 =	vadd.f32 v25, v9;
	v19 =	vmul.bf16 v36, v19;
	v36 =	vor.u32 v5, v39;
	v32 =	vld.idx.msk [tilespmem:v32+s13+$0x0], $0xffff  }
0x68: {  	v8 =	vmul.bf16 v34, v8;
	v12 =	vor.u32 v5, v29;
	v16 =	vmul.bf16 v24, v16;
	v39 =	vld.idx.msk [tilespmem:v26+s12+$0x0], $0xffff  }
0x69: {  	v11 =	vadd.f32 v33, v11;
	s0 =	sadd.s32 $0xFFFFFFFC, s23;
	v34 =	vor.u32 v5, v17;
	v19 =	vadd.bf16 v19, v23;
	v29 =	vld.idx.msk [tilespmem:v26+s13+$0x0], $0xffff  }
0x6a: {  	v8 =	vadd.bf16 v8, v15;
	v17 =	vadd.s32 s0, v0;
	s0 =	sadd.s32 $0xFFFFFFFE, s23;
	v16 =	vadd.bf16 v3, v16;
	v24 =	vld.idx.msk [tilespmem:v31+s13+$0x0], $0xffff  }
0x6b: {  	v13 =	vunpack.i.l.bf16.f32 v13;
	v15 =	vadd.s32 s0, v0;
	v14 =	vadd.bf16 v37, v14;
	v18 =	vld.idx.msk [tilespmem:v18+s12+$0x0], $0xffff  }
0x6c: {  	v8 =	vadd.bf16 v20, v8;
	v25 =	vand.u32 $0x3F, v17;
	v15 =	vand.u32 $0x3F, v15;
	v17 =	vld.idx.msk [tilespmem:v36+s13+$0x0], $0xffff  }
0x6d: {  	v9 =	vadd.f32 v13, v9;
	v20 =	vmul.bf16 v32, v22;
	v22 =	vor.u32 v5, v15;
	v31 =	vld.idx.msk [tilespmem:v21+s12+$0x0], $0xffff  }
0x6e: {  	v13 =	vunpack.i.u.bf16.f32 v8;
	v8 =	vunpack.i.l.bf16.f32 v8;
	v26 =	vunpack.i.l.bf16.f32 v14;
	v23 =	vld.idx.msk [tilespmem:v35+s12+$0x0], $0xffff  }
.Ltmp0:
0x6f: {  	v9 =	vadd.f32 v8, v9;
	v32 =	vunpack.i.u.bf16.f32 v14;
	v16 =	vadd.bf16 v20, v16;
	v21 =	vld.idx.msk [tilespmem:v36+s12+$0x0], $0xffff;
	(pc) =	sbr.rel @p1 .LBB2_4-.Ltmp0, $4  }
0x70: {  	v11 =	vadd.f32 v13, v11;
	v20 =	vor.u32 v5, v25;
	v14 =	vmul.bf16 v24, v28;
	v15 =	vld.idx.msk [tilespmem:v34+s12+$0x0], $0xffff  }
0x71: {  	v9 =	vadd.f32 v26, v9;
	v24 =	vor.u32 v5, v30;
	v25 =	vmul.bf16 v38, v18;
	v8 =	vld.idx.msk [tilespmem:v12+s12+$0x0], $0xffff  }
0x72: {  	v11 =	vadd.f32 v32, v11;
	v13 =	vmul.bf16 v29, v39;
	v26 =	vadd.bf16 v14, v19;
	v14 =	vld.idx.msk [tilespmem:v22+s12+$0x0], $0xffff  }
0x73: {  	s23 =	sadd.s32 $0x10, s23;
	v19 =	vmul.bf16 v27, v31;
	v18 =	vld.idx.msk [tilespmem:v34+s13+$0x0], $0xffff  }
0x74: {  	_ =	sdelay $0x2  }
0x75: {  	v7 =	vadd.s32 s30, v0  }
0x76: {  	v6 =	vld.idx.msk [tilespmem:v22+s13+$0x0], $0xffff;
	v7 =	vand.u32 $0x3F, v7  }
0x77: {  	v52 =	vld.idx.msk [tilespmem:v20+s13+$0x0], $0xffff;
	v5 =	vor.u32 v5, v7  }
0x78: {  	v12 =	vld.idx.msk [tilespmem:v12+s13+$0x0], $0xffff  }
0x79: {  	v54 =	vld.idx.msk [tilespmem:v24+s13+$0x0], $0xffff  }
0x7a: {  	v10 =	vmul.bf16 v10, v23;
	v7 =	vld.idx.msk [tilespmem:v24+s12+$0x0], $0xffff  }
0x7b: {  	v53 =	vld.idx.msk [tilespmem:v20+s12+$0x0], $0xffff;
	v55 =	vadd.bf16 v25, v26;
	v17 =	vmul.bf16 v17, v21  }
0x7c: {  	v16 =	vadd.bf16 v19, v16;
	v10 =	vadd.bf16 v3, v10;
	v15 =	vmul.bf16 v18, v15;
	v56 =	vld.idx.msk [tilespmem:v5+s12+$0x0], $0xffff  }
0x7d: {  	v17 =	vadd.bf16 v3, v17;
	v57 =	vunpack.i.u.bf16.f32 v55;
	v6 =	vmul.bf16 v6, v14;
	v5 =	vld.idx.msk [tilespmem:v5+s13+$0x0], $0xffff  }
0x7e: {  	v60 =	vunpack.i.l.bf16.f32 v55;
	v8 =	vmul.bf16 v12, v8;
	v10 =	vadd.bf16 v15, v10  }
0x7f: {  	v59 =	vadd.bf16 v13, v16;
	v7 =	vmul.bf16 v54, v7;
	v6 =	vadd.bf16 v6, v17  }
0x80: {  	v11 =	vadd.f32 v57, v11;
	v58 =	vmul.bf16 v52, v53;
	v8 =	vadd.bf16 v8, v10  }
0x81: {  	v61 =	vunpack.i.u.bf16.f32 v59;
	v6 =	vadd.bf16 v7, v6;
	v7 =	vadd.f32 v60, v9  }
0x82: {  	v62 =	vunpack.i.l.bf16.f32 v59;
	v8 =	vadd.bf16 v58, v8;
	v5 =	vmul.bf16 v5, v56  }
0x83: {  	v10 =	vadd.f32 v61, v11;
	v7 =	vadd.f32 v62, v7  }
0x84: {  	v5 =	vadd.bf16 v5, v6;
	v6 =	vunpack.i.u.bf16.f32 v8;
	v8 =	vunpack.i.l.bf16.f32 v8  }
0x85: {  	s15 =	sadd.s32 $0x1, s15;
	v7 =	vadd.f32 v8, v7;
	v6 =	vadd.f32 v6, v10  }
0x86: {  	p1 =	sne.s32 s15, $0x5;
	v63 =	vunpack.i.l.bf16.f32 v5;
	v5 =	vunpack.i.u.bf16.f32 v5  }
.Ltmp1:
0x87: {  	v7 =	vadd.f32 v63, v7;
	v5 =	vadd.f32 v5, v6;
	(pc) =	sbr.rel @p1 .LBB2_3-.Ltmp1, $3  }
0x88: {  	_ = 	snop  }
0x89: {  	v5 =	vadd.f32 v5, v7;
	_ =	sdelay $0x1  }
0x8a: {  	[tilespmem:v4+s19+$0x0 ss:$0x1] =	vst.idx.msk $0xffff, v5  }
0x8b: {  	s15 =	smul.u32 $0x140, s1;
	_ =	sdelay $0x1  }
0x8c: {  	s0 =	sadd.s32 $0x140, s15  }
0x8d: {  	[tilespmem:s12], [sflag:$0x1] =	stream.indirect.gather [spmem:s2], $0x40, s0, s11, $0xb8;
	[tilespmem:$0x1B170] =	vst v63  }
0x8e: {  	s23 =	sadd.s32 $0x2850, s15  }
0x8f: {  	[tilespmem:s13], [sflag:$0x1] =	stream.indirect.gather [spmem:s2], $0x40, s23, s11, $0xb8;
	[tilespmem:$0x1B170] =	vst v63  }
0x90: {  	_ =	swait.ge [sflag:s26], $0x1400  }
0x91: {  	[sflag:s26] =	ssyncset.done $0x0  }
0x92: {  	[sflag:s26] =	ssyncadd.s32 $0xFFFFEC00  }
0x93: {  	_ =	swait.ge [sflag:s26], $0x1400  }
0x94: {  	s30 =	sadd.s32 $0xEE70, s17;
	[sflag:s26] =	ssyncset.done $0x0  }
0x95: {  	s19 =	simm.s32 $0x0;
	v4 =	vmov s30;
	[sflag:s26] =	ssyncadd.s32 $0xFFFFEC00  }
.LBB2_7:
0x96: {  	s21 =	sshll.u32 s19, $0x4  }
0x97: {  	s4 =	simm.s32 $0x1;
	v5 =	vmov s21  }
0x98: {  	v7 =	vadd.s32 s4, v0;
	v5 =	vshll.u32 v5, $0x6  }
0x99: {  	s23 =	simm.s32 $0x4;
	v7 =	vand.u32 $0x3F, v7;
	v5 =	vor.u32 v1, v5  }
0x9a: {  	v10 =	vadd.s32 s23, v0;
	v9 =	vor.u32 v5, v7  }
0x9b: {  	s5 =	simm.s32 $0x6;
	v10 =	vand.u32 $0x3F, v10  }
0x9c: {  	s7 =	simm.s32 $0x3;
	v13 =	vadd.s32 s5, v0;
	v10 =	vor.u32 v5, v10  }
0x9d: {  	v16 =	vadd.s32 s7, v0;
	v13 =	vand.u32 $0x3F, v13  }
0x9e: {  	v16 =	vand.u32 $0x3F, v16;
	v13 =	vor.u32 v5, v13  }
0x9f: {  	v16 =	vor.u32 v5, v16;
	v15 =	vld.idx.msk [tilespmem:v9+s16+$0x0], $0xffff  }
0xa0: {  	v9 =	vld.idx.msk [tilespmem:v9+s14+$0x0], $0xffff  }
0xa1: {  	s0 =	simm.s32 $0x0;
	s10 =	simm.s32 $0x2;
	v6 =	vor.u32 v0, v5;
	v19 =	vld.idx.msk [tilespmem:v10+s16+$0x0], $0xffff  }
0xa2: {  	v7 =	vadd.s32 s10, v0;
	v8 =	vor.u32 s0, v6;
	v21 =	vld.idx.msk [tilespmem:v10+s14+$0x0], $0xffff  }
0xa3: {  	s10 =	simm.s32 $0x5;
	v7 =	vand.u32 $0x3F, v7;
	v27 =	vld.idx.msk [tilespmem:v13+s16+$0x0], $0xffff  }
0xa4: {  	v17 =	vadd.s32 s10, v0;
	v11 =	vor.u32 v5, v7;
	v24 =	vld.idx.msk [tilespmem:v16+s16+$0x0], $0xffff  }
0xa5: {  	s6 =	simm.s32 $0x8;
	v17 =	vand.u32 $0x3F, v17;
	v33 =	vld.idx.msk [tilespmem:v16+s14+$0x0], $0xffff  }
0xa6: {  	v14 =	vadd.s32 s6, v0;
	s23 =	simm.s32 $0x7;
	v17 =	vor.u32 v5, v17;
	v34 =	vld.idx.msk [tilespmem:v13+s14+$0x0], $0xffff  }
0xa7: {  	v14 =	vand.u32 $0x38, v14;
	v20 =	vadd.s32 s23, v0;
	v7 =	vor.u32 v2, v5;
	v12 =	vld.idx.msk [tilespmem:v8+s14+$0x0], $0xffff  }
0xa8: {  	v14 =	vor.u32 v14, v7;
	v10 =	vand.u32 $0x3F, v20;
	v8 =	vld.idx.msk [tilespmem:v8+s16+$0x0], $0xffff  }
0xa9: {  	s4 =	simm.s32 $0xC;
	v20 =	vor.u32 v5, v10;
	v18 =	vld.idx.msk [tilespmem:v11+s14+$0x0], $0xffff  }
0xaa: {  	v22 =	vadd.s32 s4, v0;
	v31 =	vld.idx.msk [tilespmem:v11+s16+$0x0], $0xffff  }
0xab: {  	s5 =	simm.s32 $0x9;
	v22 =	vand.u32 $0x3F, v22;
	v25 =	vld.idx.msk [tilespmem:v17+s14+$0x0], $0xffff  }
0xac: {  	s7 =	simm.s32 $0xD;
	v28 =	vor.u32 v5, v22;
	s10 =	simm.s32 $0xE;
	v26 =	vld.idx.msk [tilespmem:v17+s16+$0x0], $0xffff;
	v17 =	vadd.s32 s5, v0  }
0xad: {  	v16 =	vadd.s32 s7, v0;
	v13 =	vadd.s32 s10, v0;
	v10 =	vld.idx.msk [tilespmem:v14+s16+$0x0], $0xffff;
	v17 =	vand.u32 $0x3F, v17  }
0xae: {  	s6 =	simm.s32 $0xA;
	v16 =	vand.u32 $0x3F, v16;
	v32 =	vor.u32 v5, v17;
	v29 =	vld.idx.msk [tilespmem:v20+s14+$0x0], $0xffff;
	v8 =	vmul.bf16 v8, v12  }
0xaf: {  	v22 =	vor.u32 v5, v16;
	v19 =	vmul.bf16 v19, v21;
	v30 =	vld.idx.msk [tilespmem:v20+s16+$0x0], $0xffff;
	v20 =	vadd.s32 s6, v0  }
0xb0: {  	s23 =	simm.s32 $0xB;
	v23 =	vld.idx.msk [tilespmem:v14+s14+$0x0], $0xffff;
	v9 =	vmul.bf16 v15, v9;
	v11 =	vand.u32 $0x3F, v20;
	v8 =	vadd.bf16 v3, v8  }
0xb1: {  	v17 =	vld.idx.msk [tilespmem:v28+s16+$0x0], $0xffff;
	v15 =	vadd.s32 s23, v0;
	v14 =	vadd.bf16 v3, v19;
	v12 =	vor.u32 v5, v11  }
0xb2: {  	v21 =	vld.idx.msk [tilespmem:v28+s14+$0x0], $0xffff;
	v16 =	vmul.bf16 v26, v25;
	v9 =	vadd.bf16 v9, v8;
	v8 =	vand.u32 $0x3F, v15  }
0xb3: {  	v13 =	vand.u32 $0x3F, v13;
	v18 =	vmul.bf16 v31, v18;
	v15 =	vld.idx.msk [tilespmem:v32+s14+$0x0], $0xffff;
	v20 =	vor.u32 v5, v8  }
0xb4: {  	v25 =	vmul.bf16 v24, v33;
	v24 =	vor.u32 v5, v13;
	v16 =	vadd.bf16 v16, v14;
	v14 =	vld.idx.msk [tilespmem:v22+s14+$0x0], $0xffff  }
0xb5: {  	v19 =	vmul.bf16 v27, v34;
	v26 =	vadd.bf16 v18, v9;
	v18 =	vld.idx.msk [tilespmem:v32+s16+$0x0], $0xffff  }
0xb6: {  	s30 =	simm.s32 $0x1F;
	s0 =	simm.s32 $0xF;
	s23 =	simm.s32 $0x0;
	v11 =	vimm.f32 $0.0e+00;
	v13 =	vmul.bf16 v30, v29;
	v9 =	vimm.f32 $0.0e+00;
	v8 =	vld.idx.msk [tilespmem:v12+s14+$0x0], $0xffff  }
.LBB2_8:
0xb7: {  	s4 =	sadd.s32 $0xFFFFFFF1, s30;
	s5 =	sadd.s32 $0xFFFFFFF2, s30;
	s6 =	sadd.s32 $0xFFFFFFF5, s30;
	v25 =	vadd.bf16 v25, v26;
	v10 =	vmul.bf16 v10, v23;
	v22 =	vld.idx.msk [tilespmem:v22+s16+$0x0], $0xffff;
	v23 =	vadd.s32 s0, v0  }
0xb8: {  	s10 =	sadd.s32 $0xFFFFFFFF, s30;
	v17 =	vmul.bf16 v17, v21;
	v26 =	vor.u32 s4, v6;
	v27 =	vadd.s32 s5, v0;
	s4 =	sadd.s32 $0xFFFFFFF3, s30;
	s5 =	sadd.s32 $0xFFFFFFF9, s30;
	v28 =	vld.idx.msk [tilespmem:v20+s16+$0x0], $0xffff  }
0xb9: {  	s23 =	sadd.s32 $0x4, s23;
	s0 =	smov.u32 s30;
	v23 =	vand.u32 $0x3F, v23;
	v21 =	vand.u32 $0x3F, v27;
	v27 =	vadd.s32 s6, v0;
	s6 =	sadd.s32 $0xFFFFFFFB, s30;
	v29 =	vld.idx.msk [tilespmem:v24+s14+$0x0], $0xffff  }
0xba: {  	s7 =	sadd.s32 $0xFFFFFFF6, s30;
	v30 =	vadd.s32 s10, v0;
	p1 =	slt.u32 s23, $0xC;
	v21 =	vor.u32 v5, v21;
	v27 =	vand.u32 $0x3F, v27;
	v24 =	vld.idx.msk [tilespmem:v24+s16+$0x0], $0xffff  }
0xbb: {  	v32 =	vadd.s32 s7, v0;
	v31 =	vadd.s32 s4, v0;
	v33 =	vadd.s32 s6, v0;
	v20 =	vld.idx.msk [tilespmem:v20+s14+$0x0], $0xffff  }
0xbc: {  	v32 =	vand.u32 $0x3F, v32;
	v31 =	vand.u32 $0x3F, v31;
	v34 =	vld.idx.msk [tilespmem:v12+s16+$0x0], $0xffff;
	v12 =	vor.u32 v5, v23  }
0xbd: {  	v30 =	vand.u32 $0x3F, v30;
	v32 =	vor.u32 v5, v32;
	v31 =	vor.u32 v5, v31;
	v23 =	vld.idx.msk [tilespmem:v26+s14+$0x0], $0xffff  }
0xbe: {  	s4 =	sadd.s32 $0xFFFFFFF7, s30;
	v35 =	vadd.s32 s5, v0;
	v10 =	vadd.bf16 v3, v10;
	v27 =	vor.u32 v5, v27;
	v26 =	vld.idx.msk [tilespmem:v26+s16+$0x0], $0xffff  }
0xbf: {  	v16 =	vadd.bf16 v19, v16;
	v37 =	vadd.s32 s4, v0;
	v35 =	vand.u32 $0x38, v35;
	v36 =	vld.idx.msk [tilespmem:v21+s16+$0x0], $0xffff  }
0xc0: {  	s4 =	sadd.s32 $0xFFFFFFF4, s30;
	v35 =	vor.u32 v35, v7;
	v15 =	vmul.bf16 v18, v15;
	v19 =	vld.idx.msk [tilespmem:v21+s14+$0x0], $0xffff;
	v21 =	vand.u32 $0x3F, v37  }
0xc1: {  	v17 =	vadd.bf16 v3, v17;
	v18 =	vadd.s32 s4, v0;
	v21 =	vor.u32 v5, v21;
	v37 =	vld.idx.msk [tilespmem:v12+s14+$0x0], $0xffff  }
0xc2: {  	v38 =	vunpack.i.u.bf16.f32 v25;
	v18 =	vand.u32 $0x3F, v18;
	v20 =	vmul.bf16 v28, v20;
	v12 =	vld.idx.msk [tilespmem:v12+s16+$0x0], $0xffff  }
0xc3: {  	s4 =	sadd.s32 $0xFFFFFFF8, s30;
	v14 =	vmul.bf16 v22, v14;
	v18 =	vor.u32 v5, v18;
	v22 =	vmul.bf16 v24, v29;
	v28 =	vld.idx.msk [tilespmem:v31+s14+$0x0], $0xffff  }
0xc4: {  	v13 =	vadd.bf16 v13, v16;
	v23 =	vmul.bf16 v26, v23;
	v26 =	vadd.s32 s4, v0;
	v24 =	vld.idx.msk [tilespmem:v27+s16+$0x0], $0xffff  }
0xc5: {  	v11 =	vadd.f32 v38, v11;
	v15 =	vadd.bf16 v15, v10;
	v26 =	vand.u32 $0x3F, v26;
	v16 =	vld.idx.msk [tilespmem:v27+s14+$0x0], $0xffff  }
0xc6: {  	v14 =	vadd.bf16 v14, v17;
	s4 =	sadd.s32 $0xFFFFFFFA, s30;
	v23 =	vadd.bf16 v3, v23;
	v26 =	vor.u32 v5, v26;
	v27 =	vld.idx.msk [tilespmem:v21+s16+$0x0], $0xffff  }
0xc7: {  	v29 =	vand.u32 $0x3F, v33;
	v33 =	vunpack.i.u.bf16.f32 v13;
	v17 =	vadd.s32 s4, v0;
	s4 =	sadd.s32 $0xFFFFFFFD, s30;
	v10 =	vld.idx.msk [tilespmem:v35+s16+$0x0], $0xffff  }
0xc8: {  	v14 =	vadd.bf16 v22, v14;
	v17 =	vand.u32 $0x3F, v17;
	v39 =	vadd.s32 s4, v0;
	v38 =	vld.idx.msk [tilespmem:v18+s16+$0x0], $0xffff  }
0xc9: {  	v25 =	vunpack.i.l.bf16.f32 v25;
	v39 =	vand.u32 $0x3F, v39;
	v37 =	vmul.bf16 v12, v37;
	v22 =	vld.idx.msk [tilespmem:v32+s14+$0x0], $0xffff  }
0xca: {  	v9 =	vadd.f32 v25, v9;
	v19 =	vmul.bf16 v36, v19;
	v36 =	vor.u32 v5, v39;
	v32 =	vld.idx.msk [tilespmem:v32+s16+$0x0], $0xffff  }
0xcb: {  	v8 =	vmul.bf16 v34, v8;
	v12 =	vor.u32 v5, v29;
	v16 =	vmul.bf16 v24, v16;
	v39 =	vld.idx.msk [tilespmem:v26+s14+$0x0], $0xffff  }
0xcc: {  	v11 =	vadd.f32 v33, v11;
	s4 =	sadd.s32 $0xFFFFFFFC, s30;
	v34 =	vor.u32 v5, v17;
	v19 =	vadd.bf16 v19, v23;
	v29 =	vld.idx.msk [tilespmem:v26+s16+$0x0], $0xffff  }
0xcd: {  	v8 =	vadd.bf16 v8, v15;
	v17 =	vadd.s32 s4, v0;
	s4 =	sadd.s32 $0xFFFFFFFE, s30;
	v16 =	vadd.bf16 v3, v16;
	v24 =	vld.idx.msk [tilespmem:v31+s16+$0x0], $0xffff  }
0xce: {  	v13 =	vunpack.i.l.bf16.f32 v13;
	v15 =	vadd.s32 s4, v0;
	v14 =	vadd.bf16 v37, v14;
	v18 =	vld.idx.msk [tilespmem:v18+s14+$0x0], $0xffff  }
0xcf: {  	v8 =	vadd.bf16 v20, v8;
	v25 =	vand.u32 $0x3F, v17;
	v15 =	vand.u32 $0x3F, v15;
	v17 =	vld.idx.msk [tilespmem:v36+s16+$0x0], $0xffff  }
0xd0: {  	v9 =	vadd.f32 v13, v9;
	v20 =	vmul.bf16 v32, v22;
	v22 =	vor.u32 v5, v15;
	v31 =	vld.idx.msk [tilespmem:v21+s14+$0x0], $0xffff  }
0xd1: {  	v13 =	vunpack.i.u.bf16.f32 v8;
	v8 =	vunpack.i.l.bf16.f32 v8;
	v26 =	vunpack.i.l.bf16.f32 v14;
	v23 =	vld.idx.msk [tilespmem:v35+s14+$0x0], $0xffff  }
.Ltmp2:
0xd2: {  	v9 =	vadd.f32 v8, v9;
	v32 =	vunpack.i.u.bf16.f32 v14;
	v16 =	vadd.bf16 v20, v16;
	v21 =	vld.idx.msk [tilespmem:v36+s14+$0x0], $0xffff;
	(pc) =	sbr.rel @p1 .LBB2_8-.Ltmp2, $4  }
0xd3: {  	v11 =	vadd.f32 v13, v11;
	v20 =	vor.u32 v5, v25;
	v14 =	vmul.bf16 v24, v28;
	v15 =	vld.idx.msk [tilespmem:v34+s14+$0x0], $0xffff  }
0xd4: {  	v9 =	vadd.f32 v26, v9;
	v24 =	vor.u32 v5, v30;
	v25 =	vmul.bf16 v38, v18;
	v8 =	vld.idx.msk [tilespmem:v12+s14+$0x0], $0xffff  }
0xd5: {  	v11 =	vadd.f32 v32, v11;
	v13 =	vmul.bf16 v29, v39;
	v26 =	vadd.bf16 v14, v19;
	v14 =	vld.idx.msk [tilespmem:v22+s14+$0x0], $0xffff  }
0xd6: {  	s30 =	sadd.s32 $0x10, s30;
	v19 =	vmul.bf16 v27, v31;
	v18 =	vld.idx.msk [tilespmem:v34+s16+$0x0], $0xffff  }
0xd7: {  	_ =	sdelay $0x2  }
0xd8: {  	v7 =	vadd.s32 s0, v0  }
0xd9: {  	v6 =	vld.idx.msk [tilespmem:v22+s16+$0x0], $0xffff;
	v7 =	vand.u32 $0x3F, v7  }
0xda: {  	v52 =	vld.idx.msk [tilespmem:v20+s16+$0x0], $0xffff;
	v5 =	vor.u32 v5, v7  }
0xdb: {  	v12 =	vld.idx.msk [tilespmem:v12+s16+$0x0], $0xffff  }
0xdc: {  	v54 =	vld.idx.msk [tilespmem:v24+s16+$0x0], $0xffff  }
0xdd: {  	v10 =	vmul.bf16 v10, v23;
	v7 =	vld.idx.msk [tilespmem:v24+s14+$0x0], $0xffff  }
0xde: {  	v53 =	vld.idx.msk [tilespmem:v20+s14+$0x0], $0xffff;
	v55 =	vadd.bf16 v25, v26;
	v17 =	vmul.bf16 v17, v21  }
0xdf: {  	v16 =	vadd.bf16 v19, v16;
	v10 =	vadd.bf16 v3, v10;
	v15 =	vmul.bf16 v18, v15;
	v56 =	vld.idx.msk [tilespmem:v5+s14+$0x0], $0xffff  }
0xe0: {  	v17 =	vadd.bf16 v3, v17;
	v57 =	vunpack.i.u.bf16.f32 v55;
	v6 =	vmul.bf16 v6, v14;
	v5 =	vld.idx.msk [tilespmem:v5+s16+$0x0], $0xffff  }
0xe1: {  	v60 =	vunpack.i.l.bf16.f32 v55;
	v8 =	vmul.bf16 v12, v8;
	v10 =	vadd.bf16 v15, v10  }
0xe2: {  	v59 =	vadd.bf16 v13, v16;
	v7 =	vmul.bf16 v54, v7;
	v6 =	vadd.bf16 v6, v17  }
0xe3: {  	v11 =	vadd.f32 v57, v11;
	v58 =	vmul.bf16 v52, v53;
	v8 =	vadd.bf16 v8, v10  }
0xe4: {  	v61 =	vunpack.i.u.bf16.f32 v59;
	v6 =	vadd.bf16 v7, v6;
	v7 =	vadd.f32 v60, v9  }
0xe5: {  	v62 =	vunpack.i.l.bf16.f32 v59;
	v8 =	vadd.bf16 v58, v8;
	v5 =	vmul.bf16 v5, v56  }
0xe6: {  	v10 =	vadd.f32 v61, v11;
	v7 =	vadd.f32 v62, v7  }
0xe7: {  	v5 =	vadd.bf16 v5, v6;
	v6 =	vunpack.i.u.bf16.f32 v8;
	v8 =	vunpack.i.l.bf16.f32 v8  }
0xe8: {  	s19 =	sadd.s32 $0x1, s19;
	v7 =	vadd.f32 v8, v7;
	v6 =	vadd.f32 v6, v10  }
0xe9: {  	p1 =	sne.s32 s19, $0x5;
	v63 =	vunpack.i.l.bf16.f32 v5;
	v5 =	vunpack.i.u.bf16.f32 v5  }
.Ltmp3:
0xea: {  	v7 =	vadd.f32 v63, v7;
	v5 =	vadd.f32 v5, v6;
	(pc) =	sbr.rel @p1 .LBB2_7-.Ltmp3, $3  }
0xeb: {  	_ = 	snop  }
0xec: {  	v5 =	vadd.f32 v5, v7;
	_ =	sdelay $0x1  }
0xed: {  	[tilespmem:v4+s21+$0x0 ss:$0x1] =	vst.idx.msk $0xffff, v5  }
0xee: {  	p1 =	seq.s32 s1, $0x1E  }
0xef: {  	s0 =	sadd.s32 @!p1 $0x190, s15;
	s4 =	simm.s32 @!p1 $0x50;
	s5 =	simm.s32 @!p1 $0x7620  }
0xf0: {  	[tilespmem:s5], [sflag:$0x2] =	stream.indirect.gather @!p1 [spmem:s2], $0x40, s0, s4, $0xb8;
	[tilespmem:$0x1B170] =	vst v63  }
0xf1: {  	s0 =	sadd.s32 @!p1 $0x28A0, s15;
	s5 =	simm.s32 @!p1 $0x8A20  }
0xf2: {  	[tilespmem:s5], [sflag:$0x2] =	stream.indirect.gather @!p1 [spmem:s2], $0x40, s0, s4, $0xb8;
	[tilespmem:$0x1B170] =	vst v63  }
0xf3: {  	_ =	swait.ge [sflag:s28], $0x1400  }
0xf4: {  	[sflag:s28] =	ssyncset.done $0x0  }
0xf5: {  	[sflag:s28] =	ssyncadd.s32 $0xFFFFEC00  }
0xf6: {  	_ =	swait.ge [sflag:s28], $0x1400  }
0xf7: {  	s30 =	sadd.s32 $0xEEC0, s17;
	[sflag:s28] =	ssyncset.done $0x0  }
0xf8: {  	s19 =	simm.s32 $0x0;
	v4 =	vmov s30;
	[sflag:s28] =	ssyncadd.s32 $0xFFFFEC00  }
.LBB2_11:
0xf9: {  	s21 =	sshll.u32 s19, $0x4  }
0xfa: {  	s4 =	simm.s32 $0x1;
	v5 =	vmov s21  }
0xfb: {  	v7 =	vadd.s32 s4, v0;
	v5 =	vshll.u32 v5, $0x6  }
0xfc: {  	s23 =	simm.s32 $0x4;
	v7 =	vand.u32 $0x3F, v7;
	v5 =	vor.u32 v1, v5  }
0xfd: {  	v10 =	vadd.s32 s23, v0;
	v9 =	vor.u32 v5, v7  }
0xfe: {  	s5 =	simm.s32 $0x6;
	v10 =	vand.u32 $0x3F, v10  }
0xff: {  	s7 =	simm.s32 $0x3;
	v13 =	vadd.s32 s5, v0;
	v10 =	vor.u32 v5, v10  }
0x100: {  	v16 =	vadd.s32 s7, v0;
	v13 =	vand.u32 $0x3F, v13  }
0x101: {  	v16 =	vand.u32 $0x3F, v16;
	v13 =	vor.u32 v5, v13  }
0x102: {  	v16 =	vor.u32 v5, v16;
	v15 =	vld.idx.msk [tilespmem:v9+s20+$0x0], $0xffff  }
0x103: {  	v9 =	vld.idx.msk [tilespmem:v9+s18+$0x0], $0xffff  }
0x104: {  	s0 =	simm.s32 $0x0;
	s10 =	simm.s32 $0x2;
	v6 =	vor.u32 v0, v5;
	v19 =	vld.idx.msk [tilespmem:v10+s20+$0x0], $0xffff  }
0x105: {  	v7 =	vadd.s32 s10, v0;
	v8 =	vor.u32 s0, v6;
	v21 =	vld.idx.msk [tilespmem:v10+s18+$0x0], $0xffff  }
0x106: {  	s10 =	simm.s32 $0x5;
	v7 =	vand.u32 $0x3F, v7;
	v27 =	vld.idx.msk [tilespmem:v13+s20+$0x0], $0xffff  }
0x107: {  	v17 =	vadd.s32 s10, v0;
	v11 =	vor.u32 v5, v7;
	v24 =	vld.idx.msk [tilespmem:v16+s20+$0x0], $0xffff  }
0x108: {  	s6 =	simm.s32 $0x8;
	v17 =	vand.u32 $0x3F, v17;
	v33 =	vld.idx.msk [tilespmem:v16+s18+$0x0], $0xffff  }
0x109: {  	v14 =	vadd.s32 s6, v0;
	s23 =	simm.s32 $0x7;
	v17 =	vor.u32 v5, v17;
	v34 =	vld.idx.msk [tilespmem:v13+s18+$0x0], $0xffff  }
0x10a: {  	v14 =	vand.u32 $0x38, v14;
	v20 =	vadd.s32 s23, v0;
	v7 =	vor.u32 v2, v5;
	v12 =	vld.idx.msk [tilespmem:v8+s18+$0x0], $0xffff  }
0x10b: {  	v14 =	vor.u32 v14, v7;
	v10 =	vand.u32 $0x3F, v20;
	v8 =	vld.idx.msk [tilespmem:v8+s20+$0x0], $0xffff  }
0x10c: {  	s4 =	simm.s32 $0xC;
	v20 =	vor.u32 v5, v10;
	v18 =	vld.idx.msk [tilespmem:v11+s18+$0x0], $0xffff  }
0x10d: {  	v22 =	vadd.s32 s4, v0;
	v31 =	vld.idx.msk [tilespmem:v11+s20+$0x0], $0xffff  }
0x10e: {  	s5 =	simm.s32 $0x9;
	v22 =	vand.u32 $0x3F, v22;
	v25 =	vld.idx.msk [tilespmem:v17+s18+$0x0], $0xffff  }
0x10f: {  	s7 =	simm.s32 $0xD;
	v28 =	vor.u32 v5, v22;
	s10 =	simm.s32 $0xE;
	v26 =	vld.idx.msk [tilespmem:v17+s20+$0x0], $0xffff;
	v17 =	vadd.s32 s5, v0  }
0x110: {  	v16 =	vadd.s32 s7, v0;
	v13 =	vadd.s32 s10, v0;
	v10 =	vld.idx.msk [tilespmem:v14+s20+$0x0], $0xffff;
	v17 =	vand.u32 $0x3F, v17  }
0x111: {  	s6 =	simm.s32 $0xA;
	v16 =	vand.u32 $0x3F, v16;
	v32 =	vor.u32 v5, v17;
	v29 =	vld.idx.msk [tilespmem:v20+s18+$0x0], $0xffff;
	v8 =	vmul.bf16 v8, v12  }
0x112: {  	v22 =	vor.u32 v5, v16;
	v19 =	vmul.bf16 v19, v21;
	v30 =	vld.idx.msk [tilespmem:v20+s20+$0x0], $0xffff;
	v20 =	vadd.s32 s6, v0  }
0x113: {  	s23 =	simm.s32 $0xB;
	v23 =	vld.idx.msk [tilespmem:v14+s18+$0x0], $0xffff;
	v9 =	vmul.bf16 v15, v9;
	v11 =	vand.u32 $0x3F, v20;
	v8 =	vadd.bf16 v3, v8  }
0x114: {  	v17 =	vld.idx.msk [tilespmem:v28+s20+$0x0], $0xffff;
	v15 =	vadd.s32 s23, v0;
	v14 =	vadd.bf16 v3, v19;
	v12 =	vor.u32 v5, v11  }
0x115: {  	v21 =	vld.idx.msk [tilespmem:v28+s18+$0x0], $0xffff;
	v16 =	vmul.bf16 v26, v25;
	v9 =	vadd.bf16 v9, v8;
	v8 =	vand.u32 $0x3F, v15  }
0x116: {  	v13 =	vand.u32 $0x3F, v13;
	v18 =	vmul.bf16 v31, v18;
	v15 =	vld.idx.msk [tilespmem:v32+s18+$0x0], $0xffff;
	v20 =	vor.u32 v5, v8  }
0x117: {  	v25 =	vmul.bf16 v24, v33;
	v24 =	vor.u32 v5, v13;
	v16 =	vadd.bf16 v16, v14;
	v14 =	vld.idx.msk [tilespmem:v22+s18+$0x0], $0xffff  }
0x118: {  	v19 =	vmul.bf16 v27, v34;
	v26 =	vadd.bf16 v18, v9;
	v18 =	vld.idx.msk [tilespmem:v32+s20+$0x0], $0xffff  }
0x119: {  	s30 =	simm.s32 $0x1F;
	s0 =	simm.s32 $0xF;
	s23 =	simm.s32 $0x0;
	v11 =	vimm.f32 $0.0e+00;
	v13 =	vmul.bf16 v30, v29;
	v9 =	vimm.f32 $0.0e+00;
	v8 =	vld.idx.msk [tilespmem:v12+s18+$0x0], $0xffff  }
.LBB2_12:
0x11a: {  	s4 =	sadd.s32 $0xFFFFFFF1, s30;
	s5 =	sadd.s32 $0xFFFFFFF2, s30;
	s6 =	sadd.s32 $0xFFFFFFF5, s30;
	v25 =	vadd.bf16 v25, v26;
	v10 =	vmul.bf16 v10, v23;
	v22 =	vld.idx.msk [tilespmem:v22+s20+$0x0], $0xffff;
	v23 =	vadd.s32 s0, v0  }
0x11b: {  	s7 =	sadd.s32 $0xFFFFFFFF, s30;
	v17 =	vmul.bf16 v17, v21;
	v26 =	vor.u32 s4, v6;
	v27 =	vadd.s32 s5, v0;
	s4 =	sadd.s32 $0xFFFFFFF3, s30;
	s5 =	sadd.s32 $0xFFFFFFF9, s30;
	v28 =	vld.idx.msk [tilespmem:v20+s20+$0x0], $0xffff  }
0x11c: {  	s23 =	sadd.s32 $0x4, s23;
	s0 =	smov.u32 s30;
	v23 =	vand.u32 $0x3F, v23;
	v21 =	vand.u32 $0x3F, v27;
	v27 =	vadd.s32 s6, v0;
	s6 =	sadd.s32 $0xFFFFFFFB, s30;
	v29 =	vld.idx.msk [tilespmem:v24+s18+$0x0], $0xffff  }
0x11d: {  	s10 =	sadd.s32 $0xFFFFFFF6, s30;
	v30 =	vadd.s32 s7, v0;
	p2 =	slt.u32 s23, $0xC;
	v21 =	vor.u32 v5, v21;
	v27 =	vand.u32 $0x3F, v27;
	v24 =	vld.idx.msk [tilespmem:v24+s20+$0x0], $0xffff  }
0x11e: {  	v32 =	vadd.s32 s10, v0;
	v31 =	vadd.s32 s4, v0;
	v33 =	vadd.s32 s6, v0;
	v20 =	vld.idx.msk [tilespmem:v20+s18+$0x0], $0xffff  }
0x11f: {  	v32 =	vand.u32 $0x3F, v32;
	v31 =	vand.u32 $0x3F, v31;
	v34 =	vld.idx.msk [tilespmem:v12+s20+$0x0], $0xffff;
	v12 =	vor.u32 v5, v23  }
0x120: {  	v30 =	vand.u32 $0x3F, v30;
	v32 =	vor.u32 v5, v32;
	v31 =	vor.u32 v5, v31;
	v23 =	vld.idx.msk [tilespmem:v26+s18+$0x0], $0xffff  }
0x121: {  	s4 =	sadd.s32 $0xFFFFFFF7, s30;
	v35 =	vadd.s32 s5, v0;
	v10 =	vadd.bf16 v3, v10;
	v27 =	vor.u32 v5, v27;
	v26 =	vld.idx.msk [tilespmem:v26+s20+$0x0], $0xffff  }
0x122: {  	v16 =	vadd.bf16 v19, v16;
	v37 =	vadd.s32 s4, v0;
	v35 =	vand.u32 $0x38, v35;
	v36 =	vld.idx.msk [tilespmem:v21+s20+$0x0], $0xffff  }
0x123: {  	s4 =	sadd.s32 $0xFFFFFFF4, s30;
	v35 =	vor.u32 v35, v7;
	v15 =	vmul.bf16 v18, v15;
	v19 =	vld.idx.msk [tilespmem:v21+s18+$0x0], $0xffff;
	v21 =	vand.u32 $0x3F, v37  }
0x124: {  	v17 =	vadd.bf16 v3, v17;
	v18 =	vadd.s32 s4, v0;
	v21 =	vor.u32 v5, v21;
	v37 =	vld.idx.msk [tilespmem:v12+s18+$0x0], $0xffff  }
0x125: {  	v38 =	vunpack.i.u.bf16.f32 v25;
	v18 =	vand.u32 $0x3F, v18;
	v20 =	vmul.bf16 v28, v20;
	v12 =	vld.idx.msk [tilespmem:v12+s20+$0x0], $0xffff  }
0x126: {  	s4 =	sadd.s32 $0xFFFFFFF8, s30;
	v14 =	vmul.bf16 v22, v14;
	v18 =	vor.u32 v5, v18;
	v22 =	vmul.bf16 v24, v29;
	v28 =	vld.idx.msk [tilespmem:v31+s18+$0x0], $0xffff  }
0x127: {  	v13 =	vadd.bf16 v13, v16;
	v23 =	vmul.bf16 v26, v23;
	v26 =	vadd.s32 s4, v0;
	v24 =	vld.idx.msk [tilespmem:v27+s20+$0x0], $0xffff  }
0x128: {  	v11 =	vadd.f32 v38, v11;
	v15 =	vadd.bf16 v15, v10;
	v26 =	vand.u32 $0x3F, v26;
	v16 =	vld.idx.msk [tilespmem:v27+s18+$0x0], $0xffff  }
0x129: {  	v14 =	vadd.bf16 v14, v17;
	s4 =	sadd.s32 $0xFFFFFFFA, s30;
	v23 =	vadd.bf16 v3, v23;
	v26 =	vor.u32 v5, v26;
	v27 =	vld.idx.msk [tilespmem:v21+s20+$0x0], $0xffff  }
0x12a: {  	v29 =	vand.u32 $0x3F, v33;
	v33 =	vunpack.i.u.bf16.f32 v13;
	v17 =	vadd.s32 s4, v0;
	s4 =	sadd.s32 $0xFFFFFFFD, s30;
	v10 =	vld.idx.msk [tilespmem:v35+s20+$0x0], $0xffff  }
0x12b: {  	v14 =	vadd.bf16 v22, v14;
	v17 =	vand.u32 $0x3F, v17;
	v39 =	vadd.s32 s4, v0;
	v38 =	vld.idx.msk [tilespmem:v18+s20+$0x0], $0xffff  }
0x12c: {  	v25 =	vunpack.i.l.bf16.f32 v25;
	v39 =	vand.u32 $0x3F, v39;
	v37 =	vmul.bf16 v12, v37;
	v22 =	vld.idx.msk [tilespmem:v32+s18+$0x0], $0xffff  }
0x12d: {  	v9 =	vadd.f32 v25, v9;
	v19 =	vmul.bf16 v36, v19;
	v36 =	vor.u32 v5, v39;
	v32 =	vld.idx.msk [tilespmem:v32+s20+$0x0], $0xffff  }
0x12e: {  	v8 =	vmul.bf16 v34, v8;
	v12 =	vor.u32 v5, v29;
	v16 =	vmul.bf16 v24, v16;
	v39 =	vld.idx.msk [tilespmem:v26+s18+$0x0], $0xffff  }
0x12f: {  	v11 =	vadd.f32 v33, v11;
	s4 =	sadd.s32 $0xFFFFFFFC, s30;
	v34 =	vor.u32 v5, v17;
	v19 =	vadd.bf16 v19, v23;
	v29 =	vld.idx.msk [tilespmem:v26+s20+$0x0], $0xffff  }
0x130: {  	v8 =	vadd.bf16 v8, v15;
	v17 =	vadd.s32 s4, v0;
	s4 =	sadd.s32 $0xFFFFFFFE, s30;
	v16 =	vadd.bf16 v3, v16;
	v24 =	vld.idx.msk [tilespmem:v31+s20+$0x0], $0xffff  }
0x131: {  	v13 =	vunpack.i.l.bf16.f32 v13;
	v15 =	vadd.s32 s4, v0;
	v14 =	vadd.bf16 v37, v14;
	v18 =	vld.idx.msk [tilespmem:v18+s18+$0x0], $0xffff  }
0x132: {  	v8 =	vadd.bf16 v20, v8;
	v25 =	vand.u32 $0x3F, v17;
	v15 =	vand.u32 $0x3F, v15;
	v17 =	vld.idx.msk [tilespmem:v36+s20+$0x0], $0xffff  }
0x133: {  	v9 =	vadd.f32 v13, v9;
	v20 =	vmul.bf16 v32, v22;
	v22 =	vor.u32 v5, v15;
	v31 =	vld.idx.msk [tilespmem:v21+s18+$0x0], $0xffff  }
0x134: {  	v13 =	vunpack.i.u.bf16.f32 v8;
	v8 =	vunpack.i.l.bf16.f32 v8;
	v26 =	vunpack.i.l.bf16.f32 v14;
	v23 =	vld.idx.msk [tilespmem:v35+s18+$0x0], $0xffff  }
.Ltmp4:
0x135: {  	v9 =	vadd.f32 v8, v9;
	v32 =	vunpack.i.u.bf16.f32 v14;
	v16 =	vadd.bf16 v20, v16;
	v21 =	vld.idx.msk [tilespmem:v36+s18+$0x0], $0xffff;
	(pc) =	sbr.rel @p2 .LBB2_12-.Ltmp4, $4  }
0x136: {  	v11 =	vadd.f32 v13, v11;
	v20 =	vor.u32 v5, v25;
	v14 =	vmul.bf16 v24, v28;
	v15 =	vld.idx.msk [tilespmem:v34+s18+$0x0], $0xffff  }
0x137: {  	v9 =	vadd.f32 v26, v9;
	v24 =	vor.u32 v5, v30;
	v25 =	vmul.bf16 v38, v18;
	v8 =	vld.idx.msk [tilespmem:v12+s18+$0x0], $0xffff  }
0x138: {  	v11 =	vadd.f32 v32, v11;
	v13 =	vmul.bf16 v29, v39;
	v26 =	vadd.bf16 v14, v19;
	v14 =	vld.idx.msk [tilespmem:v22+s18+$0x0], $0xffff  }
0x139: {  	s30 =	sadd.s32 $0x10, s30;
	v19 =	vmul.bf16 v27, v31;
	v18 =	vld.idx.msk [tilespmem:v34+s20+$0x0], $0xffff  }
0x13a: {  	_ =	sdelay $0x2  }
0x13b: {  	v7 =	vadd.s32 s0, v0  }
0x13c: {  	v6 =	vld.idx.msk [tilespmem:v22+s20+$0x0], $0xffff;
	v7 =	vand.u32 $0x3F, v7  }
0x13d: {  	v52 =	vld.idx.msk [tilespmem:v20+s20+$0x0], $0xffff;
	v5 =	vor.u32 v5, v7  }
0x13e: {  	v12 =	vld.idx.msk [tilespmem:v12+s20+$0x0], $0xffff  }
0x13f: {  	v54 =	vld.idx.msk [tilespmem:v24+s20+$0x0], $0xffff  }
0x140: {  	v10 =	vmul.bf16 v10, v23;
	v7 =	vld.idx.msk [tilespmem:v24+s18+$0x0], $0xffff  }
0x141: {  	v53 =	vld.idx.msk [tilespmem:v20+s18+$0x0], $0xffff;
	v55 =	vadd.bf16 v25, v26;
	v17 =	vmul.bf16 v17, v21  }
0x142: {  	v16 =	vadd.bf16 v19, v16;
	v10 =	vadd.bf16 v3, v10;
	v15 =	vmul.bf16 v18, v15;
	v56 =	vld.idx.msk [tilespmem:v5+s18+$0x0], $0xffff  }
0x143: {  	v17 =	vadd.bf16 v3, v17;
	v57 =	vunpack.i.u.bf16.f32 v55;
	v6 =	vmul.bf16 v6, v14;
	v5 =	vld.idx.msk [tilespmem:v5+s20+$0x0], $0xffff  }
0x144: {  	v60 =	vunpack.i.l.bf16.f32 v55;
	v8 =	vmul.bf16 v12, v8;
	v10 =	vadd.bf16 v15, v10  }
0x145: {  	v59 =	vadd.bf16 v13, v16;
	v7 =	vmul.bf16 v54, v7;
	v6 =	vadd.bf16 v6, v17  }
0x146: {  	v11 =	vadd.f32 v57, v11;
	v58 =	vmul.bf16 v52, v53;
	v8 =	vadd.bf16 v8, v10  }
0x147: {  	v61 =	vunpack.i.u.bf16.f32 v59;
	v6 =	vadd.bf16 v7, v6;
	v7 =	vadd.f32 v60, v9  }
0x148: {  	v62 =	vunpack.i.l.bf16.f32 v59;
	v8 =	vadd.bf16 v58, v8;
	v5 =	vmul.bf16 v5, v56  }
0x149: {  	v10 =	vadd.f32 v61, v11;
	v7 =	vadd.f32 v62, v7  }
0x14a: {  	v5 =	vadd.bf16 v5, v6;
	v6 =	vunpack.i.u.bf16.f32 v8;
	v8 =	vunpack.i.l.bf16.f32 v8  }
0x14b: {  	s19 =	sadd.s32 $0x1, s19;
	v7 =	vadd.f32 v8, v7;
	v6 =	vadd.f32 v6, v10  }
0x14c: {  	p2 =	sne.s32 s19, $0x5;
	v63 =	vunpack.i.l.bf16.f32 v5;
	v5 =	vunpack.i.u.bf16.f32 v5  }
.Ltmp5:
0x14d: {  	v7 =	vadd.f32 v63, v7;
	v5 =	vadd.f32 v5, v6;
	(pc) =	sbr.rel @p2 .LBB2_11-.Ltmp5, $3  }
0x14e: {  	_ = 	snop  }
0x14f: {  	v5 =	vadd.f32 v5, v7;
	_ =	sdelay $0x1  }
0x150: {  	[tilespmem:v4+s21+$0x0 ss:$0x1] =	vst.idx.msk $0xffff, v5  }
0x151: {  	s0 =	sadd.s32 @!p1 $0x1E0, s15;
	s4 =	simm.s32 @!p1 $0x50;
	s5 =	simm.s32 @!p1 $0x9E20  }
0x152: {  	[tilespmem:s5], [sflag:$0x3] =	stream.indirect.gather @!p1 [spmem:s2], $0x40, s0, s4, $0xb8;
	[tilespmem:$0x1B170] =	vst v63  }
0x153: {  	s0 =	sadd.s32 @!p1 $0x28F0, s15;
	s5 =	simm.s32 @!p1 $0xB220  }
0x154: {  	[tilespmem:s5], [sflag:$0x3] =	stream.indirect.gather @!p1 [spmem:s2], $0x40, s0, s4, $0xb8;
	[tilespmem:$0x1B170] =	vst v63  }
0x155: {  	_ =	swait.ge [sflag:s29], $0x1400  }
0x156: {  	[sflag:s29] =	ssyncset.done $0x0  }
0x157: {  	[sflag:s29] =	ssyncadd.s32 $0xFFFFEC00  }
0x158: {  	_ =	swait.ge [sflag:s29], $0x1400  }
0x159: {  	s30 =	sadd.s32 $0xEF10, s17;
	[sflag:s29] =	ssyncset.done $0x0  }
0x15a: {  	s17 =	simm.s32 $0x0;
	v4 =	vmov s30;
	[sflag:s29] =	ssyncadd.s32 $0xFFFFEC00  }
.LBB2_15:
0x15b: {  	s19 =	sshll.u32 s17, $0x4  }
0x15c: {  	s4 =	simm.s32 $0x1;
	v5 =	vmov s19  }
0x15d: {  	v7 =	vadd.s32 s4, v0;
	v5 =	vshll.u32 v5, $0x6  }
0x15e: {  	s7 =	simm.s32 $0x4;
	v7 =	vand.u32 $0x3F, v7;
	v5 =	vor.u32 v1, v5  }
0x15f: {  	v10 =	vadd.s32 s7, v0;
	v9 =	vor.u32 v5, v7  }
0x160: {  	s10 =	simm.s32 $0x6;
	v10 =	vand.u32 $0x3F, v10  }
0x161: {  	s23 =	simm.s32 $0x3;
	v13 =	vadd.s32 s10, v0;
	v10 =	vor.u32 v5, v10  }
0x162: {  	s30 =	simm.s32 $0x5;
	v16 =	vadd.s32 s23, v0;
	v13 =	vand.u32 $0x3F, v13  }
0x163: {  	v17 =	vadd.s32 s30, v0;
	v16 =	vand.u32 $0x3F, v16;
	v13 =	vor.u32 v5, v13  }
0x164: {  	v17 =	vand.u32 $0x3F, v17;
	v16 =	vor.u32 v5, v16;
	v15 =	vld.idx.msk [tilespmem:v9+s24+$0x0], $0xffff  }
0x165: {  	v17 =	vor.u32 v5, v17;
	v9 =	vld.idx.msk [tilespmem:v9+s22+$0x0], $0xffff  }
0x166: {  	v19 =	vld.idx.msk [tilespmem:v10+s24+$0x0], $0xffff  }
0x167: {  	s0 =	simm.s32 $0x0;
	v6 =	vor.u32 v0, v5;
	v21 =	vld.idx.msk [tilespmem:v10+s22+$0x0], $0xffff  }
0x168: {  	s6 =	simm.s32 $0x2;
	v8 =	vor.u32 s0, v6;
	v27 =	vld.idx.msk [tilespmem:v13+s24+$0x0], $0xffff  }
0x169: {  	v7 =	vadd.s32 s6, v0;
	v24 =	vld.idx.msk [tilespmem:v16+s24+$0x0], $0xffff  }
0x16a: {  	s21 =	simm.s32 $0x8;
	v7 =	vand.u32 $0x3F, v7;
	v25 =	vld.idx.msk [tilespmem:v17+s22+$0x0], $0xffff  }
0x16b: {  	s5 =	simm.s32 $0x7;
	v14 =	vadd.s32 s21, v0;
	v11 =	vor.u32 v5, v7;
	v26 =	vld.idx.msk [tilespmem:v17+s24+$0x0], $0xffff  }
0x16c: {  	v20 =	vadd.s32 s5, v0;
	v14 =	vand.u32 $0x38, v14;
	v7 =	vor.u32 v2, v5;
	v33 =	vld.idx.msk [tilespmem:v16+s22+$0x0], $0xffff  }
0x16d: {  	s6 =	simm.s32 $0xC;
	v14 =	vor.u32 v14, v7;
	v10 =	vand.u32 $0x3F, v20;
	v12 =	vld.idx.msk [tilespmem:v8+s22+$0x0], $0xffff  }
0x16e: {  	v22 =	vadd.s32 s6, v0;
	v8 =	vld.idx.msk [tilespmem:v8+s24+$0x0], $0xffff;
	v20 =	vor.u32 v5, v10  }
0x16f: {  	v22 =	vand.u32 $0x3F, v22;
	v34 =	vld.idx.msk [tilespmem:v13+s22+$0x0], $0xffff  }
0x170: {  	s7 =	simm.s32 $0x9;
	s21 =	simm.s32 $0xD;
	v28 =	vor.u32 v5, v22;
	v18 =	vld.idx.msk [tilespmem:v11+s22+$0x0], $0xffff  }
0x171: {  	s23 =	simm.s32 $0xE;
	v17 =	vadd.s32 s7, v0;
	v16 =	vadd.s32 s21, v0;
	v31 =	vld.idx.msk [tilespmem:v11+s24+$0x0], $0xffff  }
0x172: {  	v13 =	vadd.s32 s23, v0;
	v17 =	vand.u32 $0x3F, v17;
	v16 =	vand.u32 $0x3F, v16;
	v10 =	vld.idx.msk [tilespmem:v14+s24+$0x0], $0xffff  }
0x173: {  	s10 =	simm.s32 $0xA;
	v32 =	vor.u32 v5, v17;
	v22 =	vor.u32 v5, v16;
	v29 =	vld.idx.msk [tilespmem:v20+s22+$0x0], $0xffff;
	v8 =	vmul.bf16 v8, v12  }
0x174: {  	v19 =	vmul.bf16 v19, v21;
	v9 =	vmul.bf16 v15, v9;
	v30 =	vld.idx.msk [tilespmem:v20+s24+$0x0], $0xffff;
	v20 =	vadd.s32 s10, v0  }
0x175: {  	s30 =	simm.s32 $0xB;
	v17 =	vld.idx.msk [tilespmem:v28+s24+$0x0], $0xffff;
	v16 =	vmul.bf16 v26, v25;
	v11 =	vand.u32 $0x3F, v20;
	v8 =	vadd.bf16 v3, v8  }
0x176: {  	v23 =	vld.idx.msk [tilespmem:v14+s22+$0x0], $0xffff;
	v15 =	vadd.s32 s30, v0;
	v14 =	vadd.bf16 v3, v19;
	v12 =	vor.u32 v5, v11  }
0x177: {  	v13 =	vand.u32 $0x3F, v13;
	v21 =	vld.idx.msk [tilespmem:v28+s22+$0x0], $0xffff;
	v9 =	vadd.bf16 v9, v8;
	v8 =	vand.u32 $0x3F, v15  }
0x178: {  	v18 =	vmul.bf16 v31, v18;
	v16 =	vadd.bf16 v16, v14;
	v14 =	vld.idx.msk [tilespmem:v22+s22+$0x0], $0xffff;
	v20 =	vor.u32 v5, v8  }
0x179: {  	v25 =	vmul.bf16 v24, v33;
	v24 =	vor.u32 v5, v13;
	v15 =	vld.idx.msk [tilespmem:v32+s22+$0x0], $0xffff  }
0x17a: {  	v19 =	vmul.bf16 v27, v34;
	v26 =	vadd.bf16 v18, v9;
	v18 =	vld.idx.msk [tilespmem:v32+s24+$0x0], $0xffff  }
0x17b: {  	s0 =	simm.s32 $0xF;
	s21 =	simm.s32 $0x0;
	s23 =	simm.s32 $0x1F;
	v11 =	vimm.f32 $0.0e+00;
	v13 =	vmul.bf16 v30, v29;
	v9 =	vimm.f32 $0.0e+00;
	v8 =	vld.idx.msk [tilespmem:v12+s22+$0x0], $0xffff  }
.LBB2_16:
0x17c: {  	s4 =	sadd.s32 $0xFFFFFFF1, s23;
	s5 =	sadd.s32 $0xFFFFFFF2, s23;
	s6 =	sadd.s32 $0xFFFFFFF5, s23;
	v25 =	vadd.bf16 v25, v26;
	v10 =	vmul.bf16 v10, v23;
	v22 =	vld.idx.msk [tilespmem:v22+s24+$0x0], $0xffff;
	v23 =	vadd.s32 s0, v0  }
0x17d: {  	s7 =	sadd.s32 $0xFFFFFFFF, s23;
	v17 =	vmul.bf16 v17, v21;
	v26 =	vor.u32 s4, v6;
	v27 =	vadd.s32 s5, v0;
	s4 =	sadd.s32 $0xFFFFFFF3, s23;
	s5 =	sadd.s32 $0xFFFFFFF9, s23;
	v28 =	vld.idx.msk [tilespmem:v20+s24+$0x0], $0xffff  }
0x17e: {  	s21 =	sadd.s32 $0x4, s21;
	s0 =	smov.u32 s23;
	v23 =	vand.u32 $0x3F, v23;
	v21 =	vand.u32 $0x3F, v27;
	v27 =	vadd.s32 s6, v0;
	s6 =	sadd.s32 $0xFFFFFFFB, s23;
	v29 =	vld.idx.msk [tilespmem:v24+s22+$0x0], $0xffff  }
0x17f: {  	s10 =	sadd.s32 $0xFFFFFFF6, s23;
	v30 =	vadd.s32 s7, v0;
	p2 =	slt.u32 s21, $0xC;
	v21 =	vor.u32 v5, v21;
	v27 =	vand.u32 $0x3F, v27;
	v24 =	vld.idx.msk [tilespmem:v24+s24+$0x0], $0xffff  }
0x180: {  	v32 =	vadd.s32 s10, v0;
	v31 =	vadd.s32 s4, v0;
	v33 =	vadd.s32 s6, v0;
	v20 =	vld.idx.msk [tilespmem:v20+s22+$0x0], $0xffff  }
0x181: {  	v32 =	vand.u32 $0x3F, v32;
	v31 =	vand.u32 $0x3F, v31;
	v34 =	vld.idx.msk [tilespmem:v12+s24+$0x0], $0xffff;
	v12 =	vor.u32 v5, v23  }
0x182: {  	v30 =	vand.u32 $0x3F, v30;
	v32 =	vor.u32 v5, v32;
	v31 =	vor.u32 v5, v31;
	v23 =	vld.idx.msk [tilespmem:v26+s22+$0x0], $0xffff  }
0x183: {  	s4 =	sadd.s32 $0xFFFFFFF7, s23;
	v35 =	vadd.s32 s5, v0;
	v10 =	vadd.bf16 v3, v10;
	v27 =	vor.u32 v5, v27;
	v26 =	vld.idx.msk [tilespmem:v26+s24+$0x0], $0xffff  }
0x184: {  	v16 =	vadd.bf16 v19, v16;
	v37 =	vadd.s32 s4, v0;
	v35 =	vand.u32 $0x38, v35;
	v36 =	vld.idx.msk [tilespmem:v21+s24+$0x0], $0xffff  }
0x185: {  	s4 =	sadd.s32 $0xFFFFFFF4, s23;
	v35 =	vor.u32 v35, v7;
	v15 =	vmul.bf16 v18, v15;
	v19 =	vld.idx.msk [tilespmem:v21+s22+$0x0], $0xffff;
	v21 =	vand.u32 $0x3F, v37  }
0x186: {  	v17 =	vadd.bf16 v3, v17;
	v18 =	vadd.s32 s4, v0;
	v21 =	vor.u32 v5, v21;
	v37 =	vld.idx.msk [tilespmem:v12+s22+$0x0], $0xffff  }
0x187: {  	v38 =	vunpack.i.u.bf16.f32 v25;
	v18 =	vand.u32 $0x3F, v18;
	v20 =	vmul.bf16 v28, v20;
	v12 =	vld.idx.msk [tilespmem:v12+s24+$0x0], $0xffff  }
0x188: {  	s4 =	sadd.s32 $0xFFFFFFF8, s23;
	v14 =	vmul.bf16 v22, v14;
	v18 =	vor.u32 v5, v18;
	v22 =	vmul.bf16 v24, v29;
	v28 =	vld.idx.msk [tilespmem:v31+s22+$0x0], $0xffff  }
0x189: {  	v13 =	vadd.bf16 v13, v16;
	v23 =	vmul.bf16 v26, v23;
	v26 =	vadd.s32 s4, v0;
	v24 =	vld.idx.msk [tilespmem:v27+s24+$0x0], $0xffff  }
0x18a: {  	v11 =	vadd.f32 v38, v11;
	v15 =	vadd.bf16 v15, v10;
	v26 =	vand.u32 $0x3F, v26;
	v16 =	vld.idx.msk [tilespmem:v27+s22+$0x0], $0xffff  }
0x18b: {  	v14 =	vadd.bf16 v14, v17;
	s4 =	sadd.s32 $0xFFFFFFFA, s23;
	v23 =	vadd.bf16 v3, v23;
	v26 =	vor.u32 v5, v26;
	v27 =	vld.idx.msk [tilespmem:v21+s24+$0x0], $0xffff  }
0x18c: {  	v29 =	vand.u32 $0x3F, v33;
	v33 =	vunpack.i.u.bf16.f32 v13;
	v17 =	vadd.s32 s4, v0;
	s4 =	sadd.s32 $0xFFFFFFFD, s23;
	v10 =	vld.idx.msk [tilespmem:v35+s24+$0x0], $0xffff  }
0x18d: {  	v14 =	vadd.bf16 v22, v14;
	v17 =	vand.u32 $0x3F, v17;
	v39 =	vadd.s32 s4, v0;
	v38 =	vld.idx.msk [tilespmem:v18+s24+$0x0], $0xffff  }
0x18e: {  	v25 =	vunpack.i.l.bf16.f32 v25;
	v39 =	vand.u32 $0x3F, v39;
	v37 =	vmul.bf16 v12, v37;
	v22 =	vld.idx.msk [tilespmem:v32+s22+$0x0], $0xffff  }
0x18f: {  	v9 =	vadd.f32 v25, v9;
	v19 =	vmul.bf16 v36, v19;
	v36 =	vor.u32 v5, v39;
	v32 =	vld.idx.msk [tilespmem:v32+s24+$0x0], $0xffff  }
0x190: {  	v8 =	vmul.bf16 v34, v8;
	v12 =	vor.u32 v5, v29;
	v16 =	vmul.bf16 v24, v16;
	v39 =	vld.idx.msk [tilespmem:v26+s22+$0x0], $0xffff  }
0x191: {  	v11 =	vadd.f32 v33, v11;
	s4 =	sadd.s32 $0xFFFFFFFC, s23;
	v34 =	vor.u32 v5, v17;
	v19 =	vadd.bf16 v19, v23;
	v29 =	vld.idx.msk [tilespmem:v26+s24+$0x0], $0xffff  }
0x192: {  	v8 =	vadd.bf16 v8, v15;
	v17 =	vadd.s32 s4, v0;
	s4 =	sadd.s32 $0xFFFFFFFE, s23;
	v16 =	vadd.bf16 v3, v16;
	v24 =	vld.idx.msk [tilespmem:v31+s24+$0x0], $0xffff  }
0x193: {  	v13 =	vunpack.i.l.bf16.f32 v13;
	v15 =	vadd.s32 s4, v0;
	v14 =	vadd.bf16 v37, v14;
	v18 =	vld.idx.msk [tilespmem:v18+s22+$0x0], $0xffff  }
0x194: {  	v8 =	vadd.bf16 v20, v8;
	v25 =	vand.u32 $0x3F, v17;
	v15 =	vand.u32 $0x3F, v15;
	v17 =	vld.idx.msk [tilespmem:v36+s24+$0x0], $0xffff  }
0x195: {  	v9 =	vadd.f32 v13, v9;
	v20 =	vmul.bf16 v32, v22;
	v22 =	vor.u32 v5, v15;
	v31 =	vld.idx.msk [tilespmem:v21+s22+$0x0], $0xffff  }
0x196: {  	v13 =	vunpack.i.u.bf16.f32 v8;
	v8 =	vunpack.i.l.bf16.f32 v8;
	v26 =	vunpack.i.l.bf16.f32 v14;
	v23 =	vld.idx.msk [tilespmem:v35+s22+$0x0], $0xffff  }
.Ltmp6:
0x197: {  	v9 =	vadd.f32 v8, v9;
	v32 =	vunpack.i.u.bf16.f32 v14;
	v16 =	vadd.bf16 v20, v16;
	v21 =	vld.idx.msk [tilespmem:v36+s22+$0x0], $0xffff;
	(pc) =	sbr.rel @p2 .LBB2_16-.Ltmp6, $4  }
0x198: {  	v11 =	vadd.f32 v13, v11;
	v20 =	vor.u32 v5, v25;
	v14 =	vmul.bf16 v24, v28;
	v15 =	vld.idx.msk [tilespmem:v34+s22+$0x0], $0xffff  }
0x199: {  	v9 =	vadd.f32 v26, v9;
	v24 =	vor.u32 v5, v30;
	v25 =	vmul.bf16 v38, v18;
	v8 =	vld.idx.msk [tilespmem:v12+s22+$0x0], $0xffff  }
0x19a: {  	v11 =	vadd.f32 v32, v11;
	v13 =	vmul.bf16 v29, v39;
	v26 =	vadd.bf16 v14, v19;
	v14 =	vld.idx.msk [tilespmem:v22+s22+$0x0], $0xffff  }
0x19b: {  	s23 =	sadd.s32 $0x10, s23;
	v19 =	vmul.bf16 v27, v31;
	v18 =	vld.idx.msk [tilespmem:v34+s24+$0x0], $0xffff  }
0x19c: {  	_ =	sdelay $0x2  }
0x19d: {  	v7 =	vadd.s32 s0, v0  }
0x19e: {  	v6 =	vld.idx.msk [tilespmem:v22+s24+$0x0], $0xffff;
	v7 =	vand.u32 $0x3F, v7  }
0x19f: {  	v52 =	vld.idx.msk [tilespmem:v20+s24+$0x0], $0xffff;
	v5 =	vor.u32 v5, v7  }
0x1a0: {  	v12 =	vld.idx.msk [tilespmem:v12+s24+$0x0], $0xffff  }
0x1a1: {  	v54 =	vld.idx.msk [tilespmem:v24+s24+$0x0], $0xffff  }
0x1a2: {  	v10 =	vmul.bf16 v10, v23;
	v7 =	vld.idx.msk [tilespmem:v24+s22+$0x0], $0xffff  }
0x1a3: {  	v53 =	vld.idx.msk [tilespmem:v20+s22+$0x0], $0xffff;
	v55 =	vadd.bf16 v25, v26;
	v17 =	vmul.bf16 v17, v21  }
0x1a4: {  	v16 =	vadd.bf16 v19, v16;
	v10 =	vadd.bf16 v3, v10;
	v15 =	vmul.bf16 v18, v15;
	v56 =	vld.idx.msk [tilespmem:v5+s22+$0x0], $0xffff  }
0x1a5: {  	v17 =	vadd.bf16 v3, v17;
	v57 =	vunpack.i.u.bf16.f32 v55;
	v6 =	vmul.bf16 v6, v14;
	v5 =	vld.idx.msk [tilespmem:v5+s24+$0x0], $0xffff  }
0x1a6: {  	v60 =	vunpack.i.l.bf16.f32 v55;
	v8 =	vmul.bf16 v12, v8;
	v10 =	vadd.bf16 v15, v10  }
0x1a7: {  	v59 =	vadd.bf16 v13, v16;
	v7 =	vmul.bf16 v54, v7;
	v6 =	vadd.bf16 v6, v17  }
0x1a8: {  	v11 =	vadd.f32 v57, v11;
	v58 =	vmul.bf16 v52, v53;
	v8 =	vadd.bf16 v8, v10  }
0x1a9: {  	v61 =	vunpack.i.u.bf16.f32 v59;
	v6 =	vadd.bf16 v7, v6;
	v7 =	vadd.f32 v60, v9  }
0x1aa: {  	v62 =	vunpack.i.l.bf16.f32 v59;
	v8 =	vadd.bf16 v58, v8;
	v5 =	vmul.bf16 v5, v56  }
0x1ab: {  	v10 =	vadd.f32 v61, v11;
	v7 =	vadd.f32 v62, v7  }
0x1ac: {  	v5 =	vadd.bf16 v5, v6;
	v6 =	vunpack.i.u.bf16.f32 v8;
	v8 =	vunpack.i.l.bf16.f32 v8  }
0x1ad: {  	s17 =	sadd.s32 $0x1, s17;
	v7 =	vadd.f32 v8, v7;
	v6 =	vadd.f32 v6, v10  }
0x1ae: {  	p2 =	sne.s32 s17, $0x5;
	v63 =	vunpack.i.l.bf16.f32 v5;
	v5 =	vunpack.i.u.bf16.f32 v5  }
.Ltmp7:
0x1af: {  	v7 =	vadd.f32 v63, v7;
	v5 =	vadd.f32 v5, v6;
	(pc) =	sbr.rel @p2 .LBB2_15-.Ltmp7, $3  }
0x1b0: {  	_ = 	snop  }
0x1b1: {  	v5 =	vadd.f32 v5, v7;
	_ =	sdelay $0x1  }
0x1b2: {  	[tilespmem:v4+s19+$0x0 ss:$0x1] =	vst.idx.msk $0xffff, v5  }
.Ltmp8:
0x1b3: {  	(pc) =	sbr.rel @p1 .LBB2_20-.Ltmp8, $1  }
0x1b4: {  	_ =	sdelay $0x3  }
.Ltmp9:
0x1b5: {  	(pc) =	sbr.rel .LBB2_2-.Ltmp9, $4  }
0x1b6: {  	s0 =	sadd.s32 $0x230, s15  }
0x1b7: {  	[tilespmem:s22], [sflag:$0x4] =	stream.indirect.gather [spmem:s2], $0x40, s0, s11, $0xb8;
	[tilespmem:$0x1B170] =	vst v63  }
0x1b8: {  	s30 =	sadd.s32 $0x2940, s15;
	s1 =	sadd.s32 $0x1, s1  }
0x1b9: {  	[tilespmem:s24], [sflag:$0x4] =	stream.indirect.gather [spmem:s2], $0x40, s30, s11, $0xb8;
	[tilespmem:$0x1B170] =	vst v63  }
.LBB2_20:
0x1ba: {  	_ =	swait.ge [sflag:s25], $0x1400  }
0x1bb: {  	[sflag:s25] =	ssyncset.done $0x0  }
0x1bc: {  	[sflag:s25] =	ssyncadd.s32 $0xFFFFEC00  }
0x1bd: {  	_ =	swait.ge [sflag:s25], $0x1400  }
0x1be: {  	[sflag:s25] =	ssyncset.done $0x0  }
0x1bf: {  	s1 =	simm.s32 $0x0;
	[sflag:s25] =	ssyncadd.s32 $0xFFFFEC00  }
.LBB2_21:
0x1c0: {  	s15 =	sshll.u32 s1, $0x4  }
0x1c1: {  	s4 =	simm.s32 $0x1;
	v4 =	vmov s15  }
0x1c2: {  	v6 =	vadd.s32 s4, v0;
	v4 =	vshll.u32 v4, $0x6  }
0x1c3: {  	s21 =	simm.s32 $0x4;
	v6 =	vand.u32 $0x3F, v6;
	v4 =	vor.u32 v1, v4  }
0x1c4: {  	v9 =	vadd.s32 s21, v0;
	v8 =	vor.u32 v4, v6  }
0x1c5: {  	s23 =	simm.s32 $0x6;
	v9 =	vand.u32 $0x3F, v9  }
0x1c6: {  	s5 =	simm.s32 $0x3;
	v12 =	vadd.s32 s23, v0;
	v9 =	vor.u32 v4, v9  }
0x1c7: {  	s6 =	simm.s32 $0x5;
	v15 =	vadd.s32 s5, v0;
	v12 =	vand.u32 $0x3F, v12  }
0x1c8: {  	v16 =	vadd.s32 s6, v0;
	v15 =	vand.u32 $0x3F, v15;
	v12 =	vor.u32 v4, v12  }
0x1c9: {  	v16 =	vand.u32 $0x3F, v16;
	v15 =	vor.u32 v4, v15;
	v14 =	vld.idx.msk [tilespmem:v8+s13+$0x0], $0xffff  }
0x1ca: {  	v16 =	vor.u32 v4, v16;
	v8 =	vld.idx.msk [tilespmem:v8+s12+$0x0], $0xffff  }
0x1cb: {  	v18 =	vld.idx.msk [tilespmem:v9+s13+$0x0], $0xffff  }
0x1cc: {  	s0 =	simm.s32 $0x0;
	v5 =	vor.u32 v0, v4;
	v20 =	vld.idx.msk [tilespmem:v9+s12+$0x0], $0xffff  }
0x1cd: {  	s19 =	simm.s32 $0x2;
	v7 =	vor.u32 s0, v5;
	v26 =	vld.idx.msk [tilespmem:v12+s13+$0x0], $0xffff  }
0x1ce: {  	v6 =	vadd.s32 s19, v0;
	v23 =	vld.idx.msk [tilespmem:v15+s13+$0x0], $0xffff  }
0x1cf: {  	s10 =	simm.s32 $0xC;
	v6 =	vand.u32 $0x3F, v6;
	v24 =	vld.idx.msk [tilespmem:v16+s12+$0x0], $0xffff  }
0x1d0: {  	s7 =	simm.s32 $0x7;
	v21 =	vadd.s32 s10, v0;
	v10 =	vor.u32 v4, v6;
	v25 =	vld.idx.msk [tilespmem:v16+s13+$0x0], $0xffff  }
0x1d1: {  	v19 =	vadd.s32 s7, v0;
	v21 =	vand.u32 $0x3F, v21;
	v32 =	vld.idx.msk [tilespmem:v15+s12+$0x0], $0xffff  }
0x1d2: {  	s30 =	simm.s32 $0x8;
	v27 =	vor.u32 v4, v21;
	v9 =	vand.u32 $0x3F, v19;
	v11 =	vld.idx.msk [tilespmem:v7+s12+$0x0], $0xffff  }
0x1d3: {  	v13 =	vadd.s32 s30, v0;
	v7 =	vld.idx.msk [tilespmem:v7+s13+$0x0], $0xffff;
	v19 =	vor.u32 v4, v9  }
0x1d4: {  	s17 =	simm.s32 $0x9;
	v13 =	vand.u32 $0x38, v13;
	v6 =	vor.u32 v2, v4;
	v33 =	vld.idx.msk [tilespmem:v12+s12+$0x0], $0xffff  }
0x1d5: {  	s21 =	simm.s32 $0xD;
	v13 =	vor.u32 v13, v6;
	v16 =	vadd.s32 s17, v0;
	v17 =	vld.idx.msk [tilespmem:v10+s12+$0x0], $0xffff  }
0x1d6: {  	v15 =	vadd.s32 s21, v0;
	v16 =	vand.u32 $0x3F, v16;
	v30 =	vld.idx.msk [tilespmem:v10+s13+$0x0], $0xffff  }
0x1d7: {  	s23 =	simm.s32 $0xE;
	v15 =	vand.u32 $0x3F, v15;
	v31 =	vor.u32 v4, v16;
	v16 =	vld.idx.msk [tilespmem:v27+s13+$0x0], $0xffff  }
0x1d8: {  	s19 =	simm.s32 $0xA;
	v12 =	vadd.s32 s23, v0;
	v21 =	vor.u32 v4, v15;
	v28 =	vld.idx.msk [tilespmem:v19+s12+$0x0], $0xffff;
	v7 =	vmul.bf16 v7, v11  }
0x1d9: {  	v18 =	vmul.bf16 v18, v20;
	v8 =	vmul.bf16 v14, v8;
	v29 =	vld.idx.msk [tilespmem:v19+s13+$0x0], $0xffff;
	v19 =	vadd.s32 s19, v0  }
0x1da: {  	s30 =	simm.s32 $0xB;
	v9 =	vld.idx.msk [tilespmem:v13+s13+$0x0], $0xffff;
	v15 =	vmul.bf16 v25, v24;
	v10 =	vand.u32 $0x3F, v19;
	v7 =	vadd.bf16 v3, v7  }
0x1db: {  	v22 =	vld.idx.msk [tilespmem:v13+s12+$0x0], $0xffff;
	v14 =	vadd.s32 s30, v0;
	v13 =	vadd.bf16 v3, v18;
	v11 =	vor.u32 v4, v10  }
0x1dc: {  	v12 =	vand.u32 $0x3F, v12;
	v20 =	vld.idx.msk [tilespmem:v27+s12+$0x0], $0xffff;
	v8 =	vadd.bf16 v8, v7;
	v7 =	vand.u32 $0x3F, v14  }
0x1dd: {  	v17 =	vmul.bf16 v30, v17;
	v15 =	vadd.bf16 v15, v13;
	v13 =	vld.idx.msk [tilespmem:v21+s12+$0x0], $0xffff;
	v19 =	vor.u32 v4, v7  }
0x1de: {  	v24 =	vmul.bf16 v23, v32;
	v23 =	vor.u32 v4, v12;
	v14 =	vld.idx.msk [tilespmem:v31+s12+$0x0], $0xffff  }
0x1df: {  	v18 =	vmul.bf16 v26, v33;
	v25 =	vadd.bf16 v17, v8;
	v17 =	vld.idx.msk [tilespmem:v31+s13+$0x0], $0xffff  }
0x1e0: {  	s0 =	simm.s32 $0xF;
	s17 =	simm.s32 $0x0;
	s19 =	simm.s32 $0x1F;
	v10 =	vimm.f32 $0.0e+00;
	v12 =	vmul.bf16 v29, v28;
	v8 =	vimm.f32 $0.0e+00;
	v7 =	vld.idx.msk [tilespmem:v11+s12+$0x0], $0xffff  }
.LBB2_22:
0x1e1: {  	s4 =	sadd.s32 $0xFFFFFFF1, s19;
	s5 =	sadd.s32 $0xFFFFFFF2, s19;
	s6 =	sadd.s32 $0xFFFFFFF5, s19;
	v24 =	vadd.bf16 v24, v25;
	v9 =	vmul.bf16 v9, v22;
	v21 =	vld.idx.msk [tilespmem:v21+s13+$0x0], $0xffff;
	v22 =	vadd.s32 s0, v0  }
0x1e2: {  	s7 =	sadd.s32 $0xFFFFFFFF, s19;
	v16 =	vmul.bf16 v16, v20;
	v25 =	vor.u32 s4, v5;
	v26 =	vadd.s32 s5, v0;
	s4 =	sadd.s32 $0xFFFFFFF3, s19;
	s5 =	sadd.s32 $0xFFFFFFF9, s19;
	v27 =	vld.idx.msk [tilespmem:v19+s13+$0x0], $0xffff  }
0x1e3: {  	s17 =	sadd.s32 $0x4, s17;
	s0 =	smov.u32 s19;
	v22 =	vand.u32 $0x3F, v22;
	v20 =	vand.u32 $0x3F, v26;
	v26 =	vadd.s32 s6, v0;
	s6 =	sadd.s32 $0xFFFFFFFB, s19;
	v28 =	vld.idx.msk [tilespmem:v23+s12+$0x0], $0xffff  }
0x1e4: {  	s10 =	sadd.s32 $0xFFFFFFF6, s19;
	v29 =	vadd.s32 s7, v0;
	p1 =	slt.u32 s17, $0xC;
	v20 =	vor.u32 v4, v20;
	v26 =	vand.u32 $0x3F, v26;
	v23 =	vld.idx.msk [tilespmem:v23+s13+$0x0], $0xffff  }
0x1e5: {  	v31 =	vadd.s32 s10, v0;
	v30 =	vadd.s32 s4, v0;
	v32 =	vadd.s32 s6, v0;
	v19 =	vld.idx.msk [tilespmem:v19+s12+$0x0], $0xffff  }
0x1e6: {  	v31 =	vand.u32 $0x3F, v31;
	v30 =	vand.u32 $0x3F, v30;
	v33 =	vld.idx.msk [tilespmem:v11+s13+$0x0], $0xffff;
	v11 =	vor.u32 v4, v22  }
0x1e7: {  	v29 =	vand.u32 $0x3F, v29;
	v31 =	vor.u32 v4, v31;
	v30 =	vor.u32 v4, v30;
	v22 =	vld.idx.msk [tilespmem:v25+s12+$0x0], $0xffff  }
0x1e8: {  	s4 =	sadd.s32 $0xFFFFFFF7, s19;
	v34 =	vadd.s32 s5, v0;
	v9 =	vadd.bf16 v3, v9;
	v26 =	vor.u32 v4, v26;
	v25 =	vld.idx.msk [tilespmem:v25+s13+$0x0], $0xffff  }
0x1e9: {  	v15 =	vadd.bf16 v18, v15;
	v36 =	vadd.s32 s4, v0;
	v34 =	vand.u32 $0x38, v34;
	v35 =	vld.idx.msk [tilespmem:v20+s13+$0x0], $0xffff  }
0x1ea: {  	s4 =	sadd.s32 $0xFFFFFFF4, s19;
	v34 =	vor.u32 v34, v6;
	v14 =	vmul.bf16 v17, v14;
	v18 =	vld.idx.msk [tilespmem:v20+s12+$0x0], $0xffff;
	v20 =	vand.u32 $0x3F, v36  }
0x1eb: {  	v16 =	vadd.bf16 v3, v16;
	v17 =	vadd.s32 s4, v0;
	v20 =	vor.u32 v4, v20;
	v36 =	vld.idx.msk [tilespmem:v11+s12+$0x0], $0xffff  }
0x1ec: {  	v37 =	vunpack.i.u.bf16.f32 v24;
	v17 =	vand.u32 $0x3F, v17;
	v19 =	vmul.bf16 v27, v19;
	v11 =	vld.idx.msk [tilespmem:v11+s13+$0x0], $0xffff  }
0x1ed: {  	s4 =	sadd.s32 $0xFFFFFFF8, s19;
	v13 =	vmul.bf16 v21, v13;
	v17 =	vor.u32 v4, v17;
	v21 =	vmul.bf16 v23, v28;
	v27 =	vld.idx.msk [tilespmem:v30+s12+$0x0], $0xffff  }
0x1ee: {  	v12 =	vadd.bf16 v12, v15;
	v22 =	vmul.bf16 v25, v22;
	v25 =	vadd.s32 s4, v0;
	v23 =	vld.idx.msk [tilespmem:v26+s13+$0x0], $0xffff  }
0x1ef: {  	v10 =	vadd.f32 v37, v10;
	v14 =	vadd.bf16 v14, v9;
	v25 =	vand.u32 $0x3F, v25;
	v15 =	vld.idx.msk [tilespmem:v26+s12+$0x0], $0xffff  }
0x1f0: {  	v13 =	vadd.bf16 v13, v16;
	s4 =	sadd.s32 $0xFFFFFFFA, s19;
	v22 =	vadd.bf16 v3, v22;
	v25 =	vor.u32 v4, v25;
	v26 =	vld.idx.msk [tilespmem:v20+s13+$0x0], $0xffff  }
0x1f1: {  	v28 =	vand.u32 $0x3F, v32;
	v32 =	vunpack.i.u.bf16.f32 v12;
	v16 =	vadd.s32 s4, v0;
	s4 =	sadd.s32 $0xFFFFFFFD, s19;
	v9 =	vld.idx.msk [tilespmem:v34+s13+$0x0], $0xffff  }
0x1f2: {  	v13 =	vadd.bf16 v21, v13;
	v16 =	vand.u32 $0x3F, v16;
	v38 =	vadd.s32 s4, v0;
	v37 =	vld.idx.msk [tilespmem:v17+s13+$0x0], $0xffff  }
0x1f3: {  	v24 =	vunpack.i.l.bf16.f32 v24;
	v38 =	vand.u32 $0x3F, v38;
	v36 =	vmul.bf16 v11, v36;
	v21 =	vld.idx.msk [tilespmem:v31+s12+$0x0], $0xffff  }
0x1f4: {  	v8 =	vadd.f32 v24, v8;
	v18 =	vmul.bf16 v35, v18;
	v35 =	vor.u32 v4, v38;
	v31 =	vld.idx.msk [tilespmem:v31+s13+$0x0], $0xffff  }
0x1f5: {  	v7 =	vmul.bf16 v33, v7;
	v11 =	vor.u32 v4, v28;
	v15 =	vmul.bf16 v23, v15;
	v38 =	vld.idx.msk [tilespmem:v25+s12+$0x0], $0xffff  }
0x1f6: {  	v10 =	vadd.f32 v32, v10;
	s4 =	sadd.s32 $0xFFFFFFFC, s19;
	v33 =	vor.u32 v4, v16;
	v18 =	vadd.bf16 v18, v22;
	v28 =	vld.idx.msk [tilespmem:v25+s13+$0x0], $0xffff  }
0x1f7: {  	v7 =	vadd.bf16 v7, v14;
	v16 =	vadd.s32 s4, v0;
	s4 =	sadd.s32 $0xFFFFFFFE, s19;
	v15 =	vadd.bf16 v3, v15;
	v23 =	vld.idx.msk [tilespmem:v30+s13+$0x0], $0xffff  }
0x1f8: {  	v12 =	vunpack.i.l.bf16.f32 v12;
	v14 =	vadd.s32 s4, v0;
	v13 =	vadd.bf16 v36, v13;
	v17 =	vld.idx.msk [tilespmem:v17+s12+$0x0], $0xffff  }
0x1f9: {  	v7 =	vadd.bf16 v19, v7;
	v24 =	vand.u32 $0x3F, v16;
	v14 =	vand.u32 $0x3F, v14;
	v16 =	vld.idx.msk [tilespmem:v35+s13+$0x0], $0xffff  }
0x1fa: {  	v8 =	vadd.f32 v12, v8;
	v19 =	vmul.bf16 v31, v21;
	v21 =	vor.u32 v4, v14;
	v30 =	vld.idx.msk [tilespmem:v20+s12+$0x0], $0xffff  }
0x1fb: {  	v12 =	vunpack.i.u.bf16.f32 v7;
	v7 =	vunpack.i.l.bf16.f32 v7;
	v25 =	vunpack.i.l.bf16.f32 v13;
	v22 =	vld.idx.msk [tilespmem:v34+s12+$0x0], $0xffff  }
.Ltmp10:
0x1fc: {  	v8 =	vadd.f32 v7, v8;
	v31 =	vunpack.i.u.bf16.f32 v13;
	v15 =	vadd.bf16 v19, v15;
	v20 =	vld.idx.msk [tilespmem:v35+s12+$0x0], $0xffff;
	(pc) =	sbr.rel @p1 .LBB2_22-.Ltmp10, $4  }
0x1fd: {  	v10 =	vadd.f32 v12, v10;
	v19 =	vor.u32 v4, v24;
	v13 =	vmul.bf16 v23, v27;
	v14 =	vld.idx.msk [tilespmem:v33+s12+$0x0], $0xffff  }
0x1fe: {  	v8 =	vadd.f32 v25, v8;
	v23 =	vor.u32 v4, v29;
	v24 =	vmul.bf16 v37, v17;
	v7 =	vld.idx.msk [tilespmem:v11+s12+$0x0], $0xffff  }
0x1ff: {  	v10 =	vadd.f32 v31, v10;
	v12 =	vmul.bf16 v28, v38;
	v25 =	vadd.bf16 v13, v18;
	v13 =	vld.idx.msk [tilespmem:v21+s12+$0x0], $0xffff  }
0x200: {  	s19 =	sadd.s32 $0x10, s19;
	v18 =	vmul.bf16 v26, v30;
	v17 =	vld.idx.msk [tilespmem:v33+s13+$0x0], $0xffff  }
0x201: {  	_ =	sdelay $0x2  }
0x202: {  	v6 =	vadd.s32 s0, v0  }
0x203: {  	v5 =	vld.idx.msk [tilespmem:v21+s13+$0x0], $0xffff;
	v6 =	vand.u32 $0x3F, v6  }
0x204: {  	v50 =	vld.idx.msk [tilespmem:v19+s13+$0x0], $0xffff;
	v4 =	vor.u32 v4, v6  }
0x205: {  	v51 =	vld.idx.msk [tilespmem:v23+s12+$0x0], $0xffff  }
0x206: {  	v11 =	vld.idx.msk [tilespmem:v11+s13+$0x0], $0xffff  }
0x207: {  	v52 =	vld.idx.msk [tilespmem:v19+s12+$0x0], $0xffff;
	v9 =	vmul.bf16 v9, v22  }
0x208: {  	v53 =	vld.idx.msk [tilespmem:v23+s13+$0x0], $0xffff;
	v54 =	vadd.bf16 v24, v25;
	v16 =	vmul.bf16 v16, v20  }
0x209: {  	v15 =	vadd.bf16 v18, v15;
	v9 =	vadd.bf16 v3, v9;
	v14 =	vmul.bf16 v17, v14;
	v55 =	vld.idx.msk [tilespmem:v4+s12+$0x0], $0xffff  }
0x20a: {  	v16 =	vadd.bf16 v3, v16;
	v56 =	vunpack.i.u.bf16.f32 v54;
	v59 =	vunpack.i.l.bf16.f32 v54;
	v4 =	vld.idx.msk [tilespmem:v4+s13+$0x0], $0xffff  }
0x20b: {  	v5 =	vmul.bf16 v5, v13;
	v7 =	vmul.bf16 v11, v7;
	v9 =	vadd.bf16 v14, v9  }
0x20c: {  	v58 =	vadd.bf16 v12, v15;
	v10 =	vadd.f32 v56, v10;
	v57 =	vmul.bf16 v50, v52  }
0x20d: {  	v6 =	vmul.bf16 v53, v51;
	v5 =	vadd.bf16 v5, v16;
	v7 =	vadd.bf16 v7, v9  }
0x20e: {  	v61 =	vadd.f32 v59, v8;
	v60 =	vunpack.i.u.bf16.f32 v58;
	v62 =	vunpack.i.l.bf16.f32 v58  }
0x20f: {  	v5 =	vadd.bf16 v6, v5;
	v7 =	vadd.bf16 v57, v7;
	v4 =	vmul.bf16 v4, v55  }
0x210: {  	v9 =	vadd.f32 v60, v10;
	v6 =	vadd.f32 v62, v61  }
0x211: {  	v4 =	vadd.bf16 v4, v5;
	v5 =	vunpack.i.u.bf16.f32 v7;
	v7 =	vunpack.i.l.bf16.f32 v7  }
0x212: {  	s1 =	sadd.s32 $0x1, s1;
	v6 =	vadd.f32 v7, v6;
	v5 =	vadd.f32 v5, v9  }
0x213: {  	p1 =	sne.s32 s1, $0x5;
	v63 =	vunpack.i.l.bf16.f32 v4;
	v4 =	vunpack.i.u.bf16.f32 v4  }
.Ltmp11:
0x214: {  	v6 =	vadd.f32 v63, v6;
	v4 =	vadd.f32 v4, v5;
	(pc) =	sbr.rel @p1 .LBB2_21-.Ltmp11, $3  }
0x215: {  	_ = 	snop  }
0x216: {  	v4 =	vadd.f32 v4, v6;
	_ =	sdelay $0x1  }
0x217: {  	[tilespmem:s15+$0x114E0] =	vst v4  }
0x218: {  	s0 =	rddreg [dreg:$0x6];
	s1 =	simm.s32 $0xEE20  }
0x219: {  	[hbm4b:s0+s3] =	stream.linear.scatter [tilespmem:s1], [sflag:$0x5], $0x2710, $0x38;
	[tilespmem:$0x1B170] =	vst v63  }
0x21a: {  	_ =	swait.ge [sflag:s9], $0x2710  }
0x21b: {  	s31 =	sadd.s32 $0x1, s31;
	s30 =	rddreg [dreg:$0x7]  }
0x21c: {  	p1 =	sne.s32 s31, s30  }
.Ltmp12:
0x21d: {  	_ = 	snop;
	(pc) =	sbr.rel @p1 .LBB2_1-.Ltmp12, $3  }
0x21e: {  	_ =	sdelay $0x1  }
0x21f: {  	[sflag:s9] =	ssyncset.done $0x0  }
0x220: {  	[sflag:s9] =	ssyncadd.s32 $0xFFFFD8F0  }
0x221: {  	_ =	sfence.sel $0x180000  }
0x222: {  	[bflag:$0x0] =	sbarrier.arrive $0xFFFF  }
0x223: {  	_ =	strace $0x90000047  }
0x224: {  	[bflag:$0x2] =	sbarrier.arrive $0xFFFF  }
0x225: {  	s0 =	rddreg [dreg:$0x3]  }
0x226: {  	s0 =	sadd.s32 @!p0 $0x100000, s0  }
0x227: {  	[sflag:s0] =	ssyncadd.tile.s32 @!p0 $0x1;
	_ =	shalt  }
.Lfunc_end2:
_tile_overlayer_lowered:
.L_overlay_start_2:
0x228: {  	(tag) =	ssettag $0x2  }
0x229: {  	s0 =	rddreg [dreg:$0x0];
	s2 =	stileid.u32  }
0x22a: {  	s1 =	rddreg [dreg:$0x1];
	p0 =	sne.s32 s2, $0x0  }
0x22b: {  	s3 =	rddreg [dreg:$0x2];
	[bflag:$0x3] =	sbarrier.arrive $0xFFFF;
	s2 =	simm.s32 @!p0 $0x1C05  }
0x22c: {  	[timem:s3], [sflag:s2] =	dma.local @!p0 [hbm:s0], s1  }
0x22d: {  	s0 =	simm.s32 @!p0 $0x5  }
0x22e: {  	_ =	swait.ge @!p0 [sflag:s0], s1  }
0x22f: {  	s1 =	ssub.s32 @!p0 $0x0, s1;
	[sflag:s0] =	ssyncset.done @!p0 $0x0  }
0x230: {  	[sflag:s0] =	ssyncadd.s32 @!p0 s1  }
0x231: {  	[bflag:$0x3] =	sbarrier.arrive $0xFFFF  }
0x232: {  	_ =	shalt  }

</sc_bundles>
